<compile_context>
chip_gen: v7x
topology: tpu7x:2x2x1
jax: 0.10.2.dev20260603
libtpu: 0.0.44.dev20260713+nightly
codegen_flags: <defaults>
</compile_context>

<pallas_src>
import functools

import jax
import jax.numpy as jnp
from jax import lax
from jax.experimental import pallas as pl
from jax.experimental.pallas import tpu as pltpu
from jax.experimental.pallas import tpu_sc as plsc

B, S, H, E, K = 4, 4096, 768, 64, 2
T = B * S
BM = 128
R = T * K + E * BM
NBLK = R // BM
BT = 1024

NC, NS = 2, 16
NW = NC * NS
GCH = 64


def _router_body(x_ref, gwt_ref, gb_ref, logits_ref, idx_ref, w_ref):
    xb = x_ref[...]
    logits = lax.dot_general(xb, gwt_ref[...], (((1,), (0,)), ((), ())),
                             preferred_element_type=jnp.float32)
    logits = logits + gb_ref[...]
    logits_ref[...] = logits
    ids = lax.broadcasted_iota(jnp.int32, logits.shape, 1)
    m1 = jnp.max(logits, axis=1, keepdims=True)
    i1 = jnp.min(jnp.where(logits == m1, ids, E), axis=1, keepdims=True)
    masked = jnp.where(ids == i1, -jnp.inf, logits)
    m2 = jnp.max(masked, axis=1, keepdims=True)
    i2 = jnp.min(jnp.where(masked == m2, ids, E), axis=1, keepdims=True)
    w1 = 1.0 / (1.0 + jnp.exp(m2 - m1))
    idx_ref[...] = jnp.concatenate([i1, i2], axis=1)
    w_ref[...] = jnp.concatenate([w1, 1.0 - w1], axis=1)


def _router(hidden, gate_w, gate_b):
    return pl.pallas_call(
        _router_body,
        grid=(T // BT,),
        in_specs=[
            pl.BlockSpec((BT, H), lambda i: (i, 0)),
            pl.BlockSpec((H, E), lambda i: (0, 0)),
            pl.BlockSpec((1, E), lambda i: (0, 0)),
        ],
        out_specs=[
            pl.BlockSpec((BT, E), lambda i: (i, 0)),
            pl.BlockSpec((BT, K), lambda i: (i, 0)),
            pl.BlockSpec((BT, K), lambda i: (i, 0)),
        ],
        out_shape=[
            jax.ShapeDtypeStruct((T, E), jnp.float32),
            jax.ShapeDtypeStruct((T, K), jnp.int32),
            jax.ShapeDtypeStruct((T, K), jnp.float32),
        ],
    )(hidden, gate_w.T, gate_b.reshape(1, E))


RCH = 2048
NRCH = (T * K) // RCH


def _rank_body(ids_ref, poff_ref, dest_ref, carry_ref):
    @pl.when(pl.program_id(0) == 0)
    def _():
        carry_ref[...] = jnp.zeros_like(carry_ref)
    ids = ids_ref[...]
    cols = lax.broadcasted_iota(jnp.int32, (RCH, E), 1)
    oh = (ids == cols).astype(jnp.int32)
    c = oh
    d = 1
    while d < RCH:
        c = c + jnp.concatenate(
            [jnp.zeros((d, E), jnp.int32), c[:RCH - d]], axis=0)
        d *= 2
    base = carry_ref[...] + poff_ref[...] - 1
    dest_ref[...] = jnp.sum((c + base) * oh, axis=1, keepdims=True)
    carry_ref[...] = carry_ref[...] + c[RCH - 1:RCH, :]


def _pair_dests(flat_e, poff):
    return pl.pallas_call(
        _rank_body,
        grid=(NRCH,),
        in_specs=[pl.BlockSpec((RCH, 1), lambda i: (i, 0)),
                  pl.BlockSpec((1, E), lambda i: (0, 0))],
        out_specs=pl.BlockSpec((RCH, 1), lambda i: (i, 0)),
        out_shape=jax.ShapeDtypeStruct((T * K, 1), jnp.int32),
        scratch_shapes=[pltpu.VMEM((1, E), jnp.int32)],
        compiler_params=pltpu.CompilerParams(
            dimension_semantics=("arbitrary",)),
    )(flat_e.reshape(T * K, 1), poff.reshape(1, E))


def _sc_worker_id():
    return lax.axis_index("s") * NC + lax.axis_index("c")


@functools.partial(
    pl.kernel,
    out_type=(jax.ShapeDtypeStruct((R, H), jnp.float32),
              jax.ShapeDtypeStruct((R,), jnp.float32)),
    mesh=plsc.VectorSubcoreMesh(core_axis_name="c", subcore_axis_name="s"),
    scratch_types=[
        pltpu.VMEM((GCH,), jnp.int32),
        pltpu.VMEM((GCH,), jnp.int32),
        pltpu.VMEM((GCH,), jnp.float32),
        pltpu.VMEM((GCH,), jnp.float32),
        pltpu.VMEM((GCH, H), jnp.float32),
        pltpu.SemaphoreType.DMA,
        pltpu.SemaphoreType.DMA,
        pltpu.SemaphoreType.DMA,
        pltpu.SemaphoreType.DMA,
    ],
)
def _sc_dispatch(hid_hbm, d0_hbm, d1_hbm, w0_hbm, w1_hbm,
                 xs_hbm, ws_hbm, i0_v, i1_v, w0_v, w1_v, buf_v,
                 sem0, sem1, sem2, sem3):
    base = _sc_worker_id() * (T // NW)
    def body(i, carry):
        b = base + i * GCH
        pltpu.sync_copy(d0_hbm.at[pl.ds(b, GCH)], i0_v)
        pltpu.sync_copy(d1_hbm.at[pl.ds(b, GCH)], i1_v)
        pltpu.sync_copy(w0_hbm.at[pl.ds(b, GCH)], w0_v)
        pltpu.sync_copy(w1_hbm.at[pl.ds(b, GCH)], w1_v)
        pltpu.sync_copy(hid_hbm.at[pl.ds(b, GCH)], buf_v)
        c0 = pltpu.async_copy(buf_v, xs_hbm.at[i0_v], sem0)
        c1 = pltpu.async_copy(buf_v, xs_hbm.at[i1_v], sem1)
        c2 = pltpu.async_copy(w0_v, ws_hbm.at[i0_v], sem2)
        c3 = pltpu.async_copy(w1_v, ws_hbm.at[i1_v], sem3)
        c0.wait()
        c1.wait()
        c2.wait()
        c3.wait()
        return carry
    lax.fori_loop(0, (T // NW) // GCH, body, 0)


def _gemm_body(be_ref, xs_ref, ew_ref, eb_ref, ws_ref, out_ref):
    acc = lax.dot_general(xs_ref[...].astype(jnp.bfloat16),
                          ew_ref[0].astype(jnp.bfloat16),
                          (((1,), (1,)), ((), ())),
                          preferred_element_type=jnp.float32)
    out_ref[...] = (acc + eb_ref[0]) * ws_ref[...]


def _grouped_gemm(x_sorted, expert_w, expert_b, w_sorted, blk_e):
    grid_spec = pltpu.PrefetchScalarGridSpec(
        num_scalar_prefetch=1,
        grid=(NBLK,),
        in_specs=[
            pl.BlockSpec((BM, H), lambda i, be: (i, 0)),
            pl.BlockSpec((1, H, H), lambda i, be: (be[i], 0, 0)),
            pl.BlockSpec((1, 1, H), lambda i, be: (be[i], 0, 0)),
            pl.BlockSpec((BM, 1), lambda i, be: (i, 0)),
        ],
        out_specs=pl.BlockSpec((BM, H), lambda i, be: (i, 0)),
    )
    return pl.pallas_call(
        _gemm_body,
        grid_spec=grid_spec,
        out_shape=jax.ShapeDtypeStruct((R, H), jnp.float32),
    )(blk_e, x_sorted, expert_w, expert_b.reshape(E, 1, H),
      w_sorted.reshape(R, 1))


@functools.partial(
    pl.kernel,
    out_type=jax.ShapeDtypeStruct((T, H), jnp.float32),
    mesh=plsc.VectorSubcoreMesh(core_axis_name="c", subcore_axis_name="s"),
    scratch_types=[
        pltpu.VMEM((GCH,), jnp.int32),
        pltpu.VMEM((GCH,), jnp.int32),
        pltpu.VMEM((GCH, H), jnp.float32),
        pltpu.VMEM((GCH, H), jnp.float32),
        pltpu.SemaphoreType.DMA,
        pltpu.SemaphoreType.DMA,
    ],
)
def _sc_gather_pairs(outs_hbm, p0_hbm, p1_hbm, fin_hbm,
                     i0_v, i1_v, b0_v, b1_v, sem0, sem1):
    base = _sc_worker_id() * (T // NW)
    def body(i, carry):
        b = base + i * GCH
        pltpu.sync_copy(p0_hbm.at[pl.ds(b, GCH)], i0_v)
        pltpu.sync_copy(p1_hbm.at[pl.ds(b, GCH)], i1_v)
        c0 = pltpu.async_copy(outs_hbm.at[i0_v], b0_v, sem0)
        c1 = pltpu.async_copy(outs_hbm.at[i1_v], b1_v, sem1)
        c0.wait()
        c1.wait()
        def row_add(r, carry2):
            for h in range(H // 16):
                sl = pl.ds(h * 16, 16)
                b0_v[r, sl] = b0_v[r, sl] + b1_v[r, sl]
            return carry2
        lax.fori_loop(0, GCH, row_add, 0)
        pltpu.sync_copy(b0_v, fin_hbm.at[pl.ds(b, GCH)])
        return carry
    lax.fori_loop(0, (T // NW) // GCH, body, 0)


def _add_body(a_ref, b_ref, o_ref):
    o_ref[...] = a_ref[...] + b_ref[...]


def _combine_add(g0, g1):
    return pl.pallas_call(
        _add_body,
        grid=(T // BT,),
        in_specs=[pl.BlockSpec((BT, H), lambda i: (i, 0)),
                  pl.BlockSpec((BT, H), lambda i: (i, 0))],
        out_specs=pl.BlockSpec((BT, H), lambda i: (i, 0)),
        out_shape=jax.ShapeDtypeStruct((T, H), jnp.float32),
    )(g0, g1)


def kernel(x, gate_w, gate_b, expert_w, expert_b):
    hidden = x.reshape(T, H)
    logits, top_idx, top_w = _router(hidden, gate_w, gate_b)

    flat_e = top_idx.reshape(-1)
    counts = jnp.zeros((E,), jnp.int32).at[flat_e].add(1)
    padded = ((counts + BM - 1) // BM) * BM
    cpad = jnp.cumsum(padded)
    poff = cpad - padded
    d2 = _pair_dests(flat_e, poff).reshape(T, K)
    p0 = d2[:, 0]
    p1 = d2[:, 1]
    w0 = top_w[:, 0]
    w1 = top_w[:, 1]
    blk_start = jnp.arange(NBLK, dtype=jnp.int32) * BM
    blk_e = jnp.minimum(
        jnp.sum((blk_start[:, None] >= cpad[None, :]).astype(jnp.int32),
                axis=1),
        E - 1).astype(jnp.int32)

    x_sorted, w_sorted = _sc_dispatch(hidden, p0, p1, w0, w1)
    out_sorted = _grouped_gemm(x_sorted, expert_w, expert_b, w_sorted, blk_e)
    final = _sc_gather_pairs(out_sorted, p0, p1)
    return final.reshape(B, S, H), logits

# --- scband reference (transcript-rebuilt; emitter-appended) ---
"""Pipeline reference for scband-sparse-expert-64123861729522 (READ-ONLY COPY).

The authoritative reference and input builder live on the scoring server;
editing this copy changes nothing except your own understanding.
"""

import jax, jax.numpy as jnp
import numpy as np

B, S, H, E, TOPK = 4, 4096, 768, 64, 2

def setup_inputs(seed: int = 0) -> dict:
    key = jax.random.key(seed)
    ks = jax.random.split(key, 5)
    x = jax.random.normal(ks[0], (B, S, H), dtype=jnp.float32)
    gate_w = jax.random.normal(ks[1], (E, H), dtype=jnp.float32) * 0.02
    gate_b = jnp.zeros((E,), dtype=jnp.float32)
    expert_w = jax.random.normal(ks[2], (E, H, H), dtype=jnp.float32) * 0.02
    expert_b = jnp.zeros((E, H), dtype=jnp.float32)
    return {"x": x, "gate_w": gate_w, "gate_b": gate_b, "expert_w": expert_w, "expert_b": expert_b}

def reference(x, gate_w, gate_b, expert_w, expert_b):
    b, s, h = x.shape
    hidden = x.reshape(-1, h)                      # [T, H]
    # MOERounter
    router_logits = hidden @ gate_w.T + gate_b     # [T, E]
    router_probs = jax.nn.softmax(router_logits, axis=-1)
    router_weights, selected_experts = jax.lax.top_k(router_probs, TOPK)  # [T, k]
    router_weights = router_weights / jnp.sum(router_weights, axis=-1, keepdims=True)
    router_weights = router_weights.astype(x.dtype)
    # expert_mask one_hot [T, k, E] permuted to [E, k, T]
    final = jnp.zeros_like(hidden)
    for e in range(E):
        mask_kT = (selected_experts == e).T        # [k, T] == expert_mask[e]
        weight_T = jnp.sum(router_weights.T * mask_kT, axis=0)  # [T]
        cur_out = hidden @ expert_w[e].T + expert_b[e]
        cur_out = cur_out * weight_T[:, None]
        final = final + cur_out
    final = final.reshape(b, s, h)
    return (final, router_logits)

if __name__ == "__main__":
    import jax
    _d = setup_inputs()
    print(jax.jit(kernel)(*tuple(_d.values())))

</pallas_src>

<mosaic_0001>
#map = affine_map<(d0, d1) -> (0, 0)>
#map1 = affine_map<(d0, d1) -> (0)>
module attributes {stable_mosaic.version = 14 : i64} {
  func.func @_sc_dispatch(%arg0: i32, %arg1: i32, %arg2: memref<16384x768xf32, #tpu.memory_space<hbm>>, %arg3: memref<16384xi32, #tpu.memory_space<hbm>>, %arg4: memref<16384xi32, #tpu.memory_space<hbm>>, %arg5: memref<16384xf32, #tpu.memory_space<hbm>>, %arg6: memref<16384xf32, #tpu.memory_space<hbm>>, %arg7: memref<40960x768xf32, #tpu.memory_space<hbm>>, %arg8: memref<40960xf32, #tpu.memory_space<hbm>>, %arg9: memref<64xi32, #tpu.memory_space<vmem>>, %arg10: memref<64xi32, #tpu.memory_space<vmem>>, %arg11: memref<64xf32, #tpu.memory_space<vmem>>, %arg12: memref<64xf32, #tpu.memory_space<vmem>>, %arg13: memref<64x768xf32, #tpu.memory_space<vmem>>, %arg14: memref<!tpu.dma_semaphore, #tpu.memory_space<semaphore_mem>>, %arg15: memref<!tpu.dma_semaphore, #tpu.memory_space<semaphore_mem>>, %arg16: memref<!tpu.dma_semaphore, #tpu.memory_space<semaphore_mem>>, %arg17: memref<!tpu.dma_semaphore, #tpu.memory_space<semaphore_mem>>) attributes {dimension_semantics = [#tpu.dimension_semantics<core_parallel>, #tpu.dimension_semantics<subcore_parallel>], iteration_bounds = array<i64: 2, 16>, scalar_prefetch = 0 : i64, scratch_operands = 9 : i64, tpu.core_type = #tpu.core_type<sc_vector_subcore>, window_params = [{transform_indices = #map}, {transform_indices = #map1}, {transform_indices = #map1}, {transform_indices = #map1}, {transform_indices = #map1}, {transform_indices = #map}, {transform_indices = #map1}]} {
    %mul3A = arith.constant 2 : i32
    %mul3A_0 = arith.muli %arg1, %mul3A : i32
    %add3A = arith.addi %mul3A_0, %arg0 : i32
    %mul3A_1 = arith.constant 512 : i32
    %mul3A_2 = arith.muli %add3A, %mul3A_1 : i32
    %scan3A = arith.constant 0 : i32
    %scan3A_3 = arith.constant 0 : i32
    %scan3A_4 = arith.constant 8 : i32
    %scan3A_5 = arith.addi %scan3A_3, %scan3A_4 : i32
    %scan3A_6 = arith.constant 1 : i32
    scf.for %scan3A_8 = %scan3A_3 to %scan3A_5 step %scan3A_6  : i32 {
      %mul3A_9 = arith.constant 64 : i32
      %mul3A_10 = arith.muli %scan3A_8, %mul3A_9 : i32
      %add3A_11 = arith.addi %mul3A_2, %mul3A_10 : i32
      "tpu.region"() ({
        %run_scoped3A = tpu.sem_alloc : memref<!tpu.dma_semaphore, #tpu.memory_space<semaphore_mem>>
        %dma_start3A_30 = tpu.memref_slice %arg3[%add3A_11] : memref<16384xi32, #tpu.memory_space<hbm>> -> memref<64xi32, #tpu.memory_space<hbm>>
        %dma_start3A_31 = tpu.memref_slice %arg3[%add3A_11] : memref<16384xi32, #tpu.memory_space<hbm>> -> memref<64xi32, #tpu.memory_space<hbm>>
        tpu.enqueue_dma source(%dma_start3A_31 : memref<64xi32, #tpu.memory_space<hbm>>) target(%arg9 : memref<64xi32, #tpu.memory_space<vmem>>) target_semaphore(%run_scoped3A : memref<!tpu.dma_semaphore, #tpu.memory_space<semaphore_mem>>)
        %dma_wait3A_32 = tpu.memref_slice %arg3[%add3A_11] : memref<16384xi32, #tpu.memory_space<hbm>> -> memref<64xi32, #tpu.memory_space<hbm>>
        %dma_wait3A_33 = tpu.memref_slice %arg3[%add3A_11] : memref<16384xi32, #tpu.memory_space<hbm>> -> memref<64xi32, #tpu.memory_space<hbm>>
        tpu.wait_dma2 semaphore(%run_scoped3A : memref<!tpu.dma_semaphore, #tpu.memory_space<semaphore_mem>>) src(%dma_wait3A_33 : memref<64xi32, #tpu.memory_space<hbm>>) dst(%arg9 : memref<64xi32, #tpu.memory_space<vmem>>)
        tpu.yield
      }) : () -> ()
      "tpu.region"() ({
        %run_scoped3A = tpu.sem_alloc : memref<!tpu.dma_semaphore, #tpu.memory_space<semaphore_mem>>
        %dma_start3A_30 = tpu.memref_slice %arg4[%add3A_11] : memref<16384xi32, #tpu.memory_space<hbm>> -> memref<64xi32, #tpu.memory_space<hbm>>
        %dma_start3A_31 = tpu.memref_slice %arg4[%add3A_11] : memref<16384xi32, #tpu.memory_space<hbm>> -> memref<64xi32, #tpu.memory_space<hbm>>
        tpu.enqueue_dma source(%dma_start3A_31 : memref<64xi32, #tpu.memory_space<hbm>>) target(%arg10 : memref<64xi32, #tpu.memory_space<vmem>>) target_semaphore(%run_scoped3A : memref<!tpu.dma_semaphore, #tpu.memory_space<semaphore_mem>>)
        %dma_wait3A_32 = tpu.memref_slice %arg4[%add3A_11] : memref<16384xi32, #tpu.memory_space<hbm>> -> memref<64xi32, #tpu.memory_space<hbm>>
        %dma_wait3A_33 = tpu.memref_slice %arg4[%add3A_11] : memref<16384xi32, #tpu.memory_space<hbm>> -> memref<64xi32, #tpu.memory_space<hbm>>
        tpu.wait_dma2 semaphore(%run_scoped3A : memref<!tpu.dma_semaphore, #tpu.memory_space<semaphore_mem>>) src(%dma_wait3A_33 : memref<64xi32, #tpu.memory_space<hbm>>) dst(%arg10 : memref<64xi32, #tpu.memory_space<vmem>>)
        tpu.yield
      }) : () -> ()
      "tpu.region"() ({
        %run_scoped3A = tpu.sem_alloc : memref<!tpu.dma_semaphore, #tpu.memory_space<semaphore_mem>>
        %dma_start3A_30 = tpu.memref_slice %arg5[%add3A_11] : memref<16384xf32, #tpu.memory_space<hbm>> -> memref<64xf32, #tpu.memory_space<hbm>>
        %dma_start3A_31 = tpu.memref_slice %arg5[%add3A_11] : memref<16384xf32, #tpu.memory_space<hbm>> -> memref<64xf32, #tpu.memory_space<hbm>>
        tpu.enqueue_dma source(%dma_start3A_31 : memref<64xf32, #tpu.memory_space<hbm>>) target(%arg11 : memref<64xf32, #tpu.memory_space<vmem>>) target_semaphore(%run_scoped3A : memref<!tpu.dma_semaphore, #tpu.memory_space<semaphore_mem>>)
        %dma_wait3A_32 = tpu.memref_slice %arg5[%add3A_11] : memref<16384xf32, #tpu.memory_space<hbm>> -> memref<64xf32, #tpu.memory_space<hbm>>
        %dma_wait3A_33 = tpu.memref_slice %arg5[%add3A_11] : memref<16384xf32, #tpu.memory_space<hbm>> -> memref<64xf32, #tpu.memory_space<hbm>>
        tpu.wait_dma2 semaphore(%run_scoped3A : memref<!tpu.dma_semaphore, #tpu.memory_space<semaphore_mem>>) src(%dma_wait3A_33 : memref<64xf32, #tpu.memory_space<hbm>>) dst(%arg11 : memref<64xf32, #tpu.memory_space<vmem>>)
        tpu.yield
      }) : () -> ()
      "tpu.region"() ({
        %run_scoped3A = tpu.sem_alloc : memref<!tpu.dma_semaphore, #tpu.memory_space<semaphore_mem>>
        %dma_start3A_30 = tpu.memref_slice %arg6[%add3A_11] : memref<16384xf32, #tpu.memory_space<hbm>> -> memref<64xf32, #tpu.memory_space<hbm>>
        %dma_start3A_31 = tpu.memref_slice %arg6[%add3A_11] : memref<16384xf32, #tpu.memory_space<hbm>> -> memref<64xf32, #tpu.memory_space<hbm>>
        tpu.enqueue_dma source(%dma_start3A_31 : memref<64xf32, #tpu.memory_space<hbm>>) target(%arg12 : memref<64xf32, #tpu.memory_space<vmem>>) target_semaphore(%run_scoped3A : memref<!tpu.dma_semaphore, #tpu.memory_space<semaphore_mem>>)
        %dma_wait3A_32 = tpu.memref_slice %arg6[%add3A_11] : memref<16384xf32, #tpu.memory_space<hbm>> -> memref<64xf32, #tpu.memory_space<hbm>>
        %dma_wait3A_33 = tpu.memref_slice %arg6[%add3A_11] : memref<16384xf32, #tpu.memory_space<hbm>> -> memref<64xf32, #tpu.memory_space<hbm>>
        tpu.wait_dma2 semaphore(%run_scoped3A : memref<!tpu.dma_semaphore, #tpu.memory_space<semaphore_mem>>) src(%dma_wait3A_33 : memref<64xf32, #tpu.memory_space<hbm>>) dst(%arg12 : memref<64xf32, #tpu.memory_space<vmem>>)
        tpu.yield
      }) : () -> ()
      "tpu.region"() ({
        %run_scoped3A = tpu.sem_alloc : memref<!tpu.dma_semaphore, #tpu.memory_space<semaphore_mem>>
        %dma_start3A_30 = arith.constant 0 : i32
        %dma_start3A_31 = tpu.memref_slice %arg2[%add3A_11, %dma_start3A_30] : memref<16384x768xf32, #tpu.memory_space<hbm>> -> memref<64x768xf32, #tpu.memory_space<hbm>>
        %dma_start3A_32 = arith.constant 0 : i32
        %dma_start3A_33 = tpu.memref_slice %arg2[%add3A_11, %dma_start3A_32] : memref<16384x768xf32, #tpu.memory_space<hbm>> -> memref<64x768xf32, #tpu.memory_space<hbm>>
        tpu.enqueue_dma source(%dma_start3A_33 : memref<64x768xf32, #tpu.memory_space<hbm>>) target(%arg13 : memref<64x768xf32, #tpu.memory_space<vmem>>) target_semaphore(%run_scoped3A : memref<!tpu.dma_semaphore, #tpu.memory_space<semaphore_mem>>)
        %dma_wait3A_34 = arith.constant 0 : i32
        %dma_wait3A_35 = tpu.memref_slice %arg2[%add3A_11, %dma_wait3A_34] : memref<16384x768xf32, #tpu.memory_space<hbm>> -> memref<64x768xf32, #tpu.memory_space<hbm>>
        %dma_wait3A_36 = arith.constant 0 : i32
        %dma_wait3A_37 = tpu.memref_slice %arg2[%add3A_11, %dma_wait3A_36] : memref<16384x768xf32, #tpu.memory_space<hbm>> -> memref<64x768xf32, #tpu.memory_space<hbm>>
        tpu.wait_dma2 semaphore(%run_scoped3A : memref<!tpu.dma_semaphore, #tpu.memory_space<semaphore_mem>>) src(%dma_wait3A_37 : memref<64x768xf32, #tpu.memory_space<hbm>>) dst(%arg13 : memref<64x768xf32, #tpu.memory_space<vmem>>)
        tpu.yield
      }) : () -> ()
      %dma_start3A = arith.constant 0 : i32
      %dma_start3A_12 = arith.constant 0 : i32
      %dma_start3A_13 = tpu.memref_slice %arg7[%dma_start3A, %dma_start3A_12] : memref<40960x768xf32, #tpu.memory_space<hbm>> -> memref<40960x768xf32, #tpu.memory_space<hbm>>
      tpu.enqueue_indirect_dma source(%arg13 : memref<64x768xf32, #tpu.memory_space<vmem>>) target(%dma_start3A_13 : memref<40960x768xf32, #tpu.memory_space<hbm>>) offsets(%arg9 : memref<64xi32, #tpu.memory_space<vmem>>) semaphore(%arg14 : memref<!tpu.dma_semaphore, #tpu.memory_space<semaphore_mem>>)
      %dma_start3A_14 = arith.constant 0 : i32
      %dma_start3A_15 = arith.constant 0 : i32
      %dma_start3A_16 = tpu.memref_slice %arg7[%dma_start3A_14, %dma_start3A_15] : memref<40960x768xf32, #tpu.memory_space<hbm>> -> memref<40960x768xf32, #tpu.memory_space<hbm>>
      tpu.enqueue_indirect_dma source(%arg13 : memref<64x768xf32, #tpu.memory_space<vmem>>) target(%dma_start3A_16 : memref<40960x768xf32, #tpu.memory_space<hbm>>) offsets(%arg10 : memref<64xi32, #tpu.memory_space<vmem>>) semaphore(%arg15 : memref<!tpu.dma_semaphore, #tpu.memory_space<semaphore_mem>>)
      %dma_start3A_17 = arith.constant 0 : i32
      %dma_start3A_18 = tpu.memref_slice %arg8[%dma_start3A_17] : memref<40960xf32, #tpu.memory_space<hbm>> -> memref<40960xf32, #tpu.memory_space<hbm>>
      tpu.enqueue_indirect_dma source(%arg11 : memref<64xf32, #tpu.memory_space<vmem>>) target(%dma_start3A_18 : memref<40960xf32, #tpu.memory_space<hbm>>) offsets(%arg9 : memref<64xi32, #tpu.memory_space<vmem>>) semaphore(%arg16 : memref<!tpu.dma_semaphore, #tpu.memory_space<semaphore_mem>>)
      %dma_start3A_19 = arith.constant 0 : i32
      %dma_start3A_20 = tpu.memref_slice %arg8[%dma_start3A_19] : memref<40960xf32, #tpu.memory_space<hbm>> -> memref<40960xf32, #tpu.memory_space<hbm>>
      tpu.enqueue_indirect_dma source(%arg12 : memref<64xf32, #tpu.memory_space<vmem>>) target(%dma_start3A_20 : memref<40960xf32, #tpu.memory_space<hbm>>) offsets(%arg10 : memref<64xi32, #tpu.memory_space<vmem>>) semaphore(%arg17 : memref<!tpu.dma_semaphore, #tpu.memory_space<semaphore_mem>>)
      %dma_wait3A = arith.constant 0 : i32
      %dma_wait3A_21 = arith.constant 0 : i32
      %dma_wait3A_22 = tpu.memref_slice %arg7[%dma_wait3A, %dma_wait3A_21] : memref<40960x768xf32, #tpu.memory_space<hbm>> -> memref<40960x768xf32, #tpu.memory_space<hbm>>
      tpu.wait_indirect_dma semaphore(%arg14 : memref<!tpu.dma_semaphore, #tpu.memory_space<semaphore_mem>>) src(%arg13 : memref<64x768xf32, #tpu.memory_space<vmem>>) dst(%dma_wait3A_22 : memref<40960x768xf32, #tpu.memory_space<hbm>>)
      %dma_wait3A_23 = arith.constant 0 : i32
      %dma_wait3A_24 = arith.constant 0 : i32
      %dma_wait3A_25 = tpu.memref_slice %arg7[%dma_wait3A_23, %dma_wait3A_24] : memref<40960x768xf32, #tpu.memory_space<hbm>> -> memref<40960x768xf32, #tpu.memory_space<hbm>>
      tpu.wait_indirect_dma semaphore(%arg15 : memref<!tpu.dma_semaphore, #tpu.memory_space<semaphore_mem>>) src(%arg13 : memref<64x768xf32, #tpu.memory_space<vmem>>) dst(%dma_wait3A_25 : memref<40960x768xf32, #tpu.memory_space<hbm>>)
      %dma_wait3A_26 = arith.constant 0 : i32
      %dma_wait3A_27 = tpu.memref_slice %arg8[%dma_wait3A_26] : memref<40960xf32, #tpu.memory_space<hbm>> -> memref<40960xf32, #tpu.memory_space<hbm>>
      tpu.wait_indirect_dma semaphore(%arg16 : memref<!tpu.dma_semaphore, #tpu.memory_space<semaphore_mem>>) src(%arg11 : memref<64xf32, #tpu.memory_space<vmem>>) dst(%dma_wait3A_27 : memref<40960xf32, #tpu.memory_space<hbm>>)
      %dma_wait3A_28 = arith.constant 0 : i32
      %dma_wait3A_29 = tpu.memref_slice %arg8[%dma_wait3A_28] : memref<40960xf32, #tpu.memory_space<hbm>> -> memref<40960xf32, #tpu.memory_space<hbm>>
      tpu.wait_indirect_dma semaphore(%arg17 : memref<!tpu.dma_semaphore, #tpu.memory_space<semaphore_mem>>) src(%arg12 : memref<64xf32, #tpu.memory_space<vmem>>) dst(%dma_wait3A_29 : memref<40960xf32, #tpu.memory_space<hbm>>)
    }
    %scan3A_7 = arith.constant 8 : i32
    return
  }
}

#map = affine_map<(d0, d1) -> (0, 0)>
#map1 = affine_map<(d0, d1) -> (0)>
module attributes {stable_mosaic.version = 14 : i64} {
  func.func @_sc_gather_pairs(%arg0: i32, %arg1: i32, %arg2: memref<40960x768xf32, #tpu.memory_space<hbm>>, %arg3: memref<16384xi32, #tpu.memory_space<hbm>>, %arg4: memref<16384xi32, #tpu.memory_space<hbm>>, %arg5: memref<16384x768xf32, #tpu.memory_space<hbm>>, %arg6: memref<64xi32, #tpu.memory_space<vmem>>, %arg7: memref<64xi32, #tpu.memory_space<vmem>>, %arg8: memref<64x768xf32, #tpu.memory_space<vmem>>, %arg9: memref<64x768xf32, #tpu.memory_space<vmem>>, %arg10: memref<!tpu.dma_semaphore, #tpu.memory_space<semaphore_mem>>, %arg11: memref<!tpu.dma_semaphore, #tpu.memory_space<semaphore_mem>>) attributes {dimension_semantics = [#tpu.dimension_semantics<core_parallel>, #tpu.dimension_semantics<subcore_parallel>], iteration_bounds = array<i64: 2, 16>, scalar_prefetch = 0 : i64, scratch_operands = 6 : i64, tpu.core_type = #tpu.core_type<sc_vector_subcore>, window_params = [{transform_indices = #map}, {transform_indices = #map1}, {transform_indices = #map1}, {transform_indices = #map}]} {
    %mul3A = arith.constant 2 : i32
    %mul3A_0 = arith.muli %arg1, %mul3A : i32
    %add3A = arith.addi %mul3A_0, %arg0 : i32
    %mul3A_1 = arith.constant 512 : i32
    %mul3A_2 = arith.muli %add3A, %mul3A_1 : i32
    %scan3A = arith.constant 0 : i32
    %scan3A_3 = arith.constant 0 : i32
    %scan3A_4 = arith.constant 8 : i32
    %scan3A_5 = arith.addi %scan3A_3, %scan3A_4 : i32
    %scan3A_6 = arith.constant 1 : i32
    scf.for %scan3A_8 = %scan3A_3 to %scan3A_5 step %scan3A_6  : i32 {
      %mul3A_9 = arith.constant 64 : i32
      %mul3A_10 = arith.muli %scan3A_8, %mul3A_9 : i32
      %add3A_11 = arith.addi %mul3A_2, %mul3A_10 : i32
      "tpu.region"() ({
        %run_scoped3A = tpu.sem_alloc : memref<!tpu.dma_semaphore, #tpu.memory_space<semaphore_mem>>
        %dma_start3A_28 = tpu.memref_slice %arg3[%add3A_11] : memref<16384xi32, #tpu.memory_space<hbm>> -> memref<64xi32, #tpu.memory_space<hbm>>
        %dma_start3A_29 = tpu.memref_slice %arg3[%add3A_11] : memref<16384xi32, #tpu.memory_space<hbm>> -> memref<64xi32, #tpu.memory_space<hbm>>
        tpu.enqueue_dma source(%dma_start3A_29 : memref<64xi32, #tpu.memory_space<hbm>>) target(%arg6 : memref<64xi32, #tpu.memory_space<vmem>>) target_semaphore(%run_scoped3A : memref<!tpu.dma_semaphore, #tpu.memory_space<semaphore_mem>>)
        %dma_wait3A_30 = tpu.memref_slice %arg3[%add3A_11] : memref<16384xi32, #tpu.memory_space<hbm>> -> memref<64xi32, #tpu.memory_space<hbm>>
        %dma_wait3A_31 = tpu.memref_slice %arg3[%add3A_11] : memref<16384xi32, #tpu.memory_space<hbm>> -> memref<64xi32, #tpu.memory_space<hbm>>
        tpu.wait_dma2 semaphore(%run_scoped3A : memref<!tpu.dma_semaphore, #tpu.memory_space<semaphore_mem>>) src(%dma_wait3A_31 : memref<64xi32, #tpu.memory_space<hbm>>) dst(%arg6 : memref<64xi32, #tpu.memory_space<vmem>>)
        tpu.yield
      }) : () -> ()
      "tpu.region"() ({
        %run_scoped3A = tpu.sem_alloc : memref<!tpu.dma_semaphore, #tpu.memory_space<semaphore_mem>>
        %dma_start3A_28 = tpu.memref_slice %arg4[%add3A_11] : memref<16384xi32, #tpu.memory_space<hbm>> -> memref<64xi32, #tpu.memory_space<hbm>>
        %dma_start3A_29 = tpu.memref_slice %arg4[%add3A_11] : memref<16384xi32, #tpu.memory_space<hbm>> -> memref<64xi32, #tpu.memory_space<hbm>>
        tpu.enqueue_dma source(%dma_start3A_29 : memref<64xi32, #tpu.memory_space<hbm>>) target(%arg7 : memref<64xi32, #tpu.memory_space<vmem>>) target_semaphore(%run_scoped3A : memref<!tpu.dma_semaphore, #tpu.memory_space<semaphore_mem>>)
        %dma_wait3A_30 = tpu.memref_slice %arg4[%add3A_11] : memref<16384xi32, #tpu.memory_space<hbm>> -> memref<64xi32, #tpu.memory_space<hbm>>
        %dma_wait3A_31 = tpu.memref_slice %arg4[%add3A_11] : memref<16384xi32, #tpu.memory_space<hbm>> -> memref<64xi32, #tpu.memory_space<hbm>>
        tpu.wait_dma2 semaphore(%run_scoped3A : memref<!tpu.dma_semaphore, #tpu.memory_space<semaphore_mem>>) src(%dma_wait3A_31 : memref<64xi32, #tpu.memory_space<hbm>>) dst(%arg7 : memref<64xi32, #tpu.memory_space<vmem>>)
        tpu.yield
      }) : () -> ()
      %dma_start3A = arith.constant 0 : i32
      %dma_start3A_12 = arith.constant 0 : i32
      %dma_start3A_13 = tpu.memref_slice %arg2[%dma_start3A, %dma_start3A_12] : memref<40960x768xf32, #tpu.memory_space<hbm>> -> memref<40960x768xf32, #tpu.memory_space<hbm>>
      tpu.enqueue_indirect_dma source(%dma_start3A_13 : memref<40960x768xf32, #tpu.memory_space<hbm>>) target(%arg8 : memref<64x768xf32, #tpu.memory_space<vmem>>) offsets(%arg6 : memref<64xi32, #tpu.memory_space<vmem>>) semaphore(%arg10 : memref<!tpu.dma_semaphore, #tpu.memory_space<semaphore_mem>>)
      %dma_start3A_14 = arith.constant 0 : i32
      %dma_start3A_15 = arith.constant 0 : i32
      %dma_start3A_16 = tpu.memref_slice %arg2[%dma_start3A_14, %dma_start3A_15] : memref<40960x768xf32, #tpu.memory_space<hbm>> -> memref<40960x768xf32, #tpu.memory_space<hbm>>
      tpu.enqueue_indirect_dma source(%dma_start3A_16 : memref<40960x768xf32, #tpu.memory_space<hbm>>) target(%arg9 : memref<64x768xf32, #tpu.memory_space<vmem>>) offsets(%arg7 : memref<64xi32, #tpu.memory_space<vmem>>) semaphore(%arg11 : memref<!tpu.dma_semaphore, #tpu.memory_space<semaphore_mem>>)
      %dma_wait3A = arith.constant 0 : i32
      %dma_wait3A_17 = arith.constant 0 : i32
      %dma_wait3A_18 = tpu.memref_slice %arg2[%dma_wait3A, %dma_wait3A_17] : memref<40960x768xf32, #tpu.memory_space<hbm>> -> memref<40960x768xf32, #tpu.memory_space<hbm>>
      tpu.wait_indirect_dma semaphore(%arg10 : memref<!tpu.dma_semaphore, #tpu.memory_space<semaphore_mem>>) src(%dma_wait3A_18 : memref<40960x768xf32, #tpu.memory_space<hbm>>) dst(%arg8 : memref<64x768xf32, #tpu.memory_space<vmem>>)
      %dma_wait3A_19 = arith.constant 0 : i32
      %dma_wait3A_20 = arith.constant 0 : i32
      %dma_wait3A_21 = tpu.memref_slice %arg2[%dma_wait3A_19, %dma_wait3A_20] : memref<40960x768xf32, #tpu.memory_space<hbm>> -> memref<40960x768xf32, #tpu.memory_space<hbm>>
      tpu.wait_indirect_dma semaphore(%arg11 : memref<!tpu.dma_semaphore, #tpu.memory_space<semaphore_mem>>) src(%dma_wait3A_21 : memref<40960x768xf32, #tpu.memory_space<hbm>>) dst(%arg9 : memref<64x768xf32, #tpu.memory_space<vmem>>)
      %scan3A_22 = arith.constant 0 : i32
      %scan3A_23 = arith.constant 0 : i32
      %scan3A_24 = arith.constant 64 : i32
      %scan3A_25 = arith.addi %scan3A_23, %scan3A_24 : i32
      %scan3A_26 = arith.constant 1 : i32
      scf.for %scan3A_28 = %scan3A_23 to %scan3A_25 step %scan3A_26  : i32 {
        %get3A = arith.index_cast %scan3A_28 : i32 to index
        %get3A_29 = arith.constant 0 : index
        %get3A_30 = tpu.vector_load %arg8[%get3A, %get3A_29] {strides = array<i32>} : memref<64x768xf32, #tpu.memory_space<vmem>>, vector<1x16xf32>,
        %get3A_31 = vector.shape_cast %get3A_30 : vector<1x16xf32> to vector<16xf32>
        %get3A_32 = arith.index_cast %scan3A_28 : i32 to index
        %get3A_33 = arith.constant 0 : index
        %get3A_34 = tpu.vector_load %arg9[%get3A_32, %get3A_33] {strides = array<i32>} : memref<64x768xf32, #tpu.memory_space<vmem>>, vector<1x16xf32>,
        %get3A_35 = vector.shape_cast %get3A_34 : vector<1x16xf32> to vector<16xf32>
        %add3A_36 = arith.addf %get3A_31, %get3A_35 : vector<16xf32>
        %swap3A = arith.index_cast %scan3A_28 : i32 to index
        %swap3A_37 = arith.constant 0 : index
        %swap3A_38 = tpu.vector_load %arg8[%swap3A, %swap3A_37] {strides = array<i32>} : memref<64x768xf32, #tpu.memory_space<vmem>>, vector<1x16xf32>,
        %swap3A_39 = vector.shape_cast %swap3A_38 : vector<1x16xf32> to vector<16xf32>
        %swap3A_40 = vector.shape_cast %add3A_36 : vector<16xf32> to vector<1x16xf32>
        tpu.vector_store %arg8[%swap3A, %swap3A_37], %swap3A_40 {strides = array<i32>} : memref<64x768xf32, #tpu.memory_space<vmem>>, vector<1x16xf32>,
        %get3A_41 = arith.index_cast %scan3A_28 : i32 to index
        %get3A_42 = arith.constant 16 : index
        %get3A_43 = tpu.vector_load %arg8[%get3A_41, %get3A_42] {strides = array<i32>} : memref<64x768xf32, #tpu.memory_space<vmem>>, vector<1x16xf32>,
        %get3A_44 = vector.shape_cast %get3A_43 : vector<1x16xf32> to vector<16xf32>
        %get3A_45 = arith.index_cast %scan3A_28 : i32 to index
        %get3A_46 = arith.constant 16 : index
        %get3A_47 = tpu.vector_load %arg9[%get3A_45, %get3A_46] {strides = array<i32>} : memref<64x768xf32, #tpu.memory_space<vmem>>, vector<1x16xf32>,
        %get3A_48 = vector.shape_cast %get3A_47 : vector<1x16xf32> to vector<16xf32>
        %add3A_49 = arith.addf %get3A_44, %get3A_48 : vector<16xf32>
        %swap3A_50 = arith.index_cast %scan3A_28 : i32 to index
        %swap3A_51 = arith.constant 16 : index
        %swap3A_52 = tpu.vector_load %arg8[%swap3A_50, %swap3A_51] {strides = array<i32>} : memref<64x768xf32, #tpu.memory_space<vmem>>, vector<1x16xf32>,
        %swap3A_53 = vector.shape_cast %swap3A_52 : vector<1x16xf32> to vector<16xf32>
        %swap3A_54 = vector.shape_cast %add3A_49 : vector<16xf32> to vector<1x16xf32>
        tpu.vector_store %arg8[%swap3A_50, %swap3A_51], %swap3A_54 {strides = array<i32>} : memref<64x768xf32, #tpu.memory_space<vmem>>, vector<1x16xf32>,
        %get3A_55 = arith.index_cast %scan3A_28 : i32 to index
        %get3A_56 = arith.constant 32 : index
        %get3A_57 = tpu.vector_load %arg8[%get3A_55, %get3A_56] {strides = array<i32>} : memref<64x768xf32, #tpu.memory_space<vmem>>, vector<1x16xf32>,
        %get3A_58 = vector.shape_cast %get3A_57 : vector<1x16xf32> to vector<16xf32>
        %get3A_59 = arith.index_cast %scan3A_28 : i32 to index
        %get3A_60 = arith.constant 32 : index
        %get3A_61 = tpu.vector_load %arg9[%get3A_59, %get3A_60] {strides = array<i32>} : memref<64x768xf32, #tpu.memory_space<vmem>>, vector<1x16xf32>,
        %get3A_62 = vector.shape_cast %get3A_61 : vector<1x16xf32> to vector<16xf32>
        %add3A_63 = arith.addf %get3A_58, %get3A_62 : vector<16xf32>
        %swap3A_64 = arith.index_cast %scan3A_28 : i32 to index
        %swap3A_65 = arith.constant 32 : index
        %swap3A_66 = tpu.vector_load %arg8[%swap3A_64, %swap3A_65] {strides = array<i32>} : memref<64x768xf32, #tpu.memory_space<vmem>>, vector<1x16xf32>,
        %swap3A_67 = vector.shape_cast %swap3A_66 : vector<1x16xf32> to vector<16xf32>
        %swap3A_68 = vector.shape_cast %add3A_63 : vector<16xf32> to vector<1x16xf32>
        tpu.vector_store %arg8[%swap3A_64, %swap3A_65], %swap3A_68 {strides = array<i32>} : memref<64x768xf32, #tpu.memory_space<vmem>>, vector<1x16xf32>,
        %get3A_69 = arith.index_cast %scan3A_28 : i32 to index
        %get3A_70 = arith.constant 48 : index
        %get3A_71 = tpu.vector_load %arg8[%get3A_69, %get3A_70] {strides = array<i32>} : memref<64x768xf32, #tpu.memory_space<vmem>>, vector<1x16xf32>,
        %get3A_72 = vector.shape_cast %get3A_71 : vector<1x16xf32> to vector<16xf32>
        %get3A_73 = arith.index_cast %scan3A_28 : i32 to index
        %get3A_74 = arith.constant 48 : index
        %get3A_75 = tpu.vector_load %arg9[%get3A_73, %get3A_74] {strides = array<i32>} : memref<64x768xf32, #tpu.memory_space<vmem>>, vector<1x16xf32>,
        %get3A_76 = vector.shape_cast %get3A_75 : vector<1x16xf32> to vector<16xf32>
        %add3A_77 = arith.addf %get3A_72, %get3A_76 : vector<16xf32>
        %swap3A_78 = arith.index_cast %scan3A_28 : i32 to index
        %swap3A_79 = arith.constant 48 : index
        %swap3A_80 = tpu.vector_load %arg8[%swap3A_78, %swap3A_79] {strides = array<i32>} : memref<64x768xf32, #tpu.memory_space<vmem>>, vector<1x16xf32>,
        %swap3A_81 = vector.shape_cast %swap3A_80 : vector<1x16xf32> to vector<16xf32>
        %swap3A_82 = vector.shape_cast %add3A_77 : vector<16xf32> to vector<1x16xf32>
        tpu.vector_store %arg8[%swap3A_78, %swap3A_79], %swap3A_82 {strides = array<i32>} : memref<64x768xf32, #tpu.memory_space<vmem>>, vector<1x16xf32>,
        %get3A_83 = arith.index_cast %scan3A_28 : i32 to index
        %get3A_84 = arith.constant 64 : index
        %get3A_85 = tpu.vector_load %arg8[%get3A_83, %get3A_84] {strides = array<i32>} : memref<64x768xf32, #tpu.memory_space<vmem>>, vector<1x16xf32>,
        %get3A_86 = vector.shape_cast %get3A_85 : vector<1x16xf32> to vector<16xf32>
        %get3A_87 = arith.index_cast %scan3A_28 : i32 to index
        %get3A_88 = arith.constant 64 : index
        %get3A_89 = tpu.vector_load %arg9[%get3A_87, %get3A_88] {strides = array<i32>} : memref<64x768xf32, #tpu.memory_space<vmem>>, vector<1x16xf32>,
        %get3A_90 = vector.shape_cast %get3A_89 : vector<1x16xf32> to vector<16xf32>
        %add3A_91 = arith.addf %get3A_86, %get3A_90 : vector<16xf32>
        %swap3A_92 = arith.index_cast %scan3A_28 : i32 to index
        %swap3A_93 = arith.constant 64 : index
        %swap3A_94 = tpu.vector_load %arg8[%swap3A_92, %swap3A_93] {strides = array<i32>} : memref<64x768xf32, #tpu.memory_space<vmem>>, vector<1x16xf32>,
        %swap3A_95 = vector.shape_cast %swap3A_94 : vector<1x16xf32> to vector<16xf32>
        %swap3A_96 = vector.shape_cast %add3A_91 : vector<16xf32> to vector<1x16xf32>
        tpu.vector_store %arg8[%swap3A_92, %swap3A_93], %swap3A_96 {strides = array<i32>} : memref<64x768xf32, #tpu.memory_space<vmem>>, vector<1x16xf32>,
        %get3A_97 = arith.index_cast %scan3A_28 : i32 to index
        %get3A_98 = arith.constant 80 : index
        %get3A_99 = tpu.vector_load %arg8[%get3A_97, %get3A_98] {strides = array<i32>} : memref<64x768xf32, #tpu.memory_space<vmem>>, vector<1x16xf32>,
        %get3A_100 = vector.shape_cast %get3A_99 : vector<1x16xf32> to vector<16xf32>
        %get3A_101 = arith.index_cast %scan3A_28 : i32 to index
        %get3A_102 = arith.constant 80 : index
        %get3A_103 = tpu.vector_load %arg9[%get3A_101, %get3A_102] {strides = array<i32>} : memref<64x768xf32, #tpu.memory_space<vmem>>, vector<1x16xf32>,
        %get3A_104 = vector.shape_cast %get3A_103 : vector<1x16xf32> to vector<16xf32>
        %add3A_105 = arith.addf %get3A_100, %get3A_104 : vector<16xf32>
        %swap3A_106 = arith.index_cast %scan3A_28 : i32 to index
        %swap3A_107 = arith.constant 80 : index
        %swap3A_108 = tpu.vector_load %arg8[%swap3A_106, %swap3A_107] {strides = array<i32>} : memref<64x768xf32, #tpu.memory_space<vmem>>, vector<1x16xf32>,
        %swap3A_109 = vector.shape_cast %swap3A_108 : vector<1x16xf32> to vector<16xf32>
        %swap3A_110 = vector.shape_cast %add3A_105 : vector<16xf32> to vector<1x16xf32>
        tpu.vector_store %arg8[%swap3A_106, %swap3A_107], %swap3A_110 {strides = array<i32>} : memref<64x768xf32, #tpu.memory_space<vmem>>, vector<1x16xf32>,
        %get3A_111 = arith.index_cast %scan3A_28 : i32 to index
        %get3A_112 = arith.constant 96 : index
        %get3A_113 = tpu.vector_load %arg8[%get3A_111, %get3A_112] {strides = array<i32>} : memref<64x768xf32, #tpu.memory_space<vmem>>, vector<1x16xf32>,
        %get3A_114 = vector.shape_cast %get3A_113 : vector<1x16xf32> to vector<16xf32>
        %get3A_115 = arith.index_cast %scan3A_28 : i32 to index
        %get3A_116 = arith.constant 96 : index
        %get3A_117 = tpu.vector_load %arg9[%get3A_115, %get3A_116] {strides = array<i32>} : memref<64x768xf32, #tpu.memory_space<vmem>>, vector<1x16xf32>,
        %get3A_118 = vector.shape_cast %get3A_117 : vector<1x16xf32> to vector<16xf32>
        %add3A_119 = arith.addf %get3A_114, %get3A_118 : vector<16xf32>
        %swap3A_120 = arith.index_cast %scan3A_28 : i32 to index
        %swap3A_121 = arith.constant 96 : index
        %swap3A_122 = tpu.vector_load %arg8[%swap3A_120, %swap3A_121] {strides = array<i32>} : memref<64x768xf32, #tpu.memory_space<vmem>>, vector<1x16xf32>,
        %swap3A_123 = vector.shape_cast %swap3A_122 : vector<1x16xf32> to vector<16xf32>
        %swap3A_124 = vector.shape_cast %add3A_119 : vector<16xf32> to vector<1x16xf32>
        tpu.vector_store %arg8[%swap3A_120, %swap3A_121], %swap3A_124 {strides = array<i32>} : memref<64x768xf32, #tpu.memory_space<vmem>>, vector<1x16xf32>,
        %get3A_125 = arith.index_cast %scan3A_28 : i32 to index
        %get3A_126 = arith.constant 112 : index
        %get3A_127 = tpu.vector_load %arg8[%get3A_125, %get3A_126] {strides = array<i32>} : memref<64x768xf32, #tpu.memory_space<vmem>>, vector<1x16xf32>,
        %get3A_128 = vector.shape_cast %get3A_127 : vector<1x16xf32> to vector<16xf32>
        %get3A_129 = arith.index_cast %scan3A_28 : i32 to index
        %get3A_130 = arith.constant 112 : index
        %get3A_131 = tpu.vector_load %arg9[%get3A_129, %get3A_130] {strides = array<i32>} : memref<64x768xf32, #tpu.memory_space<vmem>>, vector<1x16xf32>,
        %get3A_132 = vector.shape_cast %get3A_131 : vector<1x16xf32> to vector<16xf32>
        %add3A_133 = arith.addf %get3A_128, %get3A_132 : vector<16xf32>
        %swap3A_134 = arith.index_cast %scan3A_28 : i32 to index
        %swap3A_135 = arith.constant 112 : index
        %swap3A_136 = tpu.vector_load %arg8[%swap3A_134, %swap3A_135] {strides = array<i32>} : memref<64x768xf32, #tpu.memory_space<vmem>>, vector<1x16xf32>,
        %swap3A_137 = vector.shape_cast %swap3A_136 : vector<1x16xf32> to vector<16xf32>
        %swap3A_138 = vector.shape_cast %add3A_133 : vector<16xf32> to vector<1x16xf32>
        tpu.vector_store %arg8[%swap3A_134, %swap3A_135], %swap3A_138 {strides = array<i32>} : memref<64x768xf32, #tpu.memory_space<vmem>>, vector<1x16xf32>,
        %get3A_139 = arith.index_cast %scan3A_28 : i32 to index
        %get3A_140 = arith.constant 128 : index
        %get3A_141 = tpu.vector_load %arg8[%get3A_139, %get3A_140] {strides = array<i32>} : memref<64x768xf32, #tpu.memory_space<vmem>>, vector<1x16xf32>,
        %get3A_142 = vector.shape_cast %get3A_141 : vector<1x16xf32> to vector<16xf32>
        %get3A_143 = arith.index_cast %scan3A_28 : i32 to index
        %get3A_144 = arith.constant 128 : index
        %get3A_145 = tpu.vector_load %arg9[%get3A_143, %get3A_144] {strides = array<i32>} : memref<64x768xf32, #tpu.memory_space<vmem>>, vector<1x16xf32>,
        %get3A_146 = vector.shape_cast %get3A_145 : vector<1x16xf32> to vector<16xf32>
        %add3A_147 = arith.addf %get3A_142, %get3A_146 : vector<16xf32>
        %swap3A_148 = arith.index_cast %scan3A_28 : i32 to index
        %swap3A_149 = arith.constant 128 : index
        %swap3A_150 = tpu.vector_load %arg8[%swap3A_148, %swap3A_149] {strides = array<i32>} : memref<64x768xf32, #tpu.memory_space<vmem>>, vector<1x16xf32>,
        %swap3A_151 = vector.shape_cast %swap3A_150 : vector<1x16xf32> to vector<16xf32>
        %swap3A_152 = vector.shape_cast %add3A_147 : vector<16xf32> to vector<1x16xf32>
        tpu.vector_store %arg8[%swap3A_148, %swap3A_149], %swap3A_152 {strides = array<i32>} : memref<64x768xf32, #tpu.memory_space<vmem>>, vector<1x16xf32>,
        %get3A_153 = arith.index_cast %scan3A_28 : i32 to index
        %get3A_154 = arith.constant 144 : index
        %get3A_155 = tpu.vector_load %arg8[%get3A_153, %get3A_154] {strides = array<i32>} : memref<64x768xf32, #tpu.memory_space<vmem>>, vector<1x16xf32>,
        %get3A_156 = vector.shape_cast %get3A_155 : vector<1x16xf32> to vector<16xf32>
        %get3A_157 = arith.index_cast %scan3A_28 : i32 to index
        %get3A_158 = arith.constant 144 : index
        %get3A_159 = tpu.vector_load %arg9[%get3A_157, %get3A_158] {strides = array<i32>} : memref<64x768xf32, #tpu.memory_space<vmem>>, vector<1x16xf32>,
        %get3A_160 = vector.shape_cast %get3A_159 : vector<1x16xf32> to vector<16xf32>
        %add3A_161 = arith.addf %get3A_156, %get3A_160 : vector<16xf32>
        %swap3A_162 = arith.index_cast %scan3A_28 : i32 to index
        %swap3A_163 = arith.constant 144 : index
        %swap3A_164 = tpu.vector_load %arg8[%swap3A_162, %swap3A_163] {strides = array<i32>} : memref<64x768xf32, #tpu.memory_space<vmem>>, vector<1x16xf32>,
        %swap3A_165 = vector.shape_cast %swap3A_164 : vector<1x16xf32> to vector<16xf32>
        %swap3A_166 = vector.shape_cast %add3A_161 : vector<16xf32> to vector<1x16xf32>
        tpu.vector_store %arg8[%swap3A_162, %swap3A_163], %swap3A_166 {strides = array<i32>} : memref<64x768xf32, #tpu.memory_space<vmem>>, vector<1x16xf32>,
        %get3A_167 = arith.index_cast %scan3A_28 : i32 to index
        %get3A_168 = arith.constant 160 : index
        %get3A_169 = tpu.vector_load %arg8[%get3A_167, %get3A_168] {strides = array<i32>} : memref<64x768xf32, #tpu.memory_space<vmem>>, vector<1x16xf32>,
        %get3A_170 = vector.shape_cast %get3A_169 : vector<1x16xf32> to vector<16xf32>
        %get3A_171 = arith.index_cast %scan3A_28 : i32 to index
        %get3A_172 = arith.constant 160 : index
        %get3A_173 = tpu.vector_load %arg9[%get3A_171, %get3A_172] {strides = array<i32>} : memref<64x768xf32, #tpu.memory_space<vmem>>, vector<1x16xf32>,
        %get3A_174 = vector.shape_cast %get3A_173 : vector<1x16xf32> to vector<16xf32>
        %add3A_175 = arith.addf %get3A_170, %get3A_174 : vector<16xf32>
        %swap3A_176 = arith.index_cast %scan3A_28 : i32 to index
        %swap3A_177 = arith.constant 160 : index
        %swap3A_178 = tpu.vector_load %arg8[%swap3A_176, %swap3A_177] {strides = array<i32>} : memref<64x768xf32, #tpu.memory_space<vmem>>, vector<1x16xf32>,
        %swap3A_179 = vector.shape_cast %swap3A_178 : vector<1x16xf32> to vector<16xf32>
        %swap3A_180 = vector.shape_cast %add3A_175 : vector<16xf32> to vector<1x16xf32>
        tpu.vector_store %arg8[%swap3A_176, %swap3A_177], %swap3A_180 {strides = array<i32>} : memref<64x768xf32, #tpu.memory_space<vmem>>, vector<1x16xf32>,
        %get3A_181 = arith.index_cast %scan3A_28 : i32 to index
        %get3A_182 = arith.constant 176 : index
        %get3A_183 = tpu.vector_load %arg8[%get3A_181, %get3A_182] {strides = array<i32>} : memref<64x768xf32, #tpu.memory_space<vmem>>, vector<1x16xf32>,
        %get3A_184 = vector.shape_cast %get3A_183 : vector<1x16xf32> to vector<16xf32>
        %get3A_185 = arith.index_cast %scan3A_28 : i32 to index
        %get3A_186 = arith.constant 176 : index
        %get3A_187 = tpu.vector_load %arg9[%get3A_185, %get3A_186] {strides = array<i32>} : memref<64x768xf32, #tpu.memory_space<vmem>>, vector<1x16xf32>,
        %get3A_188 = vector.shape_cast %get3A_187 : vector<1x16xf32> to vector<16xf32>
        %add3A_189 = arith.addf %get3A_184, %get3A_188 : vector<16xf32>
        %swap3A_190 = arith.index_cast %scan3A_28 : i32 to index
        %swap3A_191 = arith.constant 176 : index
        %swap3A_192 = tpu.vector_load %arg8[%swap3A_190, %swap3A_191] {strides = array<i32>} : memref<64x768xf32, #tpu.memory_space<vmem>>, vector<1x16xf32>,
        %swap3A_193 = vector.shape_cast %swap3A_192 : vector<1x16xf32> to vector<16xf32>
        %swap3A_194 = vector.shape_cast %add3A_189 : vector<16xf32> to vector<1x16xf32>
        tpu.vector_store %arg8[%swap3A_190, %swap3A_191], %swap3A_194 {strides = array<i32>} : memref<64x768xf32, #tpu.memory_space<vmem>>, vector<1x16xf32>,
        %get3A_195 = arith.index_cast %scan3A_28 : i32 to index
        %get3A_196 = arith.constant 192 : index
        %get3A_197 = tpu.vector_load %arg8[%get3A_195, %get3A_196] {strides = array<i32>} : memref<64x768xf32, #tpu.memory_space<vmem>>, vector<1x16xf32>,
        %get3A_198 = vector.shape_cast %get3A_197 : vector<1x16xf32> to vector<16xf32>
        %get3A_199 = arith.index_cast %scan3A_28 : i32 to index
        %get3A_200 = arith.constant 192 : index
        %get3A_201 = tpu.vector_load %arg9[%get3A_199, %get3A_200] {strides = array<i32>} : memref<64x768xf32, #tpu.memory_space<vmem>>, vector<1x16xf32>,
        %get3A_202 = vector.shape_cast %get3A_201 : vector<1x16xf32> to vector<16xf32>
        %add3A_203 = arith.addf %get3A_198, %get3A_202 : vector<16xf32>
        %swap3A_204 = arith.index_cast %scan3A_28 : i32 to index
        %swap3A_205 = arith.constant 192 : index
        %swap3A_206 = tpu.vector_load %arg8[%swap3A_204, %swap3A_205] {strides = array<i32>} : memref<64x768xf32, #tpu.memory_space<vmem>>, vector<1x16xf32>,
        %swap3A_207 = vector.shape_cast %swap3A_206 : vector<1x16xf32> to vector<16xf32>
        %swap3A_208 = vector.shape_cast %add3A_203 : vector<16xf32> to vector<1x16xf32>
        tpu.vector_store %arg8[%swap3A_204, %swap3A_205], %swap3A_208 {strides = array<i32>} : memref<64x768xf32, #tpu.memory_space<vmem>>, vector<1x16xf32>,
        %get3A_209 = arith.index_cast %scan3A_28 : i32 to index
        %get3A_210 = arith.constant 208 : index
        %get3A_211 = tpu.vector_load %arg8[%get3A_209, %get3A_210] {strides = array<i32>} : memref<64x768xf32, #tpu.memory_space<vmem>>, vector<1x16xf32>,
        %get3A_212 = vector.shape_cast %get3A_211 : vector<1x16xf32> to vector<16xf32>
        %get3A_213 = arith.index_cast %scan3A_28 : i32 to index
        %get3A_214 = arith.constant 208 : index
        %get3A_215 = tpu.vector_load %arg9[%get3A_213, %get3A_214] {strides = array<i32>} : memref<64x768xf32, #tpu.memory_space<vmem>>, vector<1x16xf32>,
        %get3A_216 = vector.shape_cast %get3A_215 : vector<1x16xf32> to vector<16xf32>
        %add3A_217 = arith.addf %get3A_212, %get3A_216 : vector<16xf32>
        %swap3A_218 = arith.index_cast %scan3A_28 : i32 to index
        %swap3A_219 = arith.constant 208 : index
        %swap3A_220 = tpu.vector_load %arg8[%swap3A_218, %swap3A_219] {strides = array<i32>} : memref<64x768xf32, #tpu.memory_space<vmem>>, vector<1x16xf32>,
        %swap3A_221 = vector.shape_cast %swap3A_220 : vector<1x16xf32> to vector<16xf32>
        %swap3A_222 = vector.shape_cast %add3A_217 : vector<16xf32> to vector<1x16xf32>
        tpu.vector_store %arg8[%swap3A_218, %swap3A_219], %swap3A_222 {strides = array<i32>} : memref<64x768xf32, #tpu.memory_space<vmem>>, vector<1x16xf32>,
        %get3A_223 = arith.index_cast %scan3A_28 : i32 to index
        %get3A_224 = arith.constant 224 : index
        %get3A_225 = tpu.vector_load %arg8[%get3A_223, %get3A_224] {strides = array<i32>} : memref<64x768xf32, #tpu.memory_space<vmem>>, vector<1x16xf32>,
        %get3A_226 = vector.shape_cast %get3A_225 : vector<1x16xf32> to vector<16xf32>
        %get3A_227 = arith.index_cast %scan3A_28 : i32 to index
        %get3A_228 = arith.constant 224 : index
        %get3A_229 = tpu.vector_load %arg9[%get3A_227, %get3A_228] {strides = array<i32>} : memref<64x768xf32, #tpu.memory_space<vmem>>, vector<1x16xf32>,
        %get3A_230 = vector.shape_cast %get3A_229 : vector<1x16xf32> to vector<16xf32>
        %add3A_231 = arith.addf %get3A_226, %get3A_230 : vector<16xf32>
        %swap3A_232 = arith.index_cast %scan3A_28 : i32 to index
        %swap3A_233 = arith.constant 224 : index
        %swap3A_234 = tpu.vector_load %arg8[%swap3A_232, %swap3A_233] {strides = array<i32>} : memref<64x768xf32, #tpu.memory_space<vmem>>, vector<1x16xf32>,
        %swap3A_235 = vector.shape_cast %swap3A_234 : vector<1x16xf32> to vector<16xf32>
        %swap3A_236 = vector.shape_cast %add3A_231 : vector<16xf32> to vector<1x16xf32>
        tpu.vector_store %arg8[%swap3A_232, %swap3A_233], %swap3A_236 {strides = array<i32>} : memref<64x768xf32, #tpu.memory_space<vmem>>, vector<1x16xf32>,
        %get3A_237 = arith.index_cast %scan3A_28 : i32 to index
        %get3A_238 = arith.constant 240 : index
        %get3A_239 = tpu.vector_load %arg8[%get3A_237, %get3A_238] {strides = array<i32>} : memref<64x768xf32, #tpu.memory_space<vmem>>, vector<1x16xf32>,
        %get3A_240 = vector.shape_cast %get3A_239 : vector<1x16xf32> to vector<16xf32>
        %get3A_241 = arith.index_cast %scan3A_28 : i32 to index
        %get3A_242 = arith.constant 240 : index
        %get3A_243 = tpu.vector_load %arg9[%get3A_241, %get3A_242] {strides = array<i32>} : memref<64x768xf32, #tpu.memory_space<vmem>>, vector<1x16xf32>,
        %get3A_244 = vector.shape_cast %get3A_243 : vector<1x16xf32> to vector<16xf32>
        %add3A_245 = arith.addf %get3A_240, %get3A_244 : vector<16xf32>
        %swap3A_246 = arith.index_cast %scan3A_28 : i32 to index
        %swap3A_247 = arith.constant 240 : index
        %swap3A_248 = tpu.vector_load %arg8[%swap3A_246, %swap3A_247] {strides = array<i32>} : memref<64x768xf32, #tpu.memory_space<vmem>>, vector<1x16xf32>,
        %swap3A_249 = vector.shape_cast %swap3A_248 : vector<1x16xf32> to vector<16xf32>
        %swap3A_250 = vector.shape_cast %add3A_245 : vector<16xf32> to vector<1x16xf32>
        tpu.vector_store %arg8[%swap3A_246, %swap3A_247], %swap3A_250 {strides = array<i32>} : memref<64x768xf32, #tpu.memory_space<vmem>>, vector<1x16xf32>,
        %get3A_251 = arith.index_cast %scan3A_28 : i32 to index
        %get3A_252 = arith.constant 256 : index
        %get3A_253 = tpu.vector_load %arg8[%get3A_251, %get3A_252] {strides = array<i32>} : memref<64x768xf32, #tpu.memory_space<vmem>>, vector<1x16xf32>,
        %get3A_254 = vector.shape_cast %get3A_253 : vector<1x16xf32> to vector<16xf32>
        %get3A_255 = arith.index_cast %scan3A_28 : i32 to index
        %get3A_256 = arith.constant 256 : index
        %get3A_257 = tpu.vector_load %arg9[%get3A_255, %get3A_256] {strides = array<i32>} : memref<64x768xf32, #tpu.memory_space<vmem>>, vector<1x16xf32>,
        %get3A_258 = vector.shape_cast %get3A_257 : vector<1x16xf32> to vector<16xf32>
        %add3A_259 = arith.addf %get3A_254, %get3A_258 : vector<16xf32>
        %swap3A_260 = arith.index_cast %scan3A_28 : i32 to index
        %swap3A_261 = arith.constant 256 : index
        %swap3A_262 = tpu.vector_load %arg8[%swap3A_260, %swap3A_261] {strides = array<i32>} : memref<64x768xf32, #tpu.memory_space<vmem>>, vector<1x16xf32>,
        %swap3A_263 = vector.shape_cast %swap3A_262 : vector<1x16xf32> to vector<16xf32>
        %swap3A_264 = vector.shape_cast %add3A_259 : vector<16xf32> to vector<1x16xf32>
        tpu.vector_store %arg8[%swap3A_260, %swap3A_261], %swap3A_264 {strides = array<i32>} : memref<64x768xf32, #tpu.memory_space<vmem>>, vector<1x16xf32>,
        %get3A_265 = arith.index_cast %scan3A_28 : i32 to index
        %get3A_266 = arith.constant 272 : index
        %get3A_267 = tpu.vector_load %arg8[%get3A_265, %get3A_266] {strides = array<i32>} : memref<64x768xf32, #tpu.memory_space<vmem>>, vector<1x16xf32>,
        %get3A_268 = vector.shape_cast %get3A_267 : vector<1x16xf32> to vector<16xf32>
        %get3A_269 = arith.index_cast %scan3A_28 : i32 to index
        %get3A_270 = arith.constant 272 : index
        %get3A_271 = tpu.vector_load %arg9[%get3A_269, %get3A_270] {strides = array<i32>} : memref<64x768xf32, #tpu.memory_space<vmem>>, vector<1x16xf32>,
        %get3A_272 = vector.shape_cast %get3A_271 : vector<1x16xf32> to vector<16xf32>
        %add3A_273 = arith.addf %get3A_268, %get3A_272 : vector<16xf32>
        %swap3A_274 = arith.index_cast %scan3A_28 : i32 to index
        %swap3A_275 = arith.constant 272 : index
        %swap3A_276 = tpu.vector_load %arg8[%swap3A_274, %swap3A_275] {strides = array<i32>} : memref<64x768xf32, #tpu.memory_space<vmem>>, vector<1x16xf32>,
        %swap3A_277 = vector.shape_cast %swap3A_276 : vector<1x16xf32> to vector<16xf32>
        %swap3A_278 = vector.shape_cast %add3A_273 : vector<16xf32> to vector<1x16xf32>
        tpu.vector_store %arg8[%swap3A_274, %swap3A_275], %swap3A_278 {strides = array<i32>} : memref<64x768xf32, #tpu.memory_space<vmem>>, vector<1x16xf32>,
        %get3A_279 = arith.index_cast %scan3A_28 : i32 to index
        %get3A_280 = arith.constant 288 : index
        %get3A_281 = tpu.vector_load %arg8[%get3A_279, %get3A_280] {strides = array<i32>} : memref<64x768xf32, #tpu.memory_space<vmem>>, vector<1x16xf32>,
        %get3A_282 = vector.shape_cast %get3A_281 : vector<1x16xf32> to vector<16xf32>
        %get3A_283 = arith.index_cast %scan3A_28 : i32 to index
        %get3A_284 = arith.constant 288 : index
        %get3A_285 = tpu.vector_load %arg9[%get3A_283, %get3A_284] {strides = array<i32>} : memref<64x768xf32, #tpu.memory_space<vmem>>, vector<1x16xf32>,
        %get3A_286 = vector.shape_cast %get3A_285 : vector<1x16xf32> to vector<16xf32>
        %add3A_287 = arith.addf %get3A_282, %get3A_286 : vector<16xf32>
        %swap3A_288 = arith.index_cast %scan3A_28 : i32 to index
        %swap3A_289 = arith.constant 288 : index
        %swap3A_290 = tpu.vector_load %arg8[%swap3A_288, %swap3A_289] {strides = array<i32>} : memref<64x768xf32, #tpu.memory_space<vmem>>, vector<1x16xf32>,
        %swap3A_291 = vector.shape_cast %swap3A_290 : vector<1x16xf32> to vector<16xf32>
        %swap3A_292 = vector.shape_cast %add3A_287 : vector<16xf32> to vector<1x16xf32>
        tpu.vector_store %arg8[%swap3A_288, %swap3A_289], %swap3A_292 {strides = array<i32>} : memref<64x768xf32, #tpu.memory_space<vmem>>, vector<1x16xf32>,
        %get3A_293 = arith.index_cast %scan3A_28 : i32 to index
        %get3A_294 = arith.constant 304 : index
        %get3A_295 = tpu.vector_load %arg8[%get3A_293, %get3A_294] {strides = array<i32>} : memref<64x768xf32, #tpu.memory_space<vmem>>, vector<1x16xf32>,
        %get3A_296 = vector.shape_cast %get3A_295 : vector<1x16xf32> to vector<16xf32>
        %get3A_297 = arith.index_cast %scan3A_28 : i32 to index
        %get3A_298 = arith.constant 304 : index
        %get3A_299 = tpu.vector_load %arg9[%get3A_297, %get3A_298] {strides = array<i32>} : memref<64x768xf32, #tpu.memory_space<vmem>>, vector<1x16xf32>,
        %get3A_300 = vector.shape_cast %get3A_299 : vector<1x16xf32> to vector<16xf32>
        %add3A_301 = arith.addf %get3A_296, %get3A_300 : vector<16xf32>
        %swap3A_302 = arith.index_cast %scan3A_28 : i32 to index
        %swap3A_303 = arith.constant 304 : index
        %swap3A_304 = tpu.vector_load %arg8[%swap3A_302, %swap3A_303] {strides = array<i32>} : memref<64x768xf32, #tpu.memory_space<vmem>>, vector<1x16xf32>,
        %swap3A_305 = vector.shape_cast %swap3A_304 : vector<1x16xf32> to vector<16xf32>
        %swap3A_306 = vector.shape_cast %add3A_301 : vector<16xf32> to vector<1x16xf32>
        tpu.vector_store %arg8[%swap3A_302, %swap3A_303], %swap3A_306 {strides = array<i32>} : memref<64x768xf32, #tpu.memory_space<vmem>>, vector<1x16xf32>,
        %get3A_307 = arith.index_cast %scan3A_28 : i32 to index
        %get3A_308 = arith.constant 320 : index
        %get3A_309 = tpu.vector_load %arg8[%get3A_307, %get3A_308] {strides = array<i32>} : memref<64x768xf32, #tpu.memory_space<vmem>>, vector<1x16xf32>,
        %get3A_310 = vector.shape_cast %get3A_309 : vector<1x16xf32> to vector<16xf32>
        %get3A_311 = arith.index_cast %scan3A_28 : i32 to index
        %get3A_312 = arith.constant 320 : index
        %get3A_313 = tpu.vector_load %arg9[%get3A_311, %get3A_312] {strides = array<i32>} : memref<64x768xf32, #tpu.memory_space<vmem>>, vector<1x16xf32>,
        %get3A_314 = vector.shape_cast %get3A_313 : vector<1x16xf32> to vector<16xf32>
        %add3A_315 = arith.addf %get3A_310, %get3A_314 : vector<16xf32>
        %swap3A_316 = arith.index_cast %scan3A_28 : i32 to index
        %swap3A_317 = arith.constant 320 : index
        %swap3A_318 = tpu.vector_load %arg8[%swap3A_316, %swap3A_317] {strides = array<i32>} : memref<64x768xf32, #tpu.memory_space<vmem>>, vector<1x16xf32>,
        %swap3A_319 = vector.shape_cast %swap3A_318 : vector<1x16xf32> to vector<16xf32>
        %swap3A_320 = vector.shape_cast %add3A_315 : vector<16xf32> to vector<1x16xf32>
        tpu.vector_store %arg8[%swap3A_316, %swap3A_317], %swap3A_320 {strides = array<i32>} : memref<64x768xf32, #tpu.memory_space<vmem>>, vector<1x16xf32>,
        %get3A_321 = arith.index_cast %scan3A_28 : i32 to index
        %get3A_322 = arith.constant 336 : index
        %get3A_323 = tpu.vector_load %arg8[%get3A_321, %get3A_322] {strides = array<i32>} : memref<64x768xf32, #tpu.memory_space<vmem>>, vector<1x16xf32>,
        %get3A_324 = vector.shape_cast %get3A_323 : vector<1x16xf32> to vector<16xf32>
        %get3A_325 = arith.index_cast %scan3A_28 : i32 to index
        %get3A_326 = arith.constant 336 : index
        %get3A_327 = tpu.vector_load %arg9[%get3A_325, %get3A_326] {strides = array<i32>} : memref<64x768xf32, #tpu.memory_space<vmem>>, vector<1x16xf32>,
        %get3A_328 = vector.shape_cast %get3A_327 : vector<1x16xf32> to vector<16xf32>
        %add3A_329 = arith.addf %get3A_324, %get3A_328 : vector<16xf32>
        %swap3A_330 = arith.index_cast %scan3A_28 : i32 to index
        %swap3A_331 = arith.constant 336 : index
        %swap3A_332 = tpu.vector_load %arg8[%swap3A_330, %swap3A_331] {strides = array<i32>} : memref<64x768xf32, #tpu.memory_space<vmem>>, vector<1x16xf32>,
        %swap3A_333 = vector.shape_cast %swap3A_332 : vector<1x16xf32> to vector<16xf32>
        %swap3A_334 = vector.shape_cast %add3A_329 : vector<16xf32> to vector<1x16xf32>
        tpu.vector_store %arg8[%swap3A_330, %swap3A_331], %swap3A_334 {strides = array<i32>} : memref<64x768xf32, #tpu.memory_space<vmem>>, vector<1x16xf32>,
        %get3A_335 = arith.index_cast %scan3A_28 : i32 to index
        %get3A_336 = arith.constant 352 : index
        %get3A_337 = tpu.vector_load %arg8[%get3A_335, %get3A_336] {strides = array<i32>} : memref<64x768xf32, #tpu.memory_space<vmem>>, vector<1x16xf32>,
        %get3A_338 = vector.shape_cast %get3A_337 : vector<1x16xf32> to vector<16xf32>
        %get3A_339 = arith.index_cast %scan3A_28 : i32 to index
        %get3A_340 = arith.constant 352 : index
        %get3A_341 = tpu.vector_load %arg9[%get3A_339, %get3A_340] {strides = array<i32>} : memref<64x768xf32, #tpu.memory_space<vmem>>, vector<1x16xf32>,
        %get3A_342 = vector.shape_cast %get3A_341 : vector<1x16xf32> to vector<16xf32>
        %add3A_343 = arith.addf %get3A_338, %get3A_342 : vector<16xf32>
        %swap3A_344 = arith.index_cast %scan3A_28 : i32 to index
        %swap3A_345 = arith.constant 352 : index
        %swap3A_346 = tpu.vector_load %arg8[%swap3A_344, %swap3A_345] {strides = array<i32>} : memref<64x768xf32, #tpu.memory_space<vmem>>, vector<1x16xf32>,
        %swap3A_347 = vector.shape_cast %swap3A_346 : vector<1x16xf32> to vector<16xf32>
        %swap3A_348 = vector.shape_cast %add3A_343 : vector<16xf32> to vector<1x16xf32>
        tpu.vector_store %arg8[%swap3A_344, %swap3A_345], %swap3A_348 {strides = array<i32>} : memref<64x768xf32, #tpu.memory_space<vmem>>, vector<1x16xf32>,
        %get3A_349 = arith.index_cast %scan3A_28 : i32 to index
        %get3A_350 = arith.constant 368 : index
        %get3A_351 = tpu.vector_load %arg8[%get3A_349, %get3A_350] {strides = array<i32>} : memref<64x768xf32, #tpu.memory_space<vmem>>, vector<1x16xf32>,
        %get3A_352 = vector.shape_cast %get3A_351 : vector<1x16xf32> to vector<16xf32>
        %get3A_353 = arith.index_cast %scan3A_28 : i32 to index
        %get3A_354 = arith.constant 368 : index
        %get3A_355 = tpu.vector_load %arg9[%get3A_353, %get3A_354] {strides = array<i32>} : memref<64x768xf32, #tpu.memory_space<vmem>>, vector<1x16xf32>,
        %get3A_356 = vector.shape_cast %get3A_355 : vector<1x16xf32> to vector<16xf32>
        %add3A_357 = arith.addf %get3A_352, %get3A_356 : vector<16xf32>
        %swap3A_358 = arith.index_cast %scan3A_28 : i32 to index
        %swap3A_359 = arith.constant 368 : index
        %swap3A_360 = tpu.vector_load %arg8[%swap3A_358, %swap3A_359] {strides = array<i32>} : memref<64x768xf32, #tpu.memory_space<vmem>>, vector<1x16xf32>,
        %swap3A_361 = vector.shape_cast %swap3A_360 : vector<1x16xf32> to vector<16xf32>
        %swap3A_362 = vector.shape_cast %add3A_357 : vector<16xf32> to vector<1x16xf32>
        tpu.vector_store %arg8[%swap3A_358, %swap3A_359], %swap3A_362 {strides = array<i32>} : memref<64x768xf32, #tpu.memory_space<vmem>>, vector<1x16xf32>,
        %get3A_363 = arith.index_cast %scan3A_28 : i32 to index
        %get3A_364 = arith.constant 384 : index
        %get3A_365 = tpu.vector_load %arg8[%get3A_363, %get3A_364] {strides = array<i32>} : memref<64x768xf32, #tpu.memory_space<vmem>>, vector<1x16xf32>,
        %get3A_366 = vector.shape_cast %get3A_365 : vector<1x16xf32> to vector<16xf32>
        %get3A_367 = arith.index_cast %scan3A_28 : i32 to index
        %get3A_368 = arith.constant 384 : index
        %get3A_369 = tpu.vector_load %arg9[%get3A_367, %get3A_368] {strides = array<i32>} : memref<64x768xf32, #tpu.memory_space<vmem>>, vector<1x16xf32>,
        %get3A_370 = vector.shape_cast %get3A_369 : vector<1x16xf32> to vector<16xf32>
        %add3A_371 = arith.addf %get3A_366, %get3A_370 : vector<16xf32>
        %swap3A_372 = arith.index_cast %scan3A_28 : i32 to index
        %swap3A_373 = arith.constant 384 : index
        %swap3A_374 = tpu.vector_load %arg8[%swap3A_372, %swap3A_373] {strides = array<i32>} : memref<64x768xf32, #tpu.memory_space<vmem>>, vector<1x16xf32>,
        %swap3A_375 = vector.shape_cast %swap3A_374 : vector<1x16xf32> to vector<16xf32>
        %swap3A_376 = vector.shape_cast %add3A_371 : vector<16xf32> to vector<1x16xf32>
        tpu.vector_store %arg8[%swap3A_372, %swap3A_373], %swap3A_376 {strides = array<i32>} : memref<64x768xf32, #tpu.memory_space<vmem>>, vector<1x16xf32>,
        %get3A_377 = arith.index_cast %scan3A_28 : i32 to index
        %get3A_378 = arith.constant 400 : index
        %get3A_379 = tpu.vector_load %arg8[%get3A_377, %get3A_378] {strides = array<i32>} : memref<64x768xf32, #tpu.memory_space<vmem>>, vector<1x16xf32>,
        %get3A_380 = vector.shape_cast %get3A_379 : vector<1x16xf32> to vector<16xf32>
        %get3A_381 = arith.index_cast %scan3A_28 : i32 to index
        %get3A_382 = arith.constant 400 : index
        %get3A_383 = tpu.vector_load %arg9[%get3A_381, %get3A_382] {strides = array<i32>} : memref<64x768xf32, #tpu.memory_space<vmem>>, vector<1x16xf32>,
        %get3A_384 = vector.shape_cast %get3A_383 : vector<1x16xf32> to vector<16xf32>
        %add3A_385 = arith.addf %get3A_380, %get3A_384 : vector<16xf32>
        %swap3A_386 = arith.index_cast %scan3A_28 : i32 to index
        %swap3A_387 = arith.constant 400 : index
        %swap3A_388 = tpu.vector_load %arg8[%swap3A_386, %swap3A_387] {strides = array<i32>} : memref<64x768xf32, #tpu.memory_space<vmem>>, vector<1x16xf32>,
        %swap3A_389 = vector.shape_cast %swap3A_388 : vector<1x16xf32> to vector<16xf32>
        %swap3A_390 = vector.shape_cast %add3A_385 : vector<16xf32> to vector<1x16xf32>
        tpu.vector_store %arg8[%swap3A_386, %swap3A_387], %swap3A_390 {strides = array<i32>} : memref<64x768xf32, #tpu.memory_space<vmem>>, vector<1x16xf32>,
        %get3A_391 = arith.index_cast %scan3A_28 : i32 to index
        %get3A_392 = arith.constant 416 : index
        %get3A_393 = tpu.vector_load %arg8[%get3A_391, %get3A_392] {strides = array<i32>} : memref<64x768xf32, #tpu.memory_space<vmem>>, vector<1x16xf32>,
        %get3A_394 = vector.shape_cast %get3A_393 : vector<1x16xf32> to vector<16xf32>
        %get3A_395 = arith.index_cast %scan3A_28 : i32 to index
        %get3A_396 = arith.constant 416 : index
        %get3A_397 = tpu.vector_load %arg9[%get3A_395, %get3A_396] {strides = array<i32>} : memref<64x768xf32, #tpu.memory_space<vmem>>, vector<1x16xf32>,
        %get3A_398 = vector.shape_cast %get3A_397 : vector<1x16xf32> to vector<16xf32>
        %add3A_399 = arith.addf %get3A_394, %get3A_398 : vector<16xf32>
        %swap3A_400 = arith.index_cast %scan3A_28 : i32 to index
        %swap3A_401 = arith.constant 416 : index
        %swap3A_402 = tpu.vector_load %arg8[%swap3A_400, %swap3A_401] {strides = array<i32>} : memref<64x768xf32, #tpu.memory_space<vmem>>, vector<1x16xf32>,
        %swap3A_403 = vector.shape_cast %swap3A_402 : vector<1x16xf32> to vector<16xf32>
        %swap3A_404 = vector.shape_cast %add3A_399 : vector<16xf32> to vector<1x16xf32>
        tpu.vector_store %arg8[%swap3A_400, %swap3A_401], %swap3A_404 {strides = array<i32>} : memref<64x768xf32, #tpu.memory_space<vmem>>, vector<1x16xf32>,
        %get3A_405 = arith.index_cast %scan3A_28 : i32 to index
        %get3A_406 = arith.constant 432 : index
        %get3A_407 = tpu.vector_load %arg8[%get3A_405, %get3A_406] {strides = array<i32>} : memref<64x768xf32, #tpu.memory_space<vmem>>, vector<1x16xf32>,
        %get3A_408 = vector.shape_cast %get3A_407 : vector<1x16xf32> to vector<16xf32>
        %get3A_409 = arith.index_cast %scan3A_28 : i32 to index
        %get3A_410 = arith.constant 432 : index
        %get3A_411 = tpu.vector_load %arg9[%get3A_409, %get3A_410] {strides = array<i32>} : memref<64x768xf32, #tpu.memory_space<vmem>>, vector<1x16xf32>,
        %get3A_412 = vector.shape_cast %get3A_411 : vector<1x16xf32> to vector<16xf32>
        %add3A_413 = arith.addf %get3A_408, %get3A_412 : vector<16xf32>
        %swap3A_414 = arith.index_cast %scan3A_28 : i32 to index
        %swap3A_415 = arith.constant 432 : index
        %swap3A_416 = tpu.vector_load %arg8[%swap3A_414, %swap3A_415] {strides = array<i32>} : memref<64x768xf32, #tpu.memory_space<vmem>>, vector<1x16xf32>,
        %swap3A_417 = vector.shape_cast %swap3A_416 : vector<1x16xf32> to vector<16xf32>
        %swap3A_418 = vector.shape_cast %add3A_413 : vector<16xf32> to vector<1x16xf32>
        tpu.vector_store %arg8[%swap3A_414, %swap3A_415], %swap3A_418 {strides = array<i32>} : memref<64x768xf32, #tpu.memory_space<vmem>>, vector<1x16xf32>,
        %get3A_419 = arith.index_cast %scan3A_28 : i32 to index
        %get3A_420 = arith.constant 448 : index
        %get3A_421 = tpu.vector_load %arg8[%get3A_419, %get3A_420] {strides = array<i32>} : memref<64x768xf32, #tpu.memory_space<vmem>>, vector<1x16xf32>,
        %get3A_422 = vector.shape_cast %get3A_421 : vector<1x16xf32> to vector<16xf32>
        %get3A_423 = arith.index_cast %scan3A_28 : i32 to index
        %get3A_424 = arith.constant 448 : index
        %get3A_425 = tpu.vector_load %arg9[%get3A_423, %get3A_424] {strides = array<i32>} : memref<64x768xf32, #tpu.memory_space<vmem>>, vector<1x16xf32>,
        %get3A_426 = vector.shape_cast %get3A_425 : vector<1x16xf32> to vector<16xf32>
        %add3A_427 = arith.addf %get3A_422, %get3A_426 : vector<16xf32>
        %swap3A_428 = arith.index_cast %scan3A_28 : i32 to index
        %swap3A_429 = arith.constant 448 : index
        %swap3A_430 = tpu.vector_load %arg8[%swap3A_428, %swap3A_429] {strides = array<i32>} : memref<64x768xf32, #tpu.memory_space<vmem>>, vector<1x16xf32>,
        %swap3A_431 = vector.shape_cast %swap3A_430 : vector<1x16xf32> to vector<16xf32>
        %swap3A_432 = vector.shape_cast %add3A_427 : vector<16xf32> to vector<1x16xf32>
        tpu.vector_store %arg8[%swap3A_428, %swap3A_429], %swap3A_432 {strides = array<i32>} : memref<64x768xf32, #tpu.memory_space<vmem>>, vector<1x16xf32>,
        %get3A_433 = arith.index_cast %scan3A_28 : i32 to index
        %get3A_434 = arith.constant 464 : index
        %get3A_435 = tpu.vector_load %arg8[%get3A_433, %get3A_434] {strides = array<i32>} : memref<64x768xf32, #tpu.memory_space<vmem>>, vector<1x16xf32>,
        %get3A_436 = vector.shape_cast %get3A_435 : vector<1x16xf32> to vector<16xf32>
        %get3A_437 = arith.index_cast %scan3A_28 : i32 to index
        %get3A_438 = arith.constant 464 : index
        %get3A_439 = tpu.vector_load %arg9[%get3A_437, %get3A_438] {strides = array<i32>} : memref<64x768xf32, #tpu.memory_space<vmem>>, vector<1x16xf32>,
        %get3A_440 = vector.shape_cast %get3A_439 : vector<1x16xf32> to vector<16xf32>
        %add3A_441 = arith.addf %get3A_436, %get3A_440 : vector<16xf32>
        %swap3A_442 = arith.index_cast %scan3A_28 : i32 to index
        %swap3A_443 = arith.constant 464 : index
        %swap3A_444 = tpu.vector_load %arg8[%swap3A_442, %swap3A_443] {strides = array<i32>} : memref<64x768xf32, #tpu.memory_space<vmem>>, vector<1x16xf32>,
        %swap3A_445 = vector.shape_cast %swap3A_444 : vector<1x16xf32> to vector<16xf32>
        %swap3A_446 = vector.shape_cast %add3A_441 : vector<16xf32> to vector<1x16xf32>
        tpu.vector_store %arg8[%swap3A_442, %swap3A_443], %swap3A_446 {strides = array<i32>} : memref<64x768xf32, #tpu.memory_space<vmem>>, vector<1x16xf32>,
        %get3A_447 = arith.index_cast %scan3A_28 : i32 to index
        %get3A_448 = arith.constant 480 : index
        %get3A_449 = tpu.vector_load %arg8[%get3A_447, %get3A_448] {strides = array<i32>} : memref<64x768xf32, #tpu.memory_space<vmem>>, vector<1x16xf32>,
        %get3A_450 = vector.shape_cast %get3A_449 : vector<1x16xf32> to vector<16xf32>
        %get3A_451 = arith.index_cast %scan3A_28 : i32 to index
        %get3A_452 = arith.constant 480 : index
        %get3A_453 = tpu.vector_load %arg9[%get3A_451, %get3A_452] {strides = array<i32>} : memref<64x768xf32, #tpu.memory_space<vmem>>, vector<1x16xf32>,
        %get3A_454 = vector.shape_cast %get3A_453 : vector<1x16xf32> to vector<16xf32>
        %add3A_455 = arith.addf %get3A_450, %get3A_454 : vector<16xf32>
        %swap3A_456 = arith.index_cast %scan3A_28 : i32 to index
        %swap3A_457 = arith.constant 480 : index
        %swap3A_458 = tpu.vector_load %arg8[%swap3A_456, %swap3A_457] {strides = array<i32>} : memref<64x768xf32, #tpu.memory_space<vmem>>, vector<1x16xf32>,
        %swap3A_459 = vector.shape_cast %swap3A_458 : vector<1x16xf32> to vector<16xf32>
        %swap3A_460 = vector.shape_cast %add3A_455 : vector<16xf32> to vector<1x16xf32>
        tpu.vector_store %arg8[%swap3A_456, %swap3A_457], %swap3A_460 {strides = array<i32>} : memref<64x768xf32, #tpu.memory_space<vmem>>, vector<1x16xf32>,
        %get3A_461 = arith.index_cast %scan3A_28 : i32 to index
        %get3A_462 = arith.constant 496 : index
        %get3A_463 = tpu.vector_load %arg8[%get3A_461, %get3A_462] {strides = array<i32>} : memref<64x768xf32, #tpu.memory_space<vmem>>, vector<1x16xf32>,
        %get3A_464 = vector.shape_cast %get3A_463 : vector<1x16xf32> to vector<16xf32>
        %get3A_465 = arith.index_cast %scan3A_28 : i32 to index
        %get3A_466 = arith.constant 496 : index
        %get3A_467 = tpu.vector_load %arg9[%get3A_465, %get3A_466] {strides = array<i32>} : memref<64x768xf32, #tpu.memory_space<vmem>>, vector<1x16xf32>,
        %get3A_468 = vector.shape_cast %get3A_467 : vector<1x16xf32> to vector<16xf32>
        %add3A_469 = arith.addf %get3A_464, %get3A_468 : vector<16xf32>
        %swap3A_470 = arith.index_cast %scan3A_28 : i32 to index
        %swap3A_471 = arith.constant 496 : index
        %swap3A_472 = tpu.vector_load %arg8[%swap3A_470, %swap3A_471] {strides = array<i32>} : memref<64x768xf32, #tpu.memory_space<vmem>>, vector<1x16xf32>,
        %swap3A_473 = vector.shape_cast %swap3A_472 : vector<1x16xf32> to vector<16xf32>
        %swap3A_474 = vector.shape_cast %add3A_469 : vector<16xf32> to vector<1x16xf32>
        tpu.vector_store %arg8[%swap3A_470, %swap3A_471], %swap3A_474 {strides = array<i32>} : memref<64x768xf32, #tpu.memory_space<vmem>>, vector<1x16xf32>,
        %get3A_475 = arith.index_cast %scan3A_28 : i32 to index
        %get3A_476 = arith.constant 512 : index
        %get3A_477 = tpu.vector_load %arg8[%get3A_475, %get3A_476] {strides = array<i32>} : memref<64x768xf32, #tpu.memory_space<vmem>>, vector<1x16xf32>,
        %get3A_478 = vector.shape_cast %get3A_477 : vector<1x16xf32> to vector<16xf32>
        %get3A_479 = arith.index_cast %scan3A_28 : i32 to index
        %get3A_480 = arith.constant 512 : index
        %get3A_481 = tpu.vector_load %arg9[%get3A_479, %get3A_480] {strides = array<i32>} : memref<64x768xf32, #tpu.memory_space<vmem>>, vector<1x16xf32>,
        %get3A_482 = vector.shape_cast %get3A_481 : vector<1x16xf32> to vector<16xf32>
        %add3A_483 = arith.addf %get3A_478, %get3A_482 : vector<16xf32>
        %swap3A_484 = arith.index_cast %scan3A_28 : i32 to index
        %swap3A_485 = arith.constant 512 : index
        %swap3A_486 = tpu.vector_load %arg8[%swap3A_484, %swap3A_485] {strides = array<i32>} : memref<64x768xf32, #tpu.memory_space<vmem>>, vector<1x16xf32>,
        %swap3A_487 = vector.shape_cast %swap3A_486 : vector<1x16xf32> to vector<16xf32>
        %swap3A_488 = vector.shape_cast %add3A_483 : vector<16xf32> to vector<1x16xf32>
        tpu.vector_store %arg8[%swap3A_484, %swap3A_485], %swap3A_488 {strides = array<i32>} : memref<64x768xf32, #tpu.memory_space<vmem>>, vector<1x16xf32>,
        %get3A_489 = arith.index_cast %scan3A_28 : i32 to index
        %get3A_490 = arith.constant 528 : index
        %get3A_491 = tpu.vector_load %arg8[%get3A_489, %get3A_490] {strides = array<i32>} : memref<64x768xf32, #tpu.memory_space<vmem>>, vector<1x16xf32>,
        %get3A_492 = vector.shape_cast %get3A_491 : vector<1x16xf32> to vector<16xf32>
        %get3A_493 = arith.index_cast %scan3A_28 : i32 to index
        %get3A_494 = arith.constant 528 : index
        %get3A_495 = tpu.vector_load %arg9[%get3A_493, %get3A_494] {strides = array<i32>} : memref<64x768xf32, #tpu.memory_space<vmem>>, vector<1x16xf32>,
        %get3A_496 = vector.shape_cast %get3A_495 : vector<1x16xf32> to vector<16xf32>
        %add3A_497 = arith.addf %get3A_492, %get3A_496 : vector<16xf32>
        %swap3A_498 = arith.index_cast %scan3A_28 : i32 to index
        %swap3A_499 = arith.constant 528 : index
        %swap3A_500 = tpu.vector_load %arg8[%swap3A_498, %swap3A_499] {strides = array<i32>} : memref<64x768xf32, #tpu.memory_space<vmem>>, vector<1x16xf32>,
        %swap3A_501 = vector.shape_cast %swap3A_500 : vector<1x16xf32> to vector<16xf32>
        %swap3A_502 = vector.shape_cast %add3A_497 : vector<16xf32> to vector<1x16xf32>
        tpu.vector_store %arg8[%swap3A_498, %swap3A_499], %swap3A_502 {strides = array<i32>} : memref<64x768xf32, #tpu.memory_space<vmem>>, vector<1x16xf32>,
        %get3A_503 = arith.index_cast %scan3A_28 : i32 to index
        %get3A_504 = arith.constant 544 : index
        %get3A_505 = tpu.vector_load %arg8[%get3A_503, %get3A_504] {strides = array<i32>} : memref<64x768xf32, #tpu.memory_space<vmem>>, vector<1x16xf32>,
        %get3A_506 = vector.shape_cast %get3A_505 : vector<1x16xf32> to vector<16xf32>
        %get3A_507 = arith.index_cast %scan3A_28 : i32 to index
        %get3A_508 = arith.constant 544 : index
        %get3A_509 = tpu.vector_load %arg9[%get3A_507, %get3A_508] {strides = array<i32>} : memref<64x768xf32, #tpu.memory_space<vmem>>, vector<1x16xf32>,
        %get3A_510 = vector.shape_cast %get3A_509 : vector<1x16xf32> to vector<16xf32>
        %add3A_511 = arith.addf %get3A_506, %get3A_510 : vector<16xf32>
        %swap3A_512 = arith.index_cast %scan3A_28 : i32 to index
        %swap3A_513 = arith.constant 544 : index
        %swap3A_514 = tpu.vector_load %arg8[%swap3A_512, %swap3A_513] {strides = array<i32>} : memref<64x768xf32, #tpu.memory_space<vmem>>, vector<1x16xf32>,
        %swap3A_515 = vector.shape_cast %swap3A_514 : vector<1x16xf32> to vector<16xf32>
        %swap3A_516 = vector.shape_cast %add3A_511 : vector<16xf32> to vector<1x16xf32>
        tpu.vector_store %arg8[%swap3A_512, %swap3A_513], %swap3A_516 {strides = array<i32>} : memref<64x768xf32, #tpu.memory_space<vmem>>, vector<1x16xf32>,
        %get3A_517 = arith.index_cast %scan3A_28 : i32 to index
        %get3A_518 = arith.constant 560 : index
        %get3A_519 = tpu.vector_load %arg8[%get3A_517, %get3A_518] {strides = array<i32>} : memref<64x768xf32, #tpu.memory_space<vmem>>, vector<1x16xf32>,
        %get3A_520 = vector.shape_cast %get3A_519 : vector<1x16xf32> to vector<16xf32>
        %get3A_521 = arith.index_cast %scan3A_28 : i32 to index
        %get3A_522 = arith.constant 560 : index
        %get3A_523 = tpu.vector_load %arg9[%get3A_521, %get3A_522] {strides = array<i32>} : memref<64x768xf32, #tpu.memory_space<vmem>>, vector<1x16xf32>,
        %get3A_524 = vector.shape_cast %get3A_523 : vector<1x16xf32> to vector<16xf32>
        %add3A_525 = arith.addf %get3A_520, %get3A_524 : vector<16xf32>
        %swap3A_526 = arith.index_cast %scan3A_28 : i32 to index
        %swap3A_527 = arith.constant 560 : index
        %swap3A_528 = tpu.vector_load %arg8[%swap3A_526, %swap3A_527] {strides = array<i32>} : memref<64x768xf32, #tpu.memory_space<vmem>>, vector<1x16xf32>,
        %swap3A_529 = vector.shape_cast %swap3A_528 : vector<1x16xf32> to vector<16xf32>
        %swap3A_530 = vector.shape_cast %add3A_525 : vector<16xf32> to vector<1x16xf32>
        tpu.vector_store %arg8[%swap3A_526, %swap3A_527], %swap3A_530 {strides = array<i32>} : memref<64x768xf32, #tpu.memory_space<vmem>>, vector<1x16xf32>,
        %get3A_531 = arith.index_cast %scan3A_28 : i32 to index
        %get3A_532 = arith.constant 576 : index
        %get3A_533 = tpu.vector_load %arg8[%get3A_531, %get3A_532] {strides = array<i32>} : memref<64x768xf32, #tpu.memory_space<vmem>>, vector<1x16xf32>,
        %get3A_534 = vector.shape_cast %get3A_533 : vector<1x16xf32> to vector<16xf32>
        %get3A_535 = arith.index_cast %scan3A_28 : i32 to index
        %get3A_536 = arith.constant 576 : index
        %get3A_537 = tpu.vector_load %arg9[%get3A_535, %get3A_536] {strides = array<i32>} : memref<64x768xf32, #tpu.memory_space<vmem>>, vector<1x16xf32>,
        %get3A_538 = vector.shape_cast %get3A_537 : vector<1x16xf32> to vector<16xf32>
        %add3A_539 = arith.addf %get3A_534, %get3A_538 : vector<16xf32>
        %swap3A_540 = arith.index_cast %scan3A_28 : i32 to index
        %swap3A_541 = arith.constant 576 : index
        %swap3A_542 = tpu.vector_load %arg8[%swap3A_540, %swap3A_541] {strides = array<i32>} : memref<64x768xf32, #tpu.memory_space<vmem>>, vector<1x16xf32>,
        %swap3A_543 = vector.shape_cast %swap3A_542 : vector<1x16xf32> to vector<16xf32>
        %swap3A_544 = vector.shape_cast %add3A_539 : vector<16xf32> to vector<1x16xf32>
        tpu.vector_store %arg8[%swap3A_540, %swap3A_541], %swap3A_544 {strides = array<i32>} : memref<64x768xf32, #tpu.memory_space<vmem>>, vector<1x16xf32>,
        %get3A_545 = arith.index_cast %scan3A_28 : i32 to index
        %get3A_546 = arith.constant 592 : index
        %get3A_547 = tpu.vector_load %arg8[%get3A_545, %get3A_546] {strides = array<i32>} : memref<64x768xf32, #tpu.memory_space<vmem>>, vector<1x16xf32>,
        %get3A_548 = vector.shape_cast %get3A_547 : vector<1x16xf32> to vector<16xf32>
        %get3A_549 = arith.index_cast %scan3A_28 : i32 to index
        %get3A_550 = arith.constant 592 : index
        %get3A_551 = tpu.vector_load %arg9[%get3A_549, %get3A_550] {strides = array<i32>} : memref<64x768xf32, #tpu.memory_space<vmem>>, vector<1x16xf32>,
        %get3A_552 = vector.shape_cast %get3A_551 : vector<1x16xf32> to vector<16xf32>
        %add3A_553 = arith.addf %get3A_548, %get3A_552 : vector<16xf32>
        %swap3A_554 = arith.index_cast %scan3A_28 : i32 to index
        %swap3A_555 = arith.constant 592 : index
        %swap3A_556 = tpu.vector_load %arg8[%swap3A_554, %swap3A_555] {strides = array<i32>} : memref<64x768xf32, #tpu.memory_space<vmem>>, vector<1x16xf32>,
        %swap3A_557 = vector.shape_cast %swap3A_556 : vector<1x16xf32> to vector<16xf32>
        %swap3A_558 = vector.shape_cast %add3A_553 : vector<16xf32> to vector<1x16xf32>
        tpu.vector_store %arg8[%swap3A_554, %swap3A_555], %swap3A_558 {strides = array<i32>} : memref<64x768xf32, #tpu.memory_space<vmem>>, vector<1x16xf32>,
        %get3A_559 = arith.index_cast %scan3A_28 : i32 to index
        %get3A_560 = arith.constant 608 : index
        %get3A_561 = tpu.vector_load %arg8[%get3A_559, %get3A_560] {strides = array<i32>} : memref<64x768xf32, #tpu.memory_space<vmem>>, vector<1x16xf32>,
        %get3A_562 = vector.shape_cast %get3A_561 : vector<1x16xf32> to vector<16xf32>
        %get3A_563 = arith.index_cast %scan3A_28 : i32 to index
        %get3A_564 = arith.constant 608 : index
        %get3A_565 = tpu.vector_load %arg9[%get3A_563, %get3A_564] {strides = array<i32>} : memref<64x768xf32, #tpu.memory_space<vmem>>, vector<1x16xf32>,
        %get3A_566 = vector.shape_cast %get3A_565 : vector<1x16xf32> to vector<16xf32>
        %add3A_567 = arith.addf %get3A_562, %get3A_566 : vector<16xf32>
        %swap3A_568 = arith.index_cast %scan3A_28 : i32 to index
        %swap3A_569 = arith.constant 608 : index
        %swap3A_570 = tpu.vector_load %arg8[%swap3A_568, %swap3A_569] {strides = array<i32>} : memref<64x768xf32, #tpu.memory_space<vmem>>, vector<1x16xf32>,
        %swap3A_571 = vector.shape_cast %swap3A_570 : vector<1x16xf32> to vector<16xf32>
        %swap3A_572 = vector.shape_cast %add3A_567 : vector<16xf32> to vector<1x16xf32>
        tpu.vector_store %arg8[%swap3A_568, %swap3A_569], %swap3A_572 {strides = array<i32>} : memref<64x768xf32, #tpu.memory_space<vmem>>, vector<1x16xf32>,
        %get3A_573 = arith.index_cast %scan3A_28 : i32 to index
        %get3A_574 = arith.constant 624 : index
        %get3A_575 = tpu.vector_load %arg8[%get3A_573, %get3A_574] {strides = array<i32>} : memref<64x768xf32, #tpu.memory_space<vmem>>, vector<1x16xf32>,
        %get3A_576 = vector.shape_cast %get3A_575 : vector<1x16xf32> to vector<16xf32>
        %get3A_577 = arith.index_cast %scan3A_28 : i32 to index
        %get3A_578 = arith.constant 624 : index
        %get3A_579 = tpu.vector_load %arg9[%get3A_577, %get3A_578] {strides = array<i32>} : memref<64x768xf32, #tpu.memory_space<vmem>>, vector<1x16xf32>,
        %get3A_580 = vector.shape_cast %get3A_579 : vector<1x16xf32> to vector<16xf32>
        %add3A_581 = arith.addf %get3A_576, %get3A_580 : vector<16xf32>
        %swap3A_582 = arith.index_cast %scan3A_28 : i32 to index
        %swap3A_583 = arith.constant 624 : index
        %swap3A_584 = tpu.vector_load %arg8[%swap3A_582, %swap3A_583] {strides = array<i32>} : memref<64x768xf32, #tpu.memory_space<vmem>>, vector<1x16xf32>,
        %swap3A_585 = vector.shape_cast %swap3A_584 : vector<1x16xf32> to vector<16xf32>
        %swap3A_586 = vector.shape_cast %add3A_581 : vector<16xf32> to vector<1x16xf32>
        tpu.vector_store %arg8[%swap3A_582, %swap3A_583], %swap3A_586 {strides = array<i32>} : memref<64x768xf32, #tpu.memory_space<vmem>>, vector<1x16xf32>,
        %get3A_587 = arith.index_cast %scan3A_28 : i32 to index
        %get3A_588 = arith.constant 640 : index
        %get3A_589 = tpu.vector_load %arg8[%get3A_587, %get3A_588] {strides = array<i32>} : memref<64x768xf32, #tpu.memory_space<vmem>>, vector<1x16xf32>,
        %get3A_590 = vector.shape_cast %get3A_589 : vector<1x16xf32> to vector<16xf32>
        %get3A_591 = arith.index_cast %scan3A_28 : i32 to index
        %get3A_592 = arith.constant 640 : index
        %get3A_593 = tpu.vector_load %arg9[%get3A_591, %get3A_592] {strides = array<i32>} : memref<64x768xf32, #tpu.memory_space<vmem>>, vector<1x16xf32>,
        %get3A_594 = vector.shape_cast %get3A_593 : vector<1x16xf32> to vector<16xf32>
        %add3A_595 = arith.addf %get3A_590, %get3A_594 : vector<16xf32>
        %swap3A_596 = arith.index_cast %scan3A_28 : i32 to index
        %swap3A_597 = arith.constant 640 : index
        %swap3A_598 = tpu.vector_load %arg8[%swap3A_596, %swap3A_597] {strides = array<i32>} : memref<64x768xf32, #tpu.memory_space<vmem>>, vector<1x16xf32>,
        %swap3A_599 = vector.shape_cast %swap3A_598 : vector<1x16xf32> to vector<16xf32>
        %swap3A_600 = vector.shape_cast %add3A_595 : vector<16xf32> to vector<1x16xf32>
        tpu.vector_store %arg8[%swap3A_596, %swap3A_597], %swap3A_600 {strides = array<i32>} : memref<64x768xf32, #tpu.memory_space<vmem>>, vector<1x16xf32>,
        %get3A_601 = arith.index_cast %scan3A_28 : i32 to index
        %get3A_602 = arith.constant 656 : index
        %get3A_603 = tpu.vector_load %arg8[%get3A_601, %get3A_602] {strides = array<i32>} : memref<64x768xf32, #tpu.memory_space<vmem>>, vector<1x16xf32>,
        %get3A_604 = vector.shape_cast %get3A_603 : vector<1x16xf32> to vector<16xf32>
        %get3A_605 = arith.index_cast %scan3A_28 : i32 to index
        %get3A_606 = arith.constant 656 : index
        %get3A_607 = tpu.vector_load %arg9[%get3A_605, %get3A_606] {strides = array<i32>} : memref<64x768xf32, #tpu.memory_space<vmem>>, vector<1x16xf32>,
        %get3A_608 = vector.shape_cast %get3A_607 : vector<1x16xf32> to vector<16xf32>
        %add3A_609 = arith.addf %get3A_604, %get3A_608 : vector<16xf32>
        %swap3A_610 = arith.index_cast %scan3A_28 : i32 to index
        %swap3A_611 = arith.constant 656 : index
        %swap3A_612 = tpu.vector_load %arg8[%swap3A_610, %swap3A_611] {strides = array<i32>} : memref<64x768xf32, #tpu.memory_space<vmem>>, vector<1x16xf32>,
        %swap3A_613 = vector.shape_cast %swap3A_612 : vector<1x16xf32> to vector<16xf32>
        %swap3A_614 = vector.shape_cast %add3A_609 : vector<16xf32> to vector<1x16xf32>
        tpu.vector_store %arg8[%swap3A_610, %swap3A_611], %swap3A_614 {strides = array<i32>} : memref<64x768xf32, #tpu.memory_space<vmem>>, vector<1x16xf32>,
        %get3A_615 = arith.index_cast %scan3A_28 : i32 to index
        %get3A_616 = arith.constant 672 : index
        %get3A_617 = tpu.vector_load %arg8[%get3A_615, %get3A_616] {strides = array<i32>} : memref<64x768xf32, #tpu.memory_space<vmem>>, vector<1x16xf32>,
        %get3A_618 = vector.shape_cast %get3A_617 : vector<1x16xf32> to vector<16xf32>
        %get3A_619 = arith.index_cast %scan3A_28 : i32 to index
        %get3A_620 = arith.constant 672 : index
        %get3A_621 = tpu.vector_load %arg9[%get3A_619, %get3A_620] {strides = array<i32>} : memref<64x768xf32, #tpu.memory_space<vmem>>, vector<1x16xf32>,
        %get3A_622 = vector.shape_cast %get3A_621 : vector<1x16xf32> to vector<16xf32>
        %add3A_623 = arith.addf %get3A_618, %get3A_622 : vector<16xf32>
        %swap3A_624 = arith.index_cast %scan3A_28 : i32 to index
        %swap3A_625 = arith.constant 672 : index
        %swap3A_626 = tpu.vector_load %arg8[%swap3A_624, %swap3A_625] {strides = array<i32>} : memref<64x768xf32, #tpu.memory_space<vmem>>, vector<1x16xf32>,
        %swap3A_627 = vector.shape_cast %swap3A_626 : vector<1x16xf32> to vector<16xf32>
        %swap3A_628 = vector.shape_cast %add3A_623 : vector<16xf32> to vector<1x16xf32>
        tpu.vector_store %arg8[%swap3A_624, %swap3A_625], %swap3A_628 {strides = array<i32>} : memref<64x768xf32, #tpu.memory_space<vmem>>, vector<1x16xf32>,
        %get3A_629 = arith.index_cast %scan3A_28 : i32 to index
        %get3A_630 = arith.constant 688 : index
        %get3A_631 = tpu.vector_load %arg8[%get3A_629, %get3A_630] {strides = array<i32>} : memref<64x768xf32, #tpu.memory_space<vmem>>, vector<1x16xf32>,
        %get3A_632 = vector.shape_cast %get3A_631 : vector<1x16xf32> to vector<16xf32>
        %get3A_633 = arith.index_cast %scan3A_28 : i32 to index
        %get3A_634 = arith.constant 688 : index
        %get3A_635 = tpu.vector_load %arg9[%get3A_633, %get3A_634] {strides = array<i32>} : memref<64x768xf32, #tpu.memory_space<vmem>>, vector<1x16xf32>,
        %get3A_636 = vector.shape_cast %get3A_635 : vector<1x16xf32> to vector<16xf32>
        %add3A_637 = arith.addf %get3A_632, %get3A_636 : vector<16xf32>
        %swap3A_638 = arith.index_cast %scan3A_28 : i32 to index
        %swap3A_639 = arith.constant 688 : index
        %swap3A_640 = tpu.vector_load %arg8[%swap3A_638, %swap3A_639] {strides = array<i32>} : memref<64x768xf32, #tpu.memory_space<vmem>>, vector<1x16xf32>,
        %swap3A_641 = vector.shape_cast %swap3A_640 : vector<1x16xf32> to vector<16xf32>
        %swap3A_642 = vector.shape_cast %add3A_637 : vector<16xf32> to vector<1x16xf32>
        tpu.vector_store %arg8[%swap3A_638, %swap3A_639], %swap3A_642 {strides = array<i32>} : memref<64x768xf32, #tpu.memory_space<vmem>>, vector<1x16xf32>,
        %get3A_643 = arith.index_cast %scan3A_28 : i32 to index
        %get3A_644 = arith.constant 704 : index
        %get3A_645 = tpu.vector_load %arg8[%get3A_643, %get3A_644] {strides = array<i32>} : memref<64x768xf32, #tpu.memory_space<vmem>>, vector<1x16xf32>,
        %get3A_646 = vector.shape_cast %get3A_645 : vector<1x16xf32> to vector<16xf32>
        %get3A_647 = arith.index_cast %scan3A_28 : i32 to index
        %get3A_648 = arith.constant 704 : index
        %get3A_649 = tpu.vector_load %arg9[%get3A_647, %get3A_648] {strides = array<i32>} : memref<64x768xf32, #tpu.memory_space<vmem>>, vector<1x16xf32>,
        %get3A_650 = vector.shape_cast %get3A_649 : vector<1x16xf32> to vector<16xf32>
        %add3A_651 = arith.addf %get3A_646, %get3A_650 : vector<16xf32>
        %swap3A_652 = arith.index_cast %scan3A_28 : i32 to index
        %swap3A_653 = arith.constant 704 : index
        %swap3A_654 = tpu.vector_load %arg8[%swap3A_652, %swap3A_653] {strides = array<i32>} : memref<64x768xf32, #tpu.memory_space<vmem>>, vector<1x16xf32>,
        %swap3A_655 = vector.shape_cast %swap3A_654 : vector<1x16xf32> to vector<16xf32>
        %swap3A_656 = vector.shape_cast %add3A_651 : vector<16xf32> to vector<1x16xf32>
        tpu.vector_store %arg8[%swap3A_652, %swap3A_653], %swap3A_656 {strides = array<i32>} : memref<64x768xf32, #tpu.memory_space<vmem>>, vector<1x16xf32>,
        %get3A_657 = arith.index_cast %scan3A_28 : i32 to index
        %get3A_658 = arith.constant 720 : index
        %get3A_659 = tpu.vector_load %arg8[%get3A_657, %get3A_658] {strides = array<i32>} : memref<64x768xf32, #tpu.memory_space<vmem>>, vector<1x16xf32>,
        %get3A_660 = vector.shape_cast %get3A_659 : vector<1x16xf32> to vector<16xf32>
        %get3A_661 = arith.index_cast %scan3A_28 : i32 to index
        %get3A_662 = arith.constant 720 : index
        %get3A_663 = tpu.vector_load %arg9[%get3A_661, %get3A_662] {strides = array<i32>} : memref<64x768xf32, #tpu.memory_space<vmem>>, vector<1x16xf32>,
        %get3A_664 = vector.shape_cast %get3A_663 : vector<1x16xf32> to vector<16xf32>
        %add3A_665 = arith.addf %get3A_660, %get3A_664 : vector<16xf32>
        %swap3A_666 = arith.index_cast %scan3A_28 : i32 to index
        %swap3A_667 = arith.constant 720 : index
        %swap3A_668 = tpu.vector_load %arg8[%swap3A_666, %swap3A_667] {strides = array<i32>} : memref<64x768xf32, #tpu.memory_space<vmem>>, vector<1x16xf32>,
        %swap3A_669 = vector.shape_cast %swap3A_668 : vector<1x16xf32> to vector<16xf32>
        %swap3A_670 = vector.shape_cast %add3A_665 : vector<16xf32> to vector<1x16xf32>
        tpu.vector_store %arg8[%swap3A_666, %swap3A_667], %swap3A_670 {strides = array<i32>} : memref<64x768xf32, #tpu.memory_space<vmem>>, vector<1x16xf32>,
        %get3A_671 = arith.index_cast %scan3A_28 : i32 to index
        %get3A_672 = arith.constant 736 : index
        %get3A_673 = tpu.vector_load %arg8[%get3A_671, %get3A_672] {strides = array<i32>} : memref<64x768xf32, #tpu.memory_space<vmem>>, vector<1x16xf32>,
        %get3A_674 = vector.shape_cast %get3A_673 : vector<1x16xf32> to vector<16xf32>
        %get3A_675 = arith.index_cast %scan3A_28 : i32 to index
        %get3A_676 = arith.constant 736 : index
        %get3A_677 = tpu.vector_load %arg9[%get3A_675, %get3A_676] {strides = array<i32>} : memref<64x768xf32, #tpu.memory_space<vmem>>, vector<1x16xf32>,
        %get3A_678 = vector.shape_cast %get3A_677 : vector<1x16xf32> to vector<16xf32>
        %add3A_679 = arith.addf %get3A_674, %get3A_678 : vector<16xf32>
        %swap3A_680 = arith.index_cast %scan3A_28 : i32 to index
        %swap3A_681 = arith.constant 736 : index
        %swap3A_682 = tpu.vector_load %arg8[%swap3A_680, %swap3A_681] {strides = array<i32>} : memref<64x768xf32, #tpu.memory_space<vmem>>, vector<1x16xf32>,
        %swap3A_683 = vector.shape_cast %swap3A_682 : vector<1x16xf32> to vector<16xf32>
        %swap3A_684 = vector.shape_cast %add3A_679 : vector<16xf32> to vector<1x16xf32>
        tpu.vector_store %arg8[%swap3A_680, %swap3A_681], %swap3A_684 {strides = array<i32>} : memref<64x768xf32, #tpu.memory_space<vmem>>, vector<1x16xf32>,
        %get3A_685 = arith.index_cast %scan3A_28 : i32 to index
        %get3A_686 = arith.constant 752 : index
        %get3A_687 = tpu.vector_load %arg8[%get3A_685, %get3A_686] {strides = array<i32>} : memref<64x768xf32, #tpu.memory_space<vmem>>, vector<1x16xf32>,
        %get3A_688 = vector.shape_cast %get3A_687 : vector<1x16xf32> to vector<16xf32>
        %get3A_689 = arith.index_cast %scan3A_28 : i32 to index
        %get3A_690 = arith.constant 752 : index
        %get3A_691 = tpu.vector_load %arg9[%get3A_689, %get3A_690] {strides = array<i32>} : memref<64x768xf32, #tpu.memory_space<vmem>>, vector<1x16xf32>,
        %get3A_692 = vector.shape_cast %get3A_691 : vector<1x16xf32> to vector<16xf32>
        %add3A_693 = arith.addf %get3A_688, %get3A_692 : vector<16xf32>
        %swap3A_694 = arith.index_cast %scan3A_28 : i32 to index
        %swap3A_695 = arith.constant 752 : index
        %swap3A_696 = tpu.vector_load %arg8[%swap3A_694, %swap3A_695] {strides = array<i32>} : memref<64x768xf32, #tpu.memory_space<vmem>>, vector<1x16xf32>,
        %swap3A_697 = vector.shape_cast %swap3A_696 : vector<1x16xf32> to vector<16xf32>
        %swap3A_698 = vector.shape_cast %add3A_693 : vector<16xf32> to vector<1x16xf32>
        tpu.vector_store %arg8[%swap3A_694, %swap3A_695], %swap3A_698 {strides = array<i32>} : memref<64x768xf32, #tpu.memory_space<vmem>>, vector<1x16xf32>,
      }
      %scan3A_27 = arith.constant 64 : i32
      "tpu.region"() ({
        %run_scoped3A = tpu.sem_alloc : memref<!tpu.dma_semaphore, #tpu.memory_space<semaphore_mem>>
        %dma_start3A_28 = arith.constant 0 : i32
        %dma_start3A_29 = tpu.memref_slice %arg5[%add3A_11, %dma_start3A_28] : memref<16384x768xf32, #tpu.memory_space<hbm>> -> memref<64x768xf32, #tpu.memory_space<hbm>>
        %dma_start3A_30 = arith.constant 0 : i32
        %dma_start3A_31 = tpu.memref_slice %arg5[%add3A_11, %dma_start3A_30] : memref<16384x768xf32, #tpu.memory_space<hbm>> -> memref<64x768xf32, #tpu.memory_space<hbm>>
        tpu.enqueue_dma source(%arg8 : memref<64x768xf32, #tpu.memory_space<vmem>>) target(%dma_start3A_31 : memref<64x768xf32, #tpu.memory_space<hbm>>) target_semaphore(%run_scoped3A : memref<!tpu.dma_semaphore, #tpu.memory_space<semaphore_mem>>)
        %dma_wait3A_32 = arith.constant 0 : i32
        %dma_wait3A_33 = tpu.memref_slice %arg5[%add3A_11, %dma_wait3A_32] : memref<16384x768xf32, #tpu.memory_space<hbm>> -> memref<64x768xf32, #tpu.memory_space<hbm>>
        %dma_wait3A_34 = arith.constant 0 : i32
        %dma_wait3A_35 = tpu.memref_slice %arg5[%add3A_11, %dma_wait3A_34] : memref<16384x768xf32, #tpu.memory_space<hbm>> -> memref<64x768xf32, #tpu.memory_space<hbm>>
        tpu.wait_dma2 semaphore(%run_scoped3A : memref<!tpu.dma_semaphore, #tpu.memory_space<semaphore_mem>>) src(%arg8 : memref<64x768xf32, #tpu.memory_space<vmem>>) dst(%dma_wait3A_35 : memref<64x768xf32, #tpu.memory_space<hbm>>)
        tpu.yield
      }) : () -> ()
    }
    %scan3A_7 = arith.constant 8 : i32
    return
  }
}

module attributes {stable_mosaic.version = 14 : i64} {
  func.func @_router_body(%arg0: i32, %arg1: memref<1024x768xf32, #tpu.memory_space<vmem>>, %arg2: memref<768x64xf32, #tpu.memory_space<vmem>>, %arg3: memref<1x64xf32, #tpu.memory_space<vmem>>, %arg4: memref<1024x64xf32, #tpu.memory_space<vmem>>, %arg5: memref<1024x2xi32, #tpu.memory_space<vmem>>, %arg6: memref<1024x2xf32, #tpu.memory_space<vmem>>) attributes {dimension_semantics = [#tpu.dimension_semantics<arbitrary>], iteration_bounds = array<i64: 16>, scalar_prefetch = 0 : i64, scratch_operands = 0 : i64, tpu.core_type = #tpu.core_type<tc>, window_params = [{transform_indices = @transform_0, window_bounds = array<i64: 1024, 768>}, {pipeline_mode = #tpu.pipeline_mode<synchronous>, transform_indices = @transform_1, window_bounds = array<i64: 768, 64>}, {pipeline_mode = #tpu.pipeline_mode<synchronous>, transform_indices = @transform_2, window_bounds = array<i64: 1, 64>}, {transform_indices = @transform_3, window_bounds = array<i64: 1024, 64>}, {transform_indices = @transform_4, window_bounds = array<i64: 1024, 2>}, {transform_indices = @transform_5, window_bounds = array<i64: 1024, 2>}]} {
    %get3A = arith.constant 0 : index
    %get3A_0 = arith.constant 0 : index
    %get3A_1 = vector.load %arg1[%get3A, %get3A_0] : memref<1024x768xf32, #tpu.memory_space<vmem>>, vector<1024x768xf32>
    %get3A_2 = arith.constant 0 : index
    %get3A_3 = arith.constant 0 : index
    %get3A_4 = vector.load %arg2[%get3A_2, %get3A_3] : memref<768x64xf32, #tpu.memory_space<vmem>>, vector<768x64xf32>
    %dot_general3A = arith.constant dense<0.000000e+00> : vector<1024x64xf32>
    %dot_general3A_5 = tpu.matmul %get3A_1, %get3A_4, %dot_general3A {dimension_numbers = #tpu.dot_dimension_numbers<[1], [0], [0], [1], [0, 0, 1, 1], [], []>, transpose_lhs_hint = false} : vector<1024x768xf32>, vector<768x64xf32>, vector<1024x64xf32> -> vector<1024x64xf32>
    %get3A_6 = arith.constant 0 : index
    %get3A_7 = arith.constant 0 : index
    %get3A_8 = vector.load %arg3[%get3A_6, %get3A_7] : memref<1x64xf32, #tpu.memory_space<vmem>>, vector<1x64xf32>
    %add3A = vector.broadcast %get3A_8 : vector<1x64xf32> to vector<1024x64xf32>
    %add3A_9 = arith.addf %dot_general3A_5, %add3A : vector<1024x64xf32>
    %swap3A = arith.constant 0 : index
    %swap3A_10 = arith.constant 0 : index
    %swap3A_11 = vector.load %arg4[%swap3A, %swap3A_10] : memref<1024x64xf32, #tpu.memory_space<vmem>>, vector<1024x64xf32>
    tpu.vector_store %arg4[%swap3A, %swap3A_10], %add3A_9 {strides = array<i32>} : memref<1024x64xf32, #tpu.memory_space<vmem>>, vector<1024x64xf32>,
    %iota3A = tpu.iota {dimensions = array<i32: 1>} : vector<1024x64xi32>
    %reduce_max3A = arith.constant dense<0xFF800000> : vector<1024xf32>
    %reduce_max3A_12 = vector.multi_reduction <maximumf>, %add3A_9, %reduce_max3A [1] : vector<1024x64xf32> to vector<1024xf32>
    %broadcast_in_dim3A = vector.shape_cast %reduce_max3A_12 : vector<1024xf32> to vector<1024x1xf32>
    %eq3A = vector.broadcast %broadcast_in_dim3A : vector<1024x1xf32> to vector<1024x64xf32>
    %eq3A_13 = arith.cmpf oeq, %add3A_9, %eq3A : vector<1024x64xf32>
    %jit3A = arith.constant 64 : i32
    %broadcast_in_dim3A_14 = vector.broadcast %jit3A : i32 to vector<1024x64xi32>
    %select_n3A = arith.select %eq3A_13, %iota3A, %broadcast_in_dim3A_14 : vector<1024x64xi1>, vector<1024x64xi32>
    %reduce_min3A = arith.constant dense<2147483647> : vector<1024xi32>
    %reduce_min3A_15 = vector.multi_reduction <minsi>, %select_n3A, %reduce_min3A [1] : vector<1024x64xi32> to vector<1024xi32>
    %broadcast_in_dim3A_16 = vector.shape_cast %reduce_min3A_15 : vector<1024xi32> to vector<1024x1xi32>
    %eq3A_17 = vector.broadcast %broadcast_in_dim3A_16 : vector<1024x1xi32> to vector<1024x64xi32>
    %eq3A_18 = arith.cmpi eq, %iota3A, %eq3A_17 : vector<1024x64xi32>
    %jit3A_19 = arith.constant 0xFF800000 : f32
    %broadcast_in_dim3A_20 = vector.broadcast %jit3A_19 : f32 to vector<1024x64xf32>
    %select_n3A_21 = arith.select %eq3A_18, %broadcast_in_dim3A_20, %add3A_9 : vector<1024x64xi1>, vector<1024x64xf32>
    %reduce_max3A_22 = arith.constant dense<0xFF800000> : vector<1024xf32>
    %reduce_max3A_23 = vector.multi_reduction <maximumf>, %select_n3A_21, %reduce_max3A_22 [1] : vector<1024x64xf32> to vector<1024xf32>
    %broadcast_in_dim3A_24 = vector.shape_cast %reduce_max3A_23 : vector<1024xf32> to vector<1024x1xf32>
    %eq3A_25 = vector.broadcast %broadcast_in_dim3A_24 : vector<1024x1xf32> to vector<1024x64xf32>
    %eq3A_26 = arith.cmpf oeq, %select_n3A_21, %eq3A_25 : vector<1024x64xf32>
    %jit3A_27 = arith.constant 64 : i32
    %broadcast_in_dim3A_28 = vector.broadcast %jit3A_27 : i32 to vector<1024x64xi32>
    %select_n3A_29 = arith.select %eq3A_26, %iota3A, %broadcast_in_dim3A_28 : vector<1024x64xi1>, vector<1024x64xi32>
    %reduce_min3A_30 = arith.constant dense<2147483647> : vector<1024xi32>
    %reduce_min3A_31 = vector.multi_reduction <minsi>, %select_n3A_29, %reduce_min3A_30 [1] : vector<1024x64xi32> to vector<1024xi32>
    %broadcast_in_dim3A_32 = vector.shape_cast %reduce_min3A_31 : vector<1024xi32> to vector<1024x1xi32>
    %sub3A = arith.subf %broadcast_in_dim3A_24, %broadcast_in_dim3A : vector<1024x1xf32>
    %exp3A = math.exp %sub3A : vector<1024x1xf32>
    %add3A_33 = arith.constant 1.000000e+00 : f32
    %add3A_34 = vector.broadcast %add3A_33 : f32 to vector<1024x1xf32>
    %add3A_35 = arith.addf %add3A_34, %exp3A : vector<1024x1xf32>
    %div3A = arith.constant 1.000000e+00 : f32
    %div3A_36 = vector.broadcast %div3A : f32 to vector<1024x1xf32>
    %div3A_37 = arith.divf %div3A_36, %add3A_35 : vector<1024x1xf32>
    %concatenate3A = tpu.concatenate %broadcast_in_dim3A_16, %broadcast_in_dim3A_32 in 1 : vector<1024x1xi32>, vector<1024x1xi32> -> vector<1024x2xi32>
    %swap3A_38 = arith.constant 0 : index
    %swap3A_39 = arith.constant 0 : index
    %swap3A_40 = vector.load %arg5[%swap3A_38, %swap3A_39] : memref<1024x2xi32, #tpu.memory_space<vmem>>, vector<1024x2xi32>
    tpu.vector_store %arg5[%swap3A_38, %swap3A_39], %concatenate3A {strides = array<i32>} : memref<1024x2xi32, #tpu.memory_space<vmem>>, vector<1024x2xi32>,
    %sub3A_41 = arith.constant 1.000000e+00 : f32
    %sub3A_42 = vector.broadcast %sub3A_41 : f32 to vector<1024x1xf32>
    %sub3A_43 = arith.subf %sub3A_42, %div3A_37 : vector<1024x1xf32>
    %concatenate3A_44 = tpu.concatenate %div3A_37, %sub3A_43 in 1 : vector<1024x1xf32>, vector<1024x1xf32> -> vector<1024x2xf32>
    %swap3A_45 = arith.constant 0 : index
    %swap3A_46 = arith.constant 0 : index
    %swap3A_47 = vector.load %arg6[%swap3A_45, %swap3A_46] : memref<1024x2xf32, #tpu.memory_space<vmem>>, vector<1024x2xf32>
    tpu.vector_store %arg6[%swap3A_45, %swap3A_46], %concatenate3A_44 {strides = array<i32>} : memref<1024x2xf32, #tpu.memory_space<vmem>>, vector<1024x2xf32>,
    return
  }
  func.func @transform_0(%arg0: i32) -> (i32, i32) {
    %c0_i32 = arith.constant 0 : i32
    %c0_i32_0 = arith.constant 0 : i32
    return %arg0, %c0_i32 : i32, i32
  }
  func.func @transform_1(%arg0: i32) -> (i32, i32) {
    %c0_i32 = arith.constant 0 : i32
    %c0_i32_0 = arith.constant 0 : i32
    %c0_i32_1 = arith.constant 0 : i32
    return %c0_i32, %c0_i32_0 : i32, i32
  }
  func.func @transform_2(%arg0: i32) -> (i32, i32) {
    %c0_i32 = arith.constant 0 : i32
    %c0_i32_0 = arith.constant 0 : i32
    %c0_i32_1 = arith.constant 0 : i32
    return %c0_i32, %c0_i32_0 : i32, i32
  }
  func.func @transform_3(%arg0: i32) -> (i32, i32) {
    %c0_i32 = arith.constant 0 : i32
    %c0_i32_0 = arith.constant 0 : i32
    return %arg0, %c0_i32 : i32, i32
  }
  func.func @transform_4(%arg0: i32) -> (i32, i32) {
    %c0_i32 = arith.constant 0 : i32
    %c0_i32_0 = arith.constant 0 : i32
    return %arg0, %c0_i32 : i32, i32
  }
  func.func @transform_5(%arg0: i32) -> (i32, i32) {
    %c0_i32 = arith.constant 0 : i32
    %c0_i32_0 = arith.constant 0 : i32
    return %arg0, %c0_i32 : i32, i32
  }
}

module attributes {stable_mosaic.version = 14 : i64} {
  func.func @_rank_body(%arg0: i32, %arg1: memref<2048x1xi32, #tpu.memory_space<vmem>>, %arg2: memref<1x64xi32, #tpu.memory_space<vmem>>, %arg3: memref<2048x1xi32, #tpu.memory_space<vmem>>, %arg4: memref<1x64xi32, #tpu.memory_space<vmem>>) attributes {dimension_semantics = [#tpu.dimension_semantics<arbitrary>], iteration_bounds = array<i64: 16>, scalar_prefetch = 0 : i64, scratch_operands = 1 : i64, tpu.core_type = #tpu.core_type<tc>, window_params = [{transform_indices = @transform_0, window_bounds = array<i64: 2048, 1>}, {pipeline_mode = #tpu.pipeline_mode<synchronous>, transform_indices = @transform_1, window_bounds = array<i64: 1, 64>}, {transform_indices = @transform_2, window_bounds = array<i64: 2048, 1>}]} {
    %eq3A = arith.constant 0 : i32
    %eq3A_0 = arith.cmpi eq, %arg0, %eq3A : i32
    %convert_element_type3A = arith.extui %eq3A_0 : i1 to i32
    %cond3A = arith.constant 0 : i32
    %cond3A_1 = arith.cmpi ne, %convert_element_type3A, %cond3A : i32
    scf.if %cond3A_1 {
      %broadcast_in_dim3A_81 = arith.constant 0 : i32
      %broadcast_in_dim3A_82 = vector.broadcast %broadcast_in_dim3A_81 : i32 to vector<1x64xi32>
      %swap3A_83 = arith.constant 0 : index
      %swap3A_84 = arith.constant 0 : index
      %swap3A_85 = vector.load %arg4[%swap3A_83, %swap3A_84] : memref<1x64xi32, #tpu.memory_space<vmem>>, vector<1x64xi32>
      tpu.vector_store %arg4[%swap3A_83, %swap3A_84], %broadcast_in_dim3A_82 {strides = array<i32>} : memref<1x64xi32, #tpu.memory_space<vmem>>, vector<1x64xi32>,
    } else {
    }
    %get3A = arith.constant 0 : index
    %get3A_2 = arith.constant 0 : index
    %get3A_3 = vector.load %arg1[%get3A, %get3A_2] : memref<2048x1xi32, #tpu.memory_space<vmem>>, vector<2048x1xi32>
    %iota3A = tpu.iota {dimensions = array<i32: 1>} : vector<2048x64xi32>
    %eq3A_4 = vector.broadcast %get3A_3 : vector<2048x1xi32> to vector<2048x64xi32>
    %eq3A_5 = arith.cmpi eq, %eq3A_4, %iota3A : vector<2048x64xi32>
    %convert_element_type3A_6 = arith.extui %eq3A_5 : vector<2048x64xi1> to vector<2048x64xi32>
    %broadcast_in_dim3A = arith.constant 0 : i32
    %broadcast_in_dim3A_7 = vector.broadcast %broadcast_in_dim3A : i32 to vector<1x64xi32>
    %slice3A = vector.extract_strided_slice %convert_element_type3A_6 {offsets = [0, 0], sizes = [2047, 64], strides = [1, 1]} : vector<2048x64xi32> to vector<2047x64xi32>
    %concatenate3A = tpu.concatenate %broadcast_in_dim3A_7, %slice3A in 0 : vector<1x64xi32>, vector<2047x64xi32> -> vector<2048x64xi32>
    %add3A = arith.addi %convert_element_type3A_6, %concatenate3A : vector<2048x64xi32>
    %broadcast_in_dim3A_8 = arith.constant 0 : i32
    %broadcast_in_dim3A_9 = vector.broadcast %broadcast_in_dim3A_8 : i32 to vector<2x64xi32>
    %slice3A_10 = vector.extract_strided_slice %add3A {offsets = [0, 0], sizes = [2046, 64], strides = [1, 1]} : vector<2048x64xi32> to vector<2046x64xi32>
    %concatenate3A_11 = tpu.concatenate %broadcast_in_dim3A_9, %slice3A_10 in 0 : vector<2x64xi32>, vector<2046x64xi32> -> vector<2048x64xi32>
    %add3A_12 = arith.addi %add3A, %concatenate3A_11 : vector<2048x64xi32>
    %broadcast_in_dim3A_13 = arith.constant 0 : i32
    %broadcast_in_dim3A_14 = vector.broadcast %broadcast_in_dim3A_13 : i32 to vector<4x64xi32>
    %slice3A_15 = vector.extract_strided_slice %add3A_12 {offsets = [0, 0], sizes = [2044, 64], strides = [1, 1]} : vector<2048x64xi32> to vector<2044x64xi32>
    %concatenate3A_16 = tpu.concatenate %broadcast_in_dim3A_14, %slice3A_15 in 0 : vector<4x64xi32>, vector<2044x64xi32> -> vector<2048x64xi32>
    %add3A_17 = arith.addi %add3A_12, %concatenate3A_16 : vector<2048x64xi32>
    %broadcast_in_dim3A_18 = arith.constant 0 : i32
    %broadcast_in_dim3A_19 = vector.broadcast %broadcast_in_dim3A_18 : i32 to vector<8x64xi32>
    %slice3A_20 = vector.extract_strided_slice %add3A_17 {offsets = [0, 0], sizes = [2040, 64], strides = [1, 1]} : vector<2048x64xi32> to vector<2040x64xi32>
    %concatenate3A_21 = tpu.concatenate %broadcast_in_dim3A_19, %slice3A_20 in 0 : vector<8x64xi32>, vector<2040x64xi32> -> vector<2048x64xi32>
    %add3A_22 = arith.addi %add3A_17, %concatenate3A_21 : vector<2048x64xi32>
    %broadcast_in_dim3A_23 = arith.constant 0 : i32
    %broadcast_in_dim3A_24 = vector.broadcast %broadcast_in_dim3A_23 : i32 to vector<16x64xi32>
    %slice3A_25 = vector.extract_strided_slice %add3A_22 {offsets = [0, 0], sizes = [2032, 64], strides = [1, 1]} : vector<2048x64xi32> to vector<2032x64xi32>
    %concatenate3A_26 = tpu.concatenate %broadcast_in_dim3A_24, %slice3A_25 in 0 : vector<16x64xi32>, vector<2032x64xi32> -> vector<2048x64xi32>
    %add3A_27 = arith.addi %add3A_22, %concatenate3A_26 : vector<2048x64xi32>
    %broadcast_in_dim3A_28 = arith.constant 0 : i32
    %broadcast_in_dim3A_29 = vector.broadcast %broadcast_in_dim3A_28 : i32 to vector<32x64xi32>
    %slice3A_30 = vector.extract_strided_slice %add3A_27 {offsets = [0, 0], sizes = [2016, 64], strides = [1, 1]} : vector<2048x64xi32> to vector<2016x64xi32>
    %concatenate3A_31 = tpu.concatenate %broadcast_in_dim3A_29, %slice3A_30 in 0 : vector<32x64xi32>, vector<2016x64xi32> -> vector<2048x64xi32>
    %add3A_32 = arith.addi %add3A_27, %concatenate3A_31 : vector<2048x64xi32>
    %broadcast_in_dim3A_33 = arith.constant 0 : i32
    %broadcast_in_dim3A_34 = vector.broadcast %broadcast_in_dim3A_33 : i32 to vector<64x64xi32>
    %slice3A_35 = vector.extract_strided_slice %add3A_32 {offsets = [0, 0], sizes = [1984, 64], strides = [1, 1]} : vector<2048x64xi32> to vector<1984x64xi32>
    %concatenate3A_36 = tpu.concatenate %broadcast_in_dim3A_34, %slice3A_35 in 0 : vector<64x64xi32>, vector<1984x64xi32> -> vector<2048x64xi32>
    %add3A_37 = arith.addi %add3A_32, %concatenate3A_36 : vector<2048x64xi32>
    %broadcast_in_dim3A_38 = arith.constant 0 : i32
    %broadcast_in_dim3A_39 = vector.broadcast %broadcast_in_dim3A_38 : i32 to vector<128x64xi32>
    %slice3A_40 = vector.extract_strided_slice %add3A_37 {offsets = [0, 0], sizes = [1920, 64], strides = [1, 1]} : vector<2048x64xi32> to vector<1920x64xi32>
    %concatenate3A_41 = tpu.concatenate %broadcast_in_dim3A_39, %slice3A_40 in 0 : vector<128x64xi32>, vector<1920x64xi32> -> vector<2048x64xi32>
    %add3A_42 = arith.addi %add3A_37, %concatenate3A_41 : vector<2048x64xi32>
    %broadcast_in_dim3A_43 = arith.constant 0 : i32
    %broadcast_in_dim3A_44 = vector.broadcast %broadcast_in_dim3A_43 : i32 to vector<256x64xi32>
    %slice3A_45 = vector.extract_strided_slice %add3A_42 {offsets = [0, 0], sizes = [1792, 64], strides = [1, 1]} : vector<2048x64xi32> to vector<1792x64xi32>
    %concatenate3A_46 = tpu.concatenate %broadcast_in_dim3A_44, %slice3A_45 in 0 : vector<256x64xi32>, vector<1792x64xi32> -> vector<2048x64xi32>
    %add3A_47 = arith.addi %add3A_42, %concatenate3A_46 : vector<2048x64xi32>
    %broadcast_in_dim3A_48 = arith.constant 0 : i32
    %broadcast_in_dim3A_49 = vector.broadcast %broadcast_in_dim3A_48 : i32 to vector<512x64xi32>
    %slice3A_50 = vector.extract_strided_slice %add3A_47 {offsets = [0, 0], sizes = [1536, 64], strides = [1, 1]} : vector<2048x64xi32> to vector<1536x64xi32>
    %concatenate3A_51 = tpu.concatenate %broadcast_in_dim3A_49, %slice3A_50 in 0 : vector<512x64xi32>, vector<1536x64xi32> -> vector<2048x64xi32>
    %add3A_52 = arith.addi %add3A_47, %concatenate3A_51 : vector<2048x64xi32>
    %broadcast_in_dim3A_53 = arith.constant 0 : i32
    %broadcast_in_dim3A_54 = vector.broadcast %broadcast_in_dim3A_53 : i32 to vector<1024x64xi32>
    %slice3A_55 = vector.extract_strided_slice %add3A_52 {offsets = [0, 0], sizes = [1024, 64], strides = [1, 1]} : vector<2048x64xi32> to vector<1024x64xi32>
    %concatenate3A_56 = tpu.concatenate %broadcast_in_dim3A_54, %slice3A_55 in 0 : vector<1024x64xi32>, vector<1024x64xi32> -> vector<2048x64xi32>
    %add3A_57 = arith.addi %add3A_52, %concatenate3A_56 : vector<2048x64xi32>
    %get3A_58 = arith.constant 0 : index
    %get3A_59 = arith.constant 0 : index
    %get3A_60 = vector.load %arg4[%get3A_58, %get3A_59] : memref<1x64xi32, #tpu.memory_space<vmem>>, vector<1x64xi32>
    %get3A_61 = arith.constant 0 : index
    %get3A_62 = arith.constant 0 : index
    %get3A_63 = vector.load %arg2[%get3A_61, %get3A_62] : memref<1x64xi32, #tpu.memory_space<vmem>>, vector<1x64xi32>
    %add3A_64 = arith.addi %get3A_60, %get3A_63 : vector<1x64xi32>
    %sub3A = arith.constant 1 : i32
    %sub3A_65 = vector.broadcast %sub3A : i32 to vector<1x64xi32>
    %sub3A_66 = arith.subi %add3A_64, %sub3A_65 : vector<1x64xi32>
    %add3A_67 = vector.broadcast %sub3A_66 : vector<1x64xi32> to vector<2048x64xi32>
    %add3A_68 = arith.addi %add3A_57, %add3A_67 : vector<2048x64xi32>
    %mul3A = arith.muli %add3A_68, %convert_element_type3A_6 : vector<2048x64xi32>
    %reduce_sum3A = arith.constant dense<0> : vector<2048xi32>
    %reduce_sum3A_69 = vector.multi_reduction <add>, %mul3A, %reduce_sum3A [1] : vector<2048x64xi32> to vector<2048xi32>
    %broadcast_in_dim3A_70 = vector.shape_cast %reduce_sum3A_69 : vector<2048xi32> to vector<2048x1xi32>
    %swap3A = arith.constant 0 : index
    %swap3A_71 = arith.constant 0 : index
    %swap3A_72 = vector.load %arg3[%swap3A, %swap3A_71] : memref<2048x1xi32, #tpu.memory_space<vmem>>, vector<2048x1xi32>
    tpu.vector_store %arg3[%swap3A, %swap3A_71], %broadcast_in_dim3A_70 {strides = array<i32>} : memref<2048x1xi32, #tpu.memory_space<vmem>>, vector<2048x1xi32>,
    %get3A_73 = arith.constant 0 : index
    %get3A_74 = arith.constant 0 : index
    %get3A_75 = vector.load %arg4[%get3A_73, %get3A_74] : memref<1x64xi32, #tpu.memory_space<vmem>>, vector<1x64xi32>
    %slice3A_76 = vector.extract_strided_slice %add3A_57 {offsets = [2047, 0], sizes = [1, 64], strides = [1, 1]} : vector<2048x64xi32> to vector<1x64xi32>
    %add3A_77 = arith.addi %get3A_75, %slice3A_76 : vector<1x64xi32>
    %swap3A_78 = arith.constant 0 : index
    %swap3A_79 = arith.constant 0 : index
    %swap3A_80 = vector.load %arg4[%swap3A_78, %swap3A_79] : memref<1x64xi32, #tpu.memory_space<vmem>>, vector<1x64xi32>
    tpu.vector_store %arg4[%swap3A_78, %swap3A_79], %add3A_77 {strides = array<i32>} : memref<1x64xi32, #tpu.memory_space<vmem>>, vector<1x64xi32>,
    return
  }
  func.func @transform_0(%arg0: i32) -> (i32, i32) {
    %c0_i32 = arith.constant 0 : i32
    %c0_i32_0 = arith.constant 0 : i32
    return %arg0, %c0_i32 : i32, i32
  }
  func.func @transform_1(%arg0: i32) -> (i32, i32) {
    %c0_i32 = arith.constant 0 : i32
    %c0_i32_0 = arith.constant 0 : i32
    %c0_i32_1 = arith.constant 0 : i32
    return %c0_i32, %c0_i32_0 : i32, i32
  }
  func.func @transform_2(%arg0: i32) -> (i32, i32) {
    %c0_i32 = arith.constant 0 : i32
    %c0_i32_0 = arith.constant 0 : i32
    return %arg0, %c0_i32 : i32, i32
  }
}

module attributes {stable_mosaic.version = 14 : i64} {
  func.func @_gemm_body(%arg0: i32, %arg1: memref<320xi32, #tpu.memory_space<smem>>, %arg2: memref<128x768xf32, #tpu.memory_space<vmem>>, %arg3: memref<1x768x768xf32, #tpu.memory_space<vmem>>, %arg4: memref<1x1x768xf32, #tpu.memory_space<vmem>>, %arg5: memref<128x1xf32, #tpu.memory_space<vmem>>, %arg6: memref<128x768xf32, #tpu.memory_space<vmem>>) attributes {dimension_semantics = [#tpu.dimension_semantics<arbitrary>], iteration_bounds = array<i64: 320>, scalar_prefetch = 1 : i64, scratch_operands = 0 : i64, tpu.core_type = #tpu.core_type<tc>, window_params = [{transform_indices = @transform_0, window_bounds = array<i64: 128, 768>}, {transform_indices = @transform_1, window_bounds = array<i64: 1, 768, 768>}, {transform_indices = @transform_2, window_bounds = array<i64: 1, 1, 768>}, {transform_indices = @transform_3, window_bounds = array<i64: 128, 1>}, {transform_indices = @transform_4, window_bounds = array<i64: 128, 768>}]} {
    %get3A = arith.constant 0 : index
    %get3A_0 = arith.constant 0 : index
    %get3A_1 = vector.load %arg2[%get3A, %get3A_0] : memref<128x768xf32, #tpu.memory_space<vmem>>, vector<128x768xf32>
    %convert_element_type3A = arith.truncf %get3A_1 : vector<128x768xf32> to vector<128x768xbf16>
    %get3A_2 = arith.constant 0 : index
    %get3A_3 = arith.constant 0 : index
    %get3A_4 = arith.constant 0 : index
    %get3A_5 = vector.load %arg3[%get3A_2, %get3A_3, %get3A_4] : memref<1x768x768xf32, #tpu.memory_space<vmem>>, vector<1x768x768xf32>
    %get3A_6 = vector.shape_cast %get3A_5 : vector<1x768x768xf32> to vector<768x768xf32>
    %convert_element_type3A_7 = arith.truncf %get3A_6 : vector<768x768xf32> to vector<768x768xbf16>
    %dot_general3A = arith.constant dense<0.000000e+00> : vector<128x768xf32>
    %dot_general3A_8 = tpu.matmul %convert_element_type3A, %convert_element_type3A_7, %dot_general3A {dimension_numbers = #tpu.dot_dimension_numbers<[1], [1], [0], [0], [0, 0, 1, 0], [], []>, transpose_lhs_hint = false} : vector<128x768xbf16>, vector<768x768xbf16>, vector<128x768xf32> -> vector<128x768xf32>
    %get3A_9 = arith.constant 0 : index
    %get3A_10 = arith.constant 0 : index
    %get3A_11 = arith.constant 0 : index
    %get3A_12 = vector.load %arg4[%get3A_9, %get3A_10, %get3A_11] : memref<1x1x768xf32, #tpu.memory_space<vmem>>, vector<1x1x768xf32>
    %get3A_13 = vector.shape_cast %get3A_12 : vector<1x1x768xf32> to vector<1x768xf32>
    %add3A = vector.broadcast %get3A_13 : vector<1x768xf32> to vector<128x768xf32>
    %add3A_14 = arith.addf %dot_general3A_8, %add3A : vector<128x768xf32>
    %get3A_15 = arith.constant 0 : index
    %get3A_16 = arith.constant 0 : index
    %get3A_17 = vector.load %arg5[%get3A_15, %get3A_16] : memref<128x1xf32, #tpu.memory_space<vmem>>, vector<128x1xf32>
    %mul3A = vector.broadcast %get3A_17 : vector<128x1xf32> to vector<128x768xf32>
    %mul3A_18 = arith.mulf %add3A_14, %mul3A : vector<128x768xf32>
    %swap3A = arith.constant 0 : index
    %swap3A_19 = arith.constant 0 : index
    %swap3A_20 = vector.load %arg6[%swap3A, %swap3A_19] : memref<128x768xf32, #tpu.memory_space<vmem>>, vector<128x768xf32>
    tpu.vector_store %arg6[%swap3A, %swap3A_19], %mul3A_18 {strides = array<i32>} : memref<128x768xf32, #tpu.memory_space<vmem>>, vector<128x768xf32>,
    return
  }
  func.func @transform_0(%arg0: i32, %arg1: memref<320xi32, #tpu.memory_space<smem>>) -> (i32, i32) {
    %c0_i32 = arith.constant 0 : i32
    %c0_i32_0 = arith.constant 0 : i32
    return %arg0, %c0_i32 : i32, i32
  }
  func.func @transform_1(%arg0: i32, %arg1: memref<320xi32, #tpu.memory_space<smem>>) -> (i32, i32, i32) {
    %get3A = arith.index_cast %arg0 : i32 to index
    %get3A_0 = memref.load %arg1[%get3A] : memref<320xi32, #tpu.memory_space<smem>>
    %c0_i32 = arith.constant 0 : i32
    %c0_i32_1 = arith.constant 0 : i32
    %c0_i32_2 = arith.constant 0 : i32
    return %get3A_0, %c0_i32, %c0_i32_1 : i32, i32, i32
  }
  func.func @transform_2(%arg0: i32, %arg1: memref<320xi32, #tpu.memory_space<smem>>) -> (i32, i32, i32) {
    %get3A = arith.index_cast %arg0 : i32 to index
    %get3A_0 = memref.load %arg1[%get3A] : memref<320xi32, #tpu.memory_space<smem>>
    %c0_i32 = arith.constant 0 : i32
    %c0_i32_1 = arith.constant 0 : i32
    %c0_i32_2 = arith.constant 0 : i32
    return %get3A_0, %c0_i32, %c0_i32_1 : i32, i32, i32
  }
  func.func @transform_3(%arg0: i32, %arg1: memref<320xi32, #tpu.memory_space<smem>>) -> (i32, i32) {
    %c0_i32 = arith.constant 0 : i32
    %c0_i32_0 = arith.constant 0 : i32
    return %arg0, %c0_i32 : i32, i32
  }
  func.func @transform_4(%arg0: i32, %arg1: memref<320xi32, #tpu.memory_space<smem>>) -> (i32, i32) {
    %c0_i32 = arith.constant 0 : i32
    %c0_i32_0 = arith.constant 0 : i32
    return %arg0, %c0_i32 : i32, i32
  }
}

</mosaic_0001>

<sc_bundles>
// kernel: kernel.10.cloned.1.call-start
scs
__scs_entry_jumppad:
0x0: {  	(pc) =	sbr.rel $0x88, $3  }
0x1: {  	(tag) =	ssettag $0x0;
	lr =	simm.s32 $0x1  }
0x2: {  	[smem:$0x3F9C] =	sst lr;
	_ =	strace $0xD0000000  }
0x3: {  	_ = 	snop  }
0x4: {  	_ = 	snop  }
0x5: {  	_ = 	snop  }
0x6: {  	_ = 	snop  }
0x7: {  	_ = 	snop  }
__scs_overlays_trampoline_lowered:
0x8: {  	[smem:$0x3FAB] =	sst s0  }
0x9: {  	[smem:$0x3FAC] =	sst s1  }
0xa: {  	[smem:$0x3FAD] =	sst s2  }
0xb: {  	[smem:$0x3FAE] =	sst s3  }
0xc: {  	[smem:$0x3FAF] =	sst s4  }
0xd: {  	[smem:$0x3FB0] =	sst s5  }
0xe: {  	[smem:$0x3FB1] =	sst s6  }
0xf: {  	[smem:$0x3FB2] =	sst s7  }
0x10: {  	[smem:$0x3FB3] =	sst s8  }
0x11: {  	[smem:$0x3FB4] =	sst s9;
	s0 =	simm.s32 @!p0 $0x0  }
0x12: {  	s1 =	sld [smem:$0x3F9A];
	s0 =	simm.s32 @p0 $0x1  }
0x13: {  	[smem:$0x3FB5] =	sst s0;
	s0 =	simm.s32 @!p1 $0x0  }
0x14: {  	s2 =	sld [smem:$0x3F99];
	s0 =	simm.s32 @p1 $0x1  }
0x15: {  	[smem:$0x3FB6] =	sst s0;
	s0 =	simm.s32 @!p2 $0x0  }
0x16: {  	s3 =	sld [smem:$0x3FDB];
	s0 =	simm.s32 @p2 $0x1  }
0x17: {  	s4 =	simm.s32 $0x1BF5;
	[smem:$0x3FB8] =	sst s0  }
0x18: {  	s0 =	sld [smem:$0x3F9B];
	_ =	swait.ge [sflag:s4], $0x0  }
0x19: {  	s7 =	sld [smem:$0x3F9C]  }
0x1a: {  	s8 =	sadd.s32 $0xFFFFE003, lr  }
0x1b: {  	s9 =	sadd.s32 $0xFFFFFEF7, lr;
	s5 =	simm.s32 $0xFFFFFFFF;
	p2 =	slt.u32 s8, $0xFFFFF086  }
0x1c: {  	p1 =	slt.u32 s9, $0xF7A;
	s5 =	simm.s32 @!p2 $0x0  }
0x1d: {  	s5 =	simm.s32 @p1 $0x1;
	p0 =	seq.s32 s7, s2  }
0x1e: {  	s7 =	smul.u32 @!p0 $0xF7A, s2;
	p2 =	seq.s32 @!p0 s5, $0x0  }
0x1f: {  	s9 =	smul.u32 $0xF7A, s1;
	s8 =	simm.s32 @!p0 $0x1BF5;
	p2 =	por !p2, p0  }
0x20: {  	[sflag:s8] =	ssyncset.s32 @!p0 $0xFFFFF086;
	s6 =	sadd.s32 @!p0 s3, s7;
	s7 =	simm.s32 @!p0 $0x108  }
0x21: {  	s3 =	sadd.s32 s3, s9;
	s6 =	sadd.s32 @!p0 $0x88, s6;
	s7 =	simm.s32 @p2 $0x1082  }
0x22: {  	[simem:s7], [sflag:s8] =	dma.local @!p0 [hbm:s6], $0xF7A  }
0x23: {  	s9 =	sor.u32 $0xD0000000, s2;
	s6 =	simm.s32 $0x108;
	_ =	swait.ge @!p0 [sflag:s8], $0x0  }
0x24: {  	s3 =	sadd.s32 $0x88, s3;
	s6 =	simm.s32 @!p1 $0x1082;
	[sflag:s4] =	ssyncset.s32 $0xFFFFF086  }
0x25: {  	[simem:s6], [sflag:s4] =	dma.local [hbm:s3], $0xF7A  }
0x26: {  	[smem:$0x3F9C] =	sst s1;
	(tag) =	ssettag s2;
	_ =	strace s9  }
0x27: {  	s1 =	sld [smem:$0x3FAC]  }
0x28: {  	s2 =	sld [smem:$0x3FAD]  }
0x29: {  	s4 =	sld [smem:$0x3FAF]  }
0x2a: {  	p0 =	seq.s32 s5, $0x0;
	s5 =	sld [smem:$0x3FB0]  }
0x2b: {  	s6 =	sld [smem:$0x3FB1]  }
0x2c: {  	s7 =	sld [smem:$0x3FB2]  }
0x2d: {  	s3 =	simm.s32 $0x108;
	s8 =	sld [smem:$0x3FB3]  }
0x2e: {  	s3 =	simm.s32 @!p0 $0x1082;
	s9 =	sld [smem:$0x3FB4]  }
0x2f: {  	lr =	sadd.s32 s0, s3;
	s0 =	sld [smem:$0x3FAB]  }
0x30: {  	s3 =	sld [smem:$0x3FAE]  }
0x31: {  	[smem:$0x3FB7] =	sst s10  }
0x32: {  	s10 =	sld [smem:$0x3FB5];
	_ =	sdelay $0x3  }
0x33: {  	p0 =	seq.s32 s10, $0x1;
	s10 =	sld [smem:$0x3FB7];
	_ =	sdelay $0x3  }
0x34: {  	[smem:$0x3FB7] =	sst s10  }
0x35: {  	s10 =	sld [smem:$0x3FB6];
	_ =	sdelay $0x3  }
0x36: {  	p1 =	seq.s32 s10, $0x1;
	s10 =	sld [smem:$0x3FB7];
	_ =	sdelay $0x3  }
0x37: {  	[smem:$0x3FB7] =	sst s10  }
0x38: {  	s10 =	sld [smem:$0x3FB8]  }
0x39: {  	_ = 	snop;
	(pc) =	sbr.ind lr, $3  }
0x3a: {  	_ = 	snop  }
0x3b: {  	_ = 	snop  }
0x3c: {  	p2 =	seq.s32 s10, $0x1;
	s10 =	sld [smem:$0x3FB7]  }
0x3d: {  	_ =	shalt  }
0x3e: {  	_ =	shalt  }
0x3f: {  	_ =	shalt  }
0x40: {  	_ =	shalt  }
0x41: {  	_ =	shalt  }
0x42: {  	_ =	shalt  }
0x43: {  	_ =	shalt  }
0x44: {  	_ =	shalt  }
0x45: {  	_ =	shalt  }
0x46: {  	_ =	shalt  }
0x47: {  	_ =	shalt  }
0x48: {  	_ =	shalt  }
0x49: {  	_ =	shalt  }
0x4a: {  	_ =	shalt  }
0x4b: {  	_ =	shalt  }
0x4c: {  	_ =	shalt  }
0x4d: {  	_ =	shalt  }
0x4e: {  	_ =	shalt  }
0x4f: {  	_ =	shalt  }
0x50: {  	_ =	shalt  }
0x51: {  	_ =	shalt  }
0x52: {  	_ =	shalt  }
0x53: {  	_ =	shalt  }
0x54: {  	_ =	shalt  }
0x55: {  	_ =	shalt  }
0x56: {  	_ =	shalt  }
0x57: {  	_ =	shalt  }
0x58: {  	_ =	shalt  }
0x59: {  	_ =	shalt  }
0x5a: {  	_ =	shalt  }
0x5b: {  	_ =	shalt  }
0x5c: {  	_ =	shalt  }
0x5d: {  	_ =	shalt  }
0x5e: {  	_ =	shalt  }
0x5f: {  	_ =	shalt  }
0x60: {  	_ =	shalt  }
0x61: {  	_ =	shalt  }
0x62: {  	_ =	shalt  }
0x63: {  	_ =	shalt  }
0x64: {  	_ =	shalt  }
0x65: {  	_ =	shalt  }
0x66: {  	_ =	shalt  }
0x67: {  	_ =	shalt  }
0x68: {  	_ =	shalt  }
0x69: {  	_ =	shalt  }
0x6a: {  	_ =	shalt  }
0x6b: {  	_ =	shalt  }
0x6c: {  	_ =	shalt  }
0x6d: {  	_ =	shalt  }
0x6e: {  	_ =	shalt  }
0x6f: {  	_ =	shalt  }
0x70: {  	_ =	shalt  }
0x71: {  	_ =	shalt  }
0x72: {  	_ =	shalt  }
0x73: {  	_ =	shalt  }
0x74: {  	_ =	shalt  }
0x75: {  	_ =	shalt  }
0x76: {  	_ =	shalt  }
0x77: {  	_ =	shalt  }
0x78: {  	_ =	shalt  }
0x79: {  	_ =	shalt  }
0x7a: {  	_ =	shalt  }
0x7b: {  	_ =	shalt  }
0x7c: {  	_ =	shalt  }
0x7d: {  	_ =	shalt  }
0x7e: {  	_ =	shalt  }
0x7f: {  	_ =	shalt  }
0x80: {  	_ =	shalt  }
0x81: {  	_ =	shalt  }
0x82: {  	_ =	shalt  }
0x83: {  	_ =	shalt  }
0x84: {  	_ =	shalt  }
0x85: {  	_ =	shalt  }
0x86: {  	_ =	shalt  }
0x87: {  	_ =	shalt  }
.Lfunc_end0:
.L_simem_size_0:
called_computation.2_lowered:
.L_overlay_start_0:
0x88: {  	s2 =	sld [smem:$0x3FD9]  }
0x89: {  	s3 =	sld [smem:$0x3FFE];
	_ =	sdelay $0x1  }
0x8a: {  	s1 =	srdreg.scid  }
0x8b: {  	s0 =	sand.u32 $0x1, s1  }
0x8c: {  	s14 =	sshll.u32 s0, $0xA;
	s2 =	sadd.s32 s3, s2  }
0x8d: {  	s2 =	sadd.s32 s2, s14  }
0x8e: {  	[smem:$0x3FC3] =	sst s2  }
0x8f: {  	_ = 	snop  }
0x90: {  	s2 =	sld [smem:$0x3FD0];
	_ =	sdelay $0x2  }
0x91: {  	s15 =	simm.s32 $0xA;
	s4 =	simm.s32 $0x10  }
0x92: {  	[smem:s4], [sflag:s15] =	dma.local [hbm:s2], $0x1  }
0x93: {  	_ =	swait.eq [sflag:s15], $0x1  }
0x94: {  	[sflag:s15] =	ssyncset.done $0x0  }
0x95: {  	[sflag:s15] =	ssyncadd.s32 $0xFFFFFFFF  }
0x96: {  	s16 =	sld [smem:$0x10];
	(tm) =	ssettm $0x1  }
0x97: {  	s17 =	sld [smem:$0x3FFB];
	_ =	sdelay $0x3  }
0x98: {  	_ =	strace s17  }
0x99: {  	s3 =	sld [smem:$0x3FFC];
	_ =	sdelay $0x3  }
0x9a: {  	_ =	strace s3  }
0x9b: {  	s3 =	sld [smem:$0x3FFD];
	_ =	sdelay $0x3  }
0x9c: {  	_ =	strace s3  }
0x9d: {  	_ =	strace $0x8FFFFFFF  }
0x9e: {  	s18 =	sld [smem:$0x3FDB];
	_ =	sdelay $0x1  }
0x9f: {  	s19 =	simm.s32 $_scs_section_size  }
0xa0: {  	s5 =	simm.s32 $_size__tile_overlayer_lowered;
	s6 =	simm.s32 $_tile_overlayer_lowered  }
0xa1: {  	s22 =	simm.s32 $0x1BFF;
	s21 =	sshll.u32 s6, $0x1;
	s3 =	sadd.s32 s19, s18  }
0xa2: {  	s7 =	simm.s32 $0x0;
	s20 =	sshll.u32 s5, $0x1;
	s5 =	sadd.s32 s21, s3  }
0xa3: {  	[timem:s7], [sflag:s22] =	dma.local [hbm:s5], s20  }
0xa4: {  	_ =	swait.ge [sflag:s22], s20  }
0xa5: {  	s4 =	ssub.s32 $0x0, s20;
	[sflag:s22] =	ssyncset.done $0x0  }
0xa6: {  	[sflag:s22] =	ssyncadd.s32 s4;
	_ =	sdelay $0x1  }
0xa7: {  	s23 =	simm.s32 $0x1B8B  }
0xa8: {  	_ =	swait.ge [sflag:s23], $0x1  }
0xa9: {  	[sflag:s23] =	ssyncset.done $0x0  }
0xaa: {  	s25 =	simm.s32 $0x1B8E;
	s24 =	sld [smem:$0x3FFE];
	[sflag:s23] =	ssyncadd.s32 $0xFFFFFFFF  }
0xab: {  	s26 =	simm.s32 $execute0_lowered;
	[smem:$0x3FD2] =	sst s25  }
0xac: {  	s5 =	sshll.u32 s26, $0x1;
	_ =	strace $0x8000004C;
	[dreg:$0x1] =	wrdreg $0xFFFFFFFF  }
0xad: {  	s28 =	simm.s32 $_size_execute0_lowered;
	s3 =	sadd.s32 s3, s5;
	[dreg:$0x0] =	wrdreg $0x0  }
0xae: {  	s5 =	sshll.u32 s28, $0x1;
	[dreg:$0x2] =	wrdreg s3  }
0xaf: {  	[dreg:$0x3] =	wrdreg s5  }
0xb0: {  	[dreg:$0x4] =	wrdreg $0xC0  }
0xb1: {  	_ =	task [dreg:s7], $0x5FFFF  }
0xb2: {  	[dreg:$0x1] =	wrdreg $0xFFFFFFFF  }
0xb3: {  	[dreg:$0x0] =	wrdreg $0x60  }
0xb4: {  	[dreg:$0x2] =	wrdreg s24  }
0xb5: {  	[dreg:$0x3] =	wrdreg s16  }
0xb6: {  	[dreg:$0x4] =	wrdreg $0x9  }
0xb7: {  	_ =	task.clear_ibuf [dreg:s7], $0x5FFFF;
	_ =	strace $0x9000004C  }
0xb8: {  	s29 =	simm.s32 $0x9;
	_ =	strace $0x8000004E  }
0xb9: {  	_ =	swait.ge [sflag:s29], $0x1  }
0xba: {  	[sflag:s29] =	ssyncadd.s32 $0xFFFFFFFF  }
0xbb: {  	_ =	strace $0x9000004E  }
0xbc: {  	_ =	sfence  }
0xbd: {  	s30 =	sld [smem:$0x0];
	_ =	sdelay $0x2  }
0xbe: {  	s31 =	sshll.u32 s1, $0xD;
	s1 =	sshrl.u32 s1, $0x2  }
0xbf: {  	s3 =	sand.u32 $0x4000, s31;
	s1 =	sadd.s32 s1, s30  }
0xc0: {  	s0 =	sor.u32 s3, s0;
	s1 =	sshll.u32 s1, $0x11  }
0xc1: {  	s0 =	sor.u32 s1, s0  }
0xc2: {  	s0 =	sadd.s32 $0x8F2B, s0  }
0xc3: {  	[sflag:s0] =	ssyncadd.remote.s32 $0x1  }
0xc4: {  	_ =	sfence.sel $0xFFFF  }
0xc5: {  	[dreg:$0x0] =	wrdreg $0xFFFFFFFF;
	(pc) =	sbr.abs _section_cstart, $3  }
0xc6: {  	[dreg:$0x1] =	wrdreg $0xFFFFFFFF  }
0xc7: {  	_ =	task.clear_ibuf [dreg:s7], $0x2FFFF;
	_ =	strace $0x9FFFFFFF  }
0xc8: {  	(tm) =	ssettm $0x7FFFFFFF  }
0xc9: {  	_ =	shalt  }
tec
execute0_lowered:
.L_overlay_start_1:
0x0: {  	(tag) =	ssettag $0x1  }
0x1: {  	s0 =	rddreg [dreg:$0x0];
	s1 =	simm.s32 $0x0;
	s24 =	srdreg.scid  }
0x2: {  	s7 =	stileid.u32;
	s11 =	simm.s32 $0x3;
	s13 =	simm.s32 $0x100  }
0x3: {  	s28 =	simm.s32 $0x12900;
	s29 =	simm.s32 $0x13100;
	s30 =	simm.s32 $0x13900  }
0x4: {  	s31 =	simm.s32 $0x14100;
	s10 =	simm.s32 $0x15900;
	s12 =	simm.s32 $0x17100  }
0x5: {  	s14 =	simm.s32 $0x17900;
	s15 =	simm.s32 $0x1;
	s16 =	simm.s32 $0x2  }
0x6: {  	s18 =	simm.s32 $0x0;
	[smem:$0x7FF] =	sst s1;
	s1 =	sand.u32 $0x1, s24  }
0x7: {  	s4 =	sadd.s32 $0x442200, s0;
	s5 =	sadd.s32 $0x80800, s0;
	s6 =	sadd.s32 $0x80000, s0  }
0x8: {  	s25 =	sshll.u32 s7, $0x7;
	s8 =	sadd.s32 $0x442300, s0;
	s9 =	sadd.s32 $0x442400, s0  }
0x9: {  	s24 =	simm.s32 $0x11100;
	s0 =	simm.s32 $0x14900;
	s2 =	ssub.s32 $0x2, s1  }
0xa: {  	_ =	strace $0x8000004D;
	s1 =	sshll.u32 s1, $0x6;
	s3 =	sshrl.u32 s2, $0x1  }
0xb: {  	v2 =	vlaneseq.u32;
	s7 =	sor.u32 s1, s25;
	s25 =	simm.s32 $0x11900;
	s2 =	ssub.s32 s2, s3  }
0xc: {  	vm0 =	vmmov $0xffff;
	v1 =	vshrl.u32 v2, $0x3;
	s1 =	simm.s32 $0x16100;
	s3 =	simm.s32 $0x15100;
	s26 =	smax.u32 s2, $0x1  }
0xd: {  	v0 =	vand.u32 $0x7, v2;
	v2 =	vor.u32 $0x8, v2;
	v1 =	vmul.u32 $0x8, v1;
	s2 =	simm.s32 $0x16900;
	[dreg:$0x3] =	wrdreg s26;
	s26 =	simm.s32 $0x12100  }
.LBB2_1:
0xe: {  	[dreg:$0x4] =	wrdreg s18;
	s17 =	simm.s32 $0x0  }
.LBB2_2:
0xf: {  	s18 =	sshll.u32 s17, $0x3  }
0x10: {  	s18 =	sadd.s32 s7, s18  }
0x11: {  	s19 =	simm.s32 $0x0;
	s20 =	sadd.s32 s5, s18  }
0x12: {  	[tilespmem:s19], [sflag:$0x3] =	stream.linear.gather [hbm4b:s20+s19], $0x40, $0x38;
	[tilespmem:$0x18100] =	vst v63  }
0x13: {  	_ =	swait.ge [sflag:s11], $0x40  }
0x14: {  	[sflag:s11] =	ssyncset.done $0x0  }
0x15: {  	s21 =	simm.s32 $0x80;
	s23 =	sadd.s32 s6, s18;
	[sflag:s11] =	ssyncadd.s32 $0xFFFFFFC0  }
0x16: {  	[tilespmem:s21], [sflag:$0x3] =	stream.linear.gather [hbm4b:s23+s19], $0x40, $0x38;
	[tilespmem:$0x18100] =	vst v63  }
0x17: {  	_ =	swait.ge [sflag:s11], $0x40  }
0x18: {  	[sflag:s11] =	ssyncset.done $0x0  }
0x19: {  	[sflag:s11] =	ssyncadd.s32 $0xFFFFFFC0  }
0x1a: {  	v3 =	vld [tilespmem:$0x0];
	_ =	sdelay $0x4  }
0x1b: {  	v4 =	vshrl.u32 v3, $0x3  }
0x1c: {  	v4 =	vmul.u32 $0x30, v4  }
0x1d: {  	v3 =	vand.u32 $0x7, v3  }
0x1e: {  	v3 =	vor.u32 v3, v4  }
0x1f: {  	v4 =	vperm.xlane v3, v0;
	_ =	sdelay $0x1  }
0x20: {  	v4 =	vadd.s32 v1, v4;
	_ =	sdelay $0x3  }
0x21: {  	v3 =	vperm.xlane v3, v2  }
0x22: {  	[tilespmem:s13], [sflag:$0x1] =	stream.indirect_vreg.gather [hbm4b:s4+s19], $0x80, v4, vm0, $0xb8;
	[tilespmem:$0x18100] =	vst v63  }
0x23: {  	s22 =	simm.s32 $0x900;
	v3 =	vadd.s32 v1, v3  }
0x24: {  	[tilespmem:s22], [sflag:$0x1] =	stream.indirect_vreg.gather [hbm4b:s8+s19], $0x80, v4, vm0, $0xb8;
	[tilespmem:$0x18100] =	vst v63  }
0x25: {  	s23 =	simm.s32 $0x1100  }
0x26: {  	[tilespmem:s23], [sflag:$0x1] =	stream.indirect_vreg.gather [hbm4b:s9+s19], $0x80, v4, vm0, $0xb8;
	[tilespmem:$0x18100] =	vst v63  }
0x27: {  	s21 =	simm.s32 $0x1900  }
0x28: {  	[tilespmem:s21], [sflag:$0x1] =	stream.indirect_vreg.gather [hbm4b:s4+s19], $0x80, v3, vm0, $0xb8;
	[tilespmem:$0x18100] =	vst v63  }
0x29: {  	s22 =	simm.s32 $0x2100  }
0x2a: {  	[tilespmem:s22], [sflag:$0x1] =	stream.indirect_vreg.gather [hbm4b:s8+s19], $0x80, v3, vm0, $0xb8;
	[tilespmem:$0x18100] =	vst v63  }
0x2b: {  	s23 =	simm.s32 $0x2900  }
0x2c: {  	[tilespmem:s23], [sflag:$0x1] =	stream.indirect_vreg.gather [hbm4b:s9+s19], $0x80, v3, vm0, $0xb8;
	[tilespmem:$0x18100] =	vst v63  }
0x2d: {  	v3 =	vld [tilespmem:$0x10];
	_ =	sdelay $0x4  }
0x2e: {  	v4 =	vshrl.u32 v3, $0x3  }
0x2f: {  	v4 =	vmul.u32 $0x30, v4  }
0x30: {  	v3 =	vand.u32 $0x7, v3  }
0x31: {  	v3 =	vor.u32 v3, v4  }
0x32: {  	v4 =	vperm.xlane v3, v0;
	_ =	sdelay $0x1  }
0x33: {  	v4 =	vadd.s32 v1, v4;
	_ =	sdelay $0x3  }
0x34: {  	s21 =	simm.s32 $0x3100;
	v3 =	vperm.xlane v3, v2  }
0x35: {  	[tilespmem:s21], [sflag:$0x1] =	stream.indirect_vreg.gather [hbm4b:s4+s19], $0x80, v4, vm0, $0xb8;
	[tilespmem:$0x18100] =	vst v63  }
0x36: {  	s22 =	simm.s32 $0x3900;
	v3 =	vadd.s32 v1, v3  }
0x37: {  	[tilespmem:s22], [sflag:$0x1] =	stream.indirect_vreg.gather [hbm4b:s8+s19], $0x80, v4, vm0, $0xb8;
	[tilespmem:$0x18100] =	vst v63  }
0x38: {  	s23 =	simm.s32 $0x4100  }
0x39: {  	[tilespmem:s23], [sflag:$0x1] =	stream.indirect_vreg.gather [hbm4b:s9+s19], $0x80, v4, vm0, $0xb8;
	[tilespmem:$0x18100] =	vst v63  }
0x3a: {  	s21 =	simm.s32 $0x4900  }
0x3b: {  	[tilespmem:s21], [sflag:$0x1] =	stream.indirect_vreg.gather [hbm4b:s4+s19], $0x80, v3, vm0, $0xb8;
	[tilespmem:$0x18100] =	vst v63  }
0x3c: {  	s22 =	simm.s32 $0x5100  }
0x3d: {  	[tilespmem:s22], [sflag:$0x1] =	stream.indirect_vreg.gather [hbm4b:s8+s19], $0x80, v3, vm0, $0xb8;
	[tilespmem:$0x18100] =	vst v63  }
0x3e: {  	s23 =	simm.s32 $0x5900  }
0x3f: {  	[tilespmem:s23], [sflag:$0x1] =	stream.indirect_vreg.gather [hbm4b:s9+s19], $0x80, v3, vm0, $0xb8;
	[tilespmem:$0x18100] =	vst v63  }
0x40: {  	v3 =	vld [tilespmem:$0x20];
	_ =	sdelay $0x4  }
0x41: {  	v4 =	vshrl.u32 v3, $0x3  }
0x42: {  	v4 =	vmul.u32 $0x30, v4  }
0x43: {  	v3 =	vand.u32 $0x7, v3  }
0x44: {  	v3 =	vor.u32 v3, v4  }
0x45: {  	v4 =	vperm.xlane v3, v0;
	_ =	sdelay $0x1  }
0x46: {  	v4 =	vadd.s32 v1, v4;
	_ =	sdelay $0x3  }
0x47: {  	s21 =	simm.s32 $0x6100;
	v3 =	vperm.xlane v3, v2  }
0x48: {  	[tilespmem:s21], [sflag:$0x1] =	stream.indirect_vreg.gather [hbm4b:s4+s19], $0x80, v4, vm0, $0xb8;
	[tilespmem:$0x18100] =	vst v63  }
0x49: {  	s22 =	simm.s32 $0x6900;
	v3 =	vadd.s32 v1, v3  }
0x4a: {  	[tilespmem:s22], [sflag:$0x1] =	stream.indirect_vreg.gather [hbm4b:s8+s19], $0x80, v4, vm0, $0xb8;
	[tilespmem:$0x18100] =	vst v63  }
0x4b: {  	s23 =	simm.s32 $0x7100  }
0x4c: {  	[tilespmem:s23], [sflag:$0x1] =	stream.indirect_vreg.gather [hbm4b:s9+s19], $0x80, v4, vm0, $0xb8;
	[tilespmem:$0x18100] =	vst v63  }
0x4d: {  	s21 =	simm.s32 $0x7900  }
0x4e: {  	[tilespmem:s21], [sflag:$0x1] =	stream.indirect_vreg.gather [hbm4b:s4+s19], $0x80, v3, vm0, $0xb8;
	[tilespmem:$0x18100] =	vst v63  }
0x4f: {  	s22 =	simm.s32 $0x8100  }
0x50: {  	[tilespmem:s22], [sflag:$0x1] =	stream.indirect_vreg.gather [hbm4b:s8+s19], $0x80, v3, vm0, $0xb8;
	[tilespmem:$0x18100] =	vst v63  }
0x51: {  	s23 =	simm.s32 $0x8900  }
0x52: {  	[tilespmem:s23], [sflag:$0x1] =	stream.indirect_vreg.gather [hbm4b:s9+s19], $0x80, v3, vm0, $0xb8;
	[tilespmem:$0x18100] =	vst v63  }
0x53: {  	v3 =	vld [tilespmem:$0x30];
	_ =	sdelay $0x4  }
0x54: {  	v4 =	vshrl.u32 v3, $0x3  }
0x55: {  	v4 =	vmul.u32 $0x30, v4  }
0x56: {  	v3 =	vand.u32 $0x7, v3  }
0x57: {  	v3 =	vor.u32 v3, v4  }
0x58: {  	v4 =	vperm.xlane v3, v0;
	_ =	sdelay $0x1  }
0x59: {  	v4 =	vadd.s32 v1, v4;
	_ =	sdelay $0x3  }
0x5a: {  	s21 =	simm.s32 $0x9100;
	v3 =	vperm.xlane v3, v2  }
0x5b: {  	[tilespmem:s21], [sflag:$0x1] =	stream.indirect_vreg.gather [hbm4b:s4+s19], $0x80, v4, vm0, $0xb8;
	[tilespmem:$0x18100] =	vst v63  }
0x5c: {  	s22 =	simm.s32 $0x9900;
	v3 =	vadd.s32 v1, v3  }
0x5d: {  	[tilespmem:s22], [sflag:$0x1] =	stream.indirect_vreg.gather [hbm4b:s8+s19], $0x80, v4, vm0, $0xb8;
	[tilespmem:$0x18100] =	vst v63  }
0x5e: {  	s23 =	simm.s32 $0xA100  }
0x5f: {  	[tilespmem:s23], [sflag:$0x1] =	stream.indirect_vreg.gather [hbm4b:s9+s19], $0x80, v4, vm0, $0xb8;
	[tilespmem:$0x18100] =	vst v63  }
0x60: {  	s21 =	simm.s32 $0xA900  }
0x61: {  	[tilespmem:s21], [sflag:$0x1] =	stream.indirect_vreg.gather [hbm4b:s4+s19], $0x80, v3, vm0, $0xb8;
	[tilespmem:$0x18100] =	vst v63  }
0x62: {  	s22 =	simm.s32 $0xB100  }
0x63: {  	[tilespmem:s22], [sflag:$0x1] =	stream.indirect_vreg.gather [hbm4b:s8+s19], $0x80, v3, vm0, $0xb8;
	[tilespmem:$0x18100] =	vst v63  }
0x64: {  	s23 =	simm.s32 $0xB900  }
0x65: {  	[tilespmem:s23], [sflag:$0x1] =	stream.indirect_vreg.gather [hbm4b:s9+s19], $0x80, v3, vm0, $0xb8;
	[tilespmem:$0x18100] =	vst v63  }
0x66: {  	v3 =	vld [tilespmem:$0x80];
	_ =	sdelay $0x4  }
0x67: {  	v4 =	vshrl.u32 v3, $0x3  }
0x68: {  	v4 =	vmul.u32 $0x30, v4  }
0x69: {  	v3 =	vand.u32 $0x7, v3  }
0x6a: {  	v3 =	vor.u32 v3, v4  }
0x6b: {  	v4 =	vperm.xlane v3, v0;
	_ =	sdelay $0x1  }
0x6c: {  	v4 =	vadd.s32 v1, v4;
	_ =	sdelay $0x3  }
0x6d: {  	s21 =	simm.s32 $0xC100;
	v3 =	vperm.xlane v3, v2  }
0x6e: {  	[tilespmem:s21], [sflag:$0x2] =	stream.indirect_vreg.gather [hbm4b:s4+s19], $0x80, v4, vm0, $0xb8;
	[tilespmem:$0x18100] =	vst v63  }
0x6f: {  	s22 =	simm.s32 $0xC900;
	v3 =	vadd.s32 v1, v3  }
0x70: {  	[tilespmem:s22], [sflag:$0x2] =	stream.indirect_vreg.gather [hbm4b:s8+s19], $0x80, v4, vm0, $0xb8;
	[tilespmem:$0x18100] =	vst v63  }
0x71: {  	s23 =	simm.s32 $0xD100  }
0x72: {  	[tilespmem:s23], [sflag:$0x2] =	stream.indirect_vreg.gather [hbm4b:s9+s19], $0x80, v4, vm0, $0xb8;
	[tilespmem:$0x18100] =	vst v63  }
0x73: {  	s21 =	simm.s32 $0xD900  }
0x74: {  	[tilespmem:s21], [sflag:$0x2] =	stream.indirect_vreg.gather [hbm4b:s4+s19], $0x80, v3, vm0, $0xb8;
	[tilespmem:$0x18100] =	vst v63  }
0x75: {  	s22 =	simm.s32 $0xE100  }
0x76: {  	[tilespmem:s22], [sflag:$0x2] =	stream.indirect_vreg.gather [hbm4b:s8+s19], $0x80, v3, vm0, $0xb8;
	[tilespmem:$0x18100] =	vst v63  }
0x77: {  	s23 =	simm.s32 $0xE900  }
0x78: {  	[tilespmem:s23], [sflag:$0x2] =	stream.indirect_vreg.gather [hbm4b:s9+s19], $0x80, v3, vm0, $0xb8;
	[tilespmem:$0x18100] =	vst v63  }
0x79: {  	v3 =	vld [tilespmem:$0x90];
	_ =	sdelay $0x4  }
0x7a: {  	v4 =	vshrl.u32 v3, $0x3  }
0x7b: {  	v4 =	vmul.u32 $0x30, v4  }
0x7c: {  	v3 =	vand.u32 $0x7, v3  }
0x7d: {  	v3 =	vor.u32 v3, v4  }
0x7e: {  	v4 =	vperm.xlane v3, v0;
	_ =	sdelay $0x1  }
0x7f: {  	v4 =	vadd.s32 v1, v4;
	_ =	sdelay $0x3  }
0x80: {  	s21 =	simm.s32 $0xF100;
	v3 =	vperm.xlane v3, v2  }
0x81: {  	[tilespmem:s21], [sflag:$0x2] =	stream.indirect_vreg.gather [hbm4b:s4+s19], $0x80, v4, vm0, $0xb8;
	[tilespmem:$0x18100] =	vst v63  }
0x82: {  	s22 =	simm.s32 $0xF900;
	v3 =	vadd.s32 v1, v3  }
0x83: {  	[tilespmem:s22], [sflag:$0x2] =	stream.indirect_vreg.gather [hbm4b:s8+s19], $0x80, v4, vm0, $0xb8;
	[tilespmem:$0x18100] =	vst v63  }
0x84: {  	s23 =	simm.s32 $0x10100  }
0x85: {  	[tilespmem:s23], [sflag:$0x2] =	stream.indirect_vreg.gather [hbm4b:s9+s19], $0x80, v4, vm0, $0xb8;
	[tilespmem:$0x18100] =	vst v63  }
0x86: {  	s21 =	simm.s32 $0x10900  }
0x87: {  	[tilespmem:s21], [sflag:$0x2] =	stream.indirect_vreg.gather [hbm4b:s4+s19], $0x80, v3, vm0, $0xb8;
	[tilespmem:$0x18100] =	vst v63  }
0x88: {  	_ = 	snop  }
0x89: {  	[tilespmem:s24], [sflag:$0x2] =	stream.indirect_vreg.gather [hbm4b:s8+s19], $0x80, v3, vm0, $0xb8;
	[tilespmem:$0x18100] =	vst v63  }
0x8a: {  	_ = 	snop  }
0x8b: {  	[tilespmem:s25], [sflag:$0x2] =	stream.indirect_vreg.gather [hbm4b:s9+s19], $0x80, v3, vm0, $0xb8;
	[tilespmem:$0x18100] =	vst v63  }
0x8c: {  	v3 =	vld [tilespmem:$0xA0];
	_ =	sdelay $0x4  }
0x8d: {  	v4 =	vshrl.u32 v3, $0x3  }
0x8e: {  	v4 =	vmul.u32 $0x30, v4  }
0x8f: {  	v3 =	vand.u32 $0x7, v3  }
0x90: {  	v3 =	vor.u32 v3, v4  }
0x91: {  	v4 =	vperm.xlane v3, v0;
	_ =	sdelay $0x1  }
0x92: {  	v4 =	vadd.s32 v1, v4;
	_ =	sdelay $0x3  }
0x93: {  	v3 =	vperm.xlane v3, v2  }
0x94: {  	[tilespmem:s26], [sflag:$0x2] =	stream.indirect_vreg.gather [hbm4b:s4+s19], $0x80, v4, vm0, $0xb8;
	[tilespmem:$0x18100] =	vst v63  }
0x95: {  	v3 =	vadd.s32 v1, v3  }
0x96: {  	[tilespmem:s28], [sflag:$0x2] =	stream.indirect_vreg.gather [hbm4b:s8+s19], $0x80, v4, vm0, $0xb8;
	[tilespmem:$0x18100] =	vst v63  }
0x97: {  	_ = 	snop  }
0x98: {  	[tilespmem:s29], [sflag:$0x2] =	stream.indirect_vreg.gather [hbm4b:s9+s19], $0x80, v4, vm0, $0xb8;
	[tilespmem:$0x18100] =	vst v63  }
0x99: {  	_ = 	snop  }
0x9a: {  	[tilespmem:s30], [sflag:$0x2] =	stream.indirect_vreg.gather [hbm4b:s4+s19], $0x80, v3, vm0, $0xb8;
	[tilespmem:$0x18100] =	vst v63  }
0x9b: {  	_ = 	snop  }
0x9c: {  	[tilespmem:s31], [sflag:$0x2] =	stream.indirect_vreg.gather [hbm4b:s8+s19], $0x80, v3, vm0, $0xb8;
	[tilespmem:$0x18100] =	vst v63  }
0x9d: {  	_ = 	snop  }
0x9e: {  	[tilespmem:s0], [sflag:$0x2] =	stream.indirect_vreg.gather [hbm4b:s9+s19], $0x80, v3, vm0, $0xb8;
	[tilespmem:$0x18100] =	vst v63  }
0x9f: {  	v3 =	vld [tilespmem:$0xB0];
	_ =	sdelay $0x4  }
0xa0: {  	v4 =	vshrl.u32 v3, $0x3  }
0xa1: {  	v4 =	vmul.u32 $0x30, v4  }
0xa2: {  	v3 =	vand.u32 $0x7, v3  }
0xa3: {  	v3 =	vor.u32 v3, v4  }
0xa4: {  	v4 =	vperm.xlane v3, v0;
	_ =	sdelay $0x1  }
0xa5: {  	v4 =	vadd.s32 v1, v4;
	_ =	sdelay $0x3  }
0xa6: {  	v3 =	vperm.xlane v3, v2  }
0xa7: {  	[tilespmem:s3], [sflag:$0x2] =	stream.indirect_vreg.gather [hbm4b:s4+s19], $0x80, v4, vm0, $0xb8;
	[tilespmem:$0x18100] =	vst v63  }
0xa8: {  	v3 =	vadd.s32 v1, v3  }
0xa9: {  	[tilespmem:s10], [sflag:$0x2] =	stream.indirect_vreg.gather [hbm4b:s8+s19], $0x80, v4, vm0, $0xb8;
	[tilespmem:$0x18100] =	vst v63  }
0xaa: {  	_ = 	snop  }
0xab: {  	[tilespmem:s1], [sflag:$0x2] =	stream.indirect_vreg.gather [hbm4b:s9+s19], $0x80, v4, vm0, $0xb8;
	[tilespmem:$0x18100] =	vst v63  }
0xac: {  	_ = 	snop  }
0xad: {  	[tilespmem:s2], [sflag:$0x2] =	stream.indirect_vreg.gather [hbm4b:s4+s19], $0x80, v3, vm0, $0xb8;
	[tilespmem:$0x18100] =	vst v63  }
0xae: {  	_ = 	snop  }
0xaf: {  	[tilespmem:s12], [sflag:$0x2] =	stream.indirect_vreg.gather [hbm4b:s8+s19], $0x80, v3, vm0, $0xb8;
	[tilespmem:$0x18100] =	vst v63  }
0xb0: {  	_ = 	snop  }
0xb1: {  	[tilespmem:s14], [sflag:$0x2] =	stream.indirect_vreg.gather [hbm4b:s9+s19], $0x80, v3, vm0, $0xb8;
	[tilespmem:$0x18100] =	vst v63  }
0xb2: {  	_ =	swait.ge [sflag:s15], $0xC000  }
0xb3: {  	[sflag:s15] =	ssyncset.done $0x0  }
0xb4: {  	s22 =	simm.s32 $0x0;
	[sflag:s15] =	ssyncadd.s32 $0xFFFF4000  }
0xb5: {  	s20 =	smul.u32 $0x1800, s22;
	_ =	swait.ge [sflag:s16], $0xC000  }
0xb6: {  	s23 =	sand.u32 $0x380, s19;
	[sflag:s16] =	ssyncset.done $0x0  }
0xb7: {  	s20 =	sor.u32 s23, s20;
	[sflag:s16] =	ssyncadd.s32 $0xFFFF4000  }
0xb8: {  	v12 =	vld [tilespmem:s20+$0xC100]  }
0xb9: {  	v13 =	vld [tilespmem:s20+$0xC110]  }
0xba: {  	v14 =	vld [tilespmem:s20+$0xC120]  }
0xbb: {  	v15 =	vld [tilespmem:s20+$0xC130]  }
0xbc: {  	v16 =	vld [tilespmem:s20+$0xC140]  }
0xbd: {  	v17 =	vld [tilespmem:s20+$0xC150]  }
0xbe: {  	v18 =	vld [tilespmem:s20+$0xC160]  }
0xbf: {  	v19 =	vld [tilespmem:s20+$0xC170]  }
0xc0: {  	v20 =	vld [tilespmem:s20+$0xC500]  }
0xc1: {  	v21 =	vld [tilespmem:s20+$0xC510]  }
0xc2: {  	v22 =	vld [tilespmem:s20+$0xC520]  }
0xc3: {  	v23 =	vld [tilespmem:s20+$0xC530]  }
0xc4: {  	v24 =	vld [tilespmem:s20+$0xC540]  }
0xc5: {  	v25 =	vld [tilespmem:s20+$0xC550]  }
0xc6: {  	v26 =	vld [tilespmem:s20+$0xC560]  }
0xc7: {  	v27 =	vld [tilespmem:s20+$0xC570]  }
0xc8: {  	v28 =	vld [tilespmem:s20+$0xC900]  }
0xc9: {  	v29 =	vld [tilespmem:s20+$0xC910]  }
0xca: {  	v30 =	vld [tilespmem:s20+$0xC920]  }
0xcb: {  	v31 =	vld [tilespmem:s20+$0xC930]  }
0xcc: {  	v32 =	vld [tilespmem:s20+$0xC940]  }
0xcd: {  	v33 =	vld [tilespmem:s20+$0xC950]  }
0xce: {  	v34 =	vld [tilespmem:s20+$0xC960]  }
0xcf: {  	v35 =	vld [tilespmem:s20+$0xC970]  }
0xd0: {  	v36 =	vld [tilespmem:s20+$0xCD00]  }
0xd1: {  	v37 =	vld [tilespmem:s20+$0xCD10]  }
0xd2: {  	v38 =	vld [tilespmem:s20+$0xCD20]  }
0xd3: {  	v39 =	vld [tilespmem:s20+$0xCD30]  }
0xd4: {  	v40 =	vld [tilespmem:s20+$0xCD40]  }
0xd5: {  	v41 =	vld [tilespmem:s20+$0xCD50]  }
0xd6: {  	v42 =	vld [tilespmem:s20+$0xCD60]  }
0xd7: {  	v43 =	vld [tilespmem:s20+$0xCD70]  }
0xd8: {  	v44 =	vld [tilespmem:s20+$0xD100]  }
0xd9: {  	v45 =	vld [tilespmem:s20+$0xD110]  }
0xda: {  	v46 =	vld [tilespmem:s20+$0xD120]  }
0xdb: {  	v47 =	vld [tilespmem:s20+$0xD130]  }
0xdc: {  	v48 =	vld [tilespmem:s20+$0xD140]  }
0xdd: {  	v49 =	vld [tilespmem:s20+$0xD150]  }
0xde: {  	v50 =	vld [tilespmem:s20+$0xD160]  }
0xdf: {  	v11 =	vld [tilespmem:s20+$0xD170]  }
0xe0: {  	v10 =	vld [tilespmem:s20+$0xD500]  }
0xe1: {  	v9 =	vld [tilespmem:s20+$0xD510]  }
0xe2: {  	v8 =	vld [tilespmem:s20+$0xD520]  }
0xe3: {  	v7 =	vld [tilespmem:s20+$0xD530]  }
0xe4: {  	v6 =	vld [tilespmem:s20+$0xD540]  }
0xe5: {  	v51 =	vld [tilespmem:s20+$0x100]  }
0xe6: {  	v52 =	vld [tilespmem:s20+$0x110]  }
0xe7: {  	v53 =	vld [tilespmem:s20+$0x120]  }
0xe8: {  	v54 =	vld [tilespmem:s20+$0x130]  }
0xe9: {  	v55 =	vld [tilespmem:s20+$0x140]  }
0xea: {  	v62 =	vld [tilespmem:s20+$0x150];
	v12 =	vadd.f32 v12, v51  }
0xeb: {  	v63 =	vld [tilespmem:s20+$0x160];
	v13 =	vadd.f32 v13, v52  }
0xec: {  	[tilespmem:s20+$0x100] =	vst v12;
	v12 =	vadd.f32 v14, v53;
	v14 =	vld [tilespmem:s20+$0x170]  }
0xed: {  	[tilespmem:s20+$0x110] =	vst v13;
	v13 =	vadd.f32 v15, v54;
	v15 =	vld [tilespmem:s20+$0x500]  }
0xee: {  	[tilespmem:s20+$0x120] =	vst v12;
	v12 =	vadd.f32 v16, v55;
	v16 =	vld [tilespmem:s20+$0x510]  }
0xef: {  	[tilespmem:s20+$0x130] =	vst v13;
	v13 =	vadd.f32 v17, v62;
	v17 =	vld [tilespmem:s20+$0x520]  }
0xf0: {  	v5 =	vld [tilespmem:s20+$0xD550]  }
0xf1: {  	[tilespmem:s20+$0x140] =	vst v12;
	v12 =	vadd.f32 v18, v63;
	v18 =	vld [tilespmem:s20+$0x570]  }
0xf2: {  	[tilespmem:s20+$0x150] =	vst v13;
	v13 =	vadd.f32 v19, v14;
	v14 =	vld [tilespmem:s20+$0x530]  }
0xf3: {  	[tilespmem:s20+$0x160] =	vst v12;
	v12 =	vadd.f32 v20, v15;
	v15 =	vld [tilespmem:s20+$0x540]  }
0xf4: {  	[tilespmem:s20+$0x170] =	vst v13;
	v13 =	vadd.f32 v21, v16;
	v16 =	vadd.f32 v22, v17;
	v17 =	vld [tilespmem:s20+$0x560]  }
0xf5: {  	[tilespmem:s20+$0x500] =	vst v12;
	v12 =	vld [tilespmem:s20+$0x550]  }
0xf6: {  	[tilespmem:s20+$0x510] =	vst v13;
	v13 =	vld [tilespmem:s20+$0x900];
	v18 =	vadd.f32 v27, v18  }
0xf7: {  	[tilespmem:s20+$0x520] =	vst v16;
	v16 =	vld [tilespmem:s20+$0x910];
	v14 =	vadd.f32 v23, v14  }
0xf8: {  	v4 =	vld [tilespmem:s20+$0xD560];
	v15 =	vadd.f32 v24, v15;
	[tilespmem:s20+$0x570] =	vst v18  }
0xf9: {  	[tilespmem:s20+$0x530] =	vst v14;
	v14 =	vld [tilespmem:s20+$0x920];
	v17 =	vadd.f32 v26, v17  }
0xfa: {  	v12 =	vadd.f32 v25, v12;
	[tilespmem:s20+$0x540] =	vst v15;
	v15 =	vld [tilespmem:s20+$0x930]  }
0xfb: {  	v18 =	vld [tilespmem:s20+$0x970];
	[tilespmem:s20+$0x560] =	vst v17;
	v13 =	vadd.f32 v28, v13  }
0xfc: {  	v16 =	vadd.f32 v29, v16;
	[tilespmem:s20+$0x550] =	vst v12;
	v12 =	vld [tilespmem:s20+$0x940]  }
0xfd: {  	v17 =	vld [tilespmem:s20+$0x950];
	[tilespmem:s20+$0x900] =	vst v13  }
0xfe: {  	[tilespmem:s20+$0x910] =	vst v16;
	v16 =	vld [tilespmem:s20+$0x960];
	v13 =	vadd.f32 v30, v14  }
0xff: {  	v14 =	vld [tilespmem:s20+$0xD00];
	v15 =	vadd.f32 v31, v15  }
0x100: {  	[tilespmem:s20+$0x920] =	vst v13;
	v13 =	vld [tilespmem:s20+$0xD10]  }
0x101: {  	v12 =	vadd.f32 v32, v12;
	[tilespmem:s20+$0x930] =	vst v15;
	v15 =	vld [tilespmem:s20+$0xD20]  }
0x102: {  	v3 =	vld [tilespmem:s20+$0xD570];
	v17 =	vadd.f32 v33, v17  }
0x103: {  	v16 =	vadd.f32 v34, v16;
	[tilespmem:s20+$0x940] =	vst v12;
	v12 =	vld [tilespmem:s20+$0xD30]  }
0x104: {  	[tilespmem:s20+$0x950] =	vst v17;
	v17 =	vld [tilespmem:s20+$0xD40];
	v14 =	vadd.f32 v36, v14  }
0x105: {  	v18 =	vadd.f32 v35, v18;
	[tilespmem:s20+$0x960] =	vst v16;
	v16 =	vld [tilespmem:s20+$0xD50]  }
0x106: {  	v13 =	vadd.f32 v37, v13;
	[tilespmem:s20+$0xD00] =	vst v14;
	v14 =	vadd.f32 v38, v15;
	v15 =	vld [tilespmem:s20+$0xD60]  }
0x107: {  	[tilespmem:s20+$0x970] =	vst v18;
	v18 =	vld [tilespmem:s20+$0xD70]  }
0x108: {  	[tilespmem:s20+$0xD10] =	vst v13;
	v13 =	vld [tilespmem:s20+$0x1100];
	v12 =	vadd.f32 v39, v12  }
0x109: {  	v17 =	vadd.f32 v40, v17;
	[tilespmem:s20+$0xD20] =	vst v14;
	v14 =	vld [tilespmem:s20+$0x1110]  }
0x10a: {  	v16 =	vadd.f32 v41, v16;
	[tilespmem:s20+$0xD30] =	vst v12;
	v12 =	vld [tilespmem:s20+$0x1120]  }
0x10b: {  	[tilespmem:s20+$0xD40] =	vst v17;
	v17 =	vld [tilespmem:s20+$0x1130];
	v15 =	vadd.f32 v42, v15  }
0x10c: {  	v19 =	vld [tilespmem:s20+$0x1140];
	[tilespmem:s20+$0xD50] =	vst v16;
	v16 =	vadd.f32 v43, v18  }
0x10d: {  	v18 =	vld [tilespmem:s20+$0x1150];
	v13 =	vadd.f32 v44, v13;
	[tilespmem:s20+$0xD60] =	vst v15  }
0x10e: {  	v20 =	vld [tilespmem:s20+$0x1160];
	[tilespmem:s20+$0xD70] =	vst v16;
	v14 =	vadd.f32 v45, v14  }
0x10f: {  	v16 =	vld [tilespmem:s20+$0x1170];
	[tilespmem:s20+$0x1100] =	vst v13;
	v12 =	vadd.f32 v46, v12  }
0x110: {  	v15 =	vld [tilespmem:s20+$0x1500];
	v13 =	vadd.f32 v47, v17;
	[tilespmem:s20+$0x1110] =	vst v14  }
0x111: {  	v14 =	vld [tilespmem:s20+$0x1510];
	[tilespmem:s20+$0x1120] =	vst v12;
	v12 =	vadd.f32 v48, v19  }
0x112: {  	[tilespmem:s20+$0x1130] =	vst v13;
	v13 =	vld [tilespmem:s20+$0x1520];
	v18 =	vadd.f32 v49, v18  }
0x113: {  	s21 =	simm.s32 $0x1;
	v17 =	vadd.f32 v50, v20;
	[tilespmem:s20+$0x1140] =	vst v12;
	v12 =	vld [tilespmem:s20+$0x1530]  }
.LBB2_3:
0x114: {  	s22 =	sshrl.u32 s21, $0x3;
	p0 =	sne.s32 s21, $0x3F;
	[tilespmem:s20+$0x1150] =	vst v18;
	v11 =	vadd.f32 v11, v16;
	v16 =	vld [tilespmem:s20+$0x1540]  }
0x115: {  	s19 =	sadd.s32 $0x80, s19;
	s22 =	smul.u32 $0x1800, s22;
	[tilespmem:s20+$0x1160] =	vst v17;
	v10 =	vadd.f32 v10, v15;
	v15 =	vld [tilespmem:s20+$0x1550]  }
0x116: {  	s23 =	sand.u32 $0x380, s19;
	[tilespmem:s20+$0x1170] =	vst v11;
	v9 =	vadd.f32 v9, v14;
	v11 =	vld [tilespmem:s20+$0x1560]  }
0x117: {  	s22 =	sor.u32 s23, s22;
	[tilespmem:s20+$0x1500] =	vst v10;
	v8 =	vadd.f32 v8, v13;
	v10 =	vld [tilespmem:s20+$0x1570]  }
0x118: {  	v39 =	vld [tilespmem:s22+$0xC100];
	[tilespmem:s20+$0x1510] =	vst v9;
	v7 =	vadd.f32 v7, v12  }
0x119: {  	v40 =	vld [tilespmem:s22+$0xC110];
	[tilespmem:s20+$0x1520] =	vst v8;
	v6 =	vadd.f32 v6, v16  }
0x11a: {  	v41 =	vld [tilespmem:s22+$0xC120];
	[tilespmem:s20+$0x1530] =	vst v7;
	v5 =	vadd.f32 v5, v15  }
0x11b: {  	v42 =	vld [tilespmem:s22+$0xC130];
	[tilespmem:s20+$0x1540] =	vst v6;
	v4 =	vadd.f32 v4, v11  }
0x11c: {  	v43 =	vld [tilespmem:s22+$0xC140];
	[tilespmem:s20+$0x1550] =	vst v5;
	v3 =	vadd.f32 v3, v10  }
0x11d: {  	v44 =	vld [tilespmem:s22+$0xC150];
	[tilespmem:s20+$0x1560] =	vst v4  }
0x11e: {  	v45 =	vld [tilespmem:s22+$0xC160];
	[tilespmem:s20+$0x1570] =	vst v3;
	s20 =	smov.u32 s22  }
0x11f: {  	v46 =	vld [tilespmem:s20+$0xC170]  }
0x120: {  	v47 =	vld [tilespmem:s20+$0xC500]  }
0x121: {  	v48 =	vld [tilespmem:s20+$0xC510]  }
0x122: {  	v49 =	vld [tilespmem:s20+$0xC520]  }
0x123: {  	v50 =	vld [tilespmem:s20+$0xC530]  }
0x124: {  	v38 =	vld [tilespmem:s20+$0xC540]  }
0x125: {  	v37 =	vld [tilespmem:s20+$0xC550]  }
0x126: {  	v36 =	vld [tilespmem:s20+$0xC560]  }
0x127: {  	v35 =	vld [tilespmem:s20+$0xC570]  }
0x128: {  	v34 =	vld [tilespmem:s20+$0xC900]  }
0x129: {  	v33 =	vld [tilespmem:s20+$0xC910]  }
0x12a: {  	v32 =	vld [tilespmem:s20+$0xC920]  }
0x12b: {  	v31 =	vld [tilespmem:s20+$0xC930]  }
0x12c: {  	v30 =	vld [tilespmem:s20+$0xC940]  }
0x12d: {  	v29 =	vld [tilespmem:s20+$0xC950]  }
0x12e: {  	v28 =	vld [tilespmem:s20+$0xC960]  }
0x12f: {  	v27 =	vld [tilespmem:s20+$0xC970]  }
0x130: {  	v26 =	vld [tilespmem:s20+$0xCD00]  }
0x131: {  	v25 =	vld [tilespmem:s20+$0xCD10]  }
0x132: {  	v24 =	vld [tilespmem:s20+$0xCD20]  }
0x133: {  	v23 =	vld [tilespmem:s20+$0xCD30]  }
0x134: {  	v22 =	vld [tilespmem:s20+$0xCD40]  }
0x135: {  	v21 =	vld [tilespmem:s20+$0xCD50]  }
0x136: {  	v20 =	vld [tilespmem:s20+$0xCD60]  }
0x137: {  	v19 =	vld [tilespmem:s20+$0xCD70]  }
0x138: {  	v18 =	vld [tilespmem:s20+$0xD100]  }
0x139: {  	v17 =	vld [tilespmem:s20+$0xD110]  }
0x13a: {  	v16 =	vld [tilespmem:s20+$0xD120]  }
0x13b: {  	v15 =	vld [tilespmem:s20+$0xD130]  }
0x13c: {  	v14 =	vld [tilespmem:s20+$0xD140]  }
0x13d: {  	v13 =	vld [tilespmem:s20+$0xD150]  }
0x13e: {  	v12 =	vld [tilespmem:s20+$0xD160]  }
0x13f: {  	v11 =	vld [tilespmem:s20+$0xD170]  }
0x140: {  	v10 =	vld [tilespmem:s20+$0xD500]  }
0x141: {  	v9 =	vld [tilespmem:s20+$0xD510]  }
0x142: {  	v8 =	vld [tilespmem:s20+$0xD520]  }
0x143: {  	v7 =	vld [tilespmem:s20+$0xD530]  }
0x144: {  	v6 =	vld [tilespmem:s20+$0xD540]  }
0x145: {  	v5 =	vld [tilespmem:s20+$0xD550]  }
0x146: {  	v4 =	vld [tilespmem:s20+$0xD560]  }
0x147: {  	v3 =	vld [tilespmem:s20+$0xD570]  }
0x148: {  	v51 =	vld [tilespmem:s20+$0x100]  }
0x149: {  	v52 =	vld [tilespmem:s20+$0x110]  }
0x14a: {  	v53 =	vld [tilespmem:s20+$0x120]  }
0x14b: {  	v54 =	vld [tilespmem:s20+$0x130]  }
0x14c: {  	v55 =	vld [tilespmem:s20+$0x140]  }
0x14d: {  	v39 =	vadd.f32 v39, v51;
	v51 =	vld [tilespmem:s20+$0x150]  }
0x14e: {  	v40 =	vadd.f32 v40, v52;
	v52 =	vld [tilespmem:s20+$0x160]  }
0x14f: {  	[tilespmem:s20+$0x100] =	vst v39;
	v39 =	vadd.f32 v41, v53;
	v41 =	vld [tilespmem:s20+$0x170]  }
0x150: {  	[tilespmem:s20+$0x110] =	vst v40;
	v40 =	vadd.f32 v42, v54;
	v42 =	vld [tilespmem:s20+$0x500]  }
0x151: {  	[tilespmem:s20+$0x120] =	vst v39;
	v39 =	vadd.f32 v43, v55;
	v43 =	vld [tilespmem:s20+$0x510]  }
0x152: {  	[tilespmem:s20+$0x130] =	vst v40;
	v40 =	vadd.f32 v44, v51;
	v44 =	vld [tilespmem:s20+$0x520]  }
0x153: {  	[tilespmem:s20+$0x140] =	vst v39;
	v39 =	vadd.f32 v45, v52;
	v45 =	vld [tilespmem:s20+$0x530]  }
0x154: {  	[tilespmem:s20+$0x150] =	vst v40;
	v40 =	vadd.f32 v46, v41;
	v41 =	vld [tilespmem:s20+$0x540]  }
0x155: {  	[tilespmem:s20+$0x160] =	vst v39;
	v39 =	vadd.f32 v47, v42;
	v42 =	vld [tilespmem:s20+$0x550]  }
0x156: {  	[tilespmem:s20+$0x170] =	vst v40;
	v40 =	vadd.f32 v48, v43;
	v43 =	vld [tilespmem:s20+$0x560]  }
0x157: {  	[tilespmem:s20+$0x500] =	vst v39;
	v39 =	vadd.f32 v49, v44;
	v44 =	vld [tilespmem:s20+$0x570]  }
0x158: {  	[tilespmem:s20+$0x510] =	vst v40;
	v40 =	vadd.f32 v50, v45;
	v45 =	vld [tilespmem:s20+$0x900]  }
0x159: {  	[tilespmem:s20+$0x520] =	vst v39;
	v38 =	vadd.f32 v38, v41;
	v39 =	vld [tilespmem:s20+$0x910]  }
0x15a: {  	[tilespmem:s20+$0x530] =	vst v40;
	v37 =	vadd.f32 v37, v42;
	v40 =	vld [tilespmem:s20+$0x920]  }
0x15b: {  	[tilespmem:s20+$0x540] =	vst v38;
	v36 =	vadd.f32 v36, v43;
	v38 =	vld [tilespmem:s20+$0x930]  }
0x15c: {  	[tilespmem:s20+$0x550] =	vst v37;
	v35 =	vadd.f32 v35, v44;
	v37 =	vld [tilespmem:s20+$0x940]  }
0x15d: {  	[tilespmem:s20+$0x560] =	vst v36;
	v34 =	vadd.f32 v34, v45;
	v36 =	vld [tilespmem:s20+$0x950]  }
0x15e: {  	[tilespmem:s20+$0x570] =	vst v35;
	v33 =	vadd.f32 v33, v39;
	v35 =	vld [tilespmem:s20+$0x960]  }
0x15f: {  	[tilespmem:s20+$0x900] =	vst v34;
	v32 =	vadd.f32 v32, v40;
	v34 =	vld [tilespmem:s20+$0x970]  }
0x160: {  	[tilespmem:s20+$0x910] =	vst v33;
	v31 =	vadd.f32 v31, v38;
	v33 =	vld [tilespmem:s20+$0xD00]  }
0x161: {  	[tilespmem:s20+$0x920] =	vst v32;
	v30 =	vadd.f32 v30, v37;
	v32 =	vld [tilespmem:s20+$0xD10]  }
0x162: {  	[tilespmem:s20+$0x930] =	vst v31;
	v29 =	vadd.f32 v29, v36;
	v31 =	vld [tilespmem:s20+$0xD20]  }
0x163: {  	[tilespmem:s20+$0x940] =	vst v30;
	v28 =	vadd.f32 v28, v35;
	v30 =	vld [tilespmem:s20+$0xD30]  }
0x164: {  	[tilespmem:s20+$0x950] =	vst v29;
	v27 =	vadd.f32 v27, v34;
	v29 =	vld [tilespmem:s20+$0xD40]  }
0x165: {  	[tilespmem:s20+$0x960] =	vst v28;
	v26 =	vadd.f32 v26, v33;
	v28 =	vld [tilespmem:s20+$0xD50]  }
0x166: {  	[tilespmem:s20+$0x970] =	vst v27;
	v25 =	vadd.f32 v25, v32;
	v27 =	vld [tilespmem:s20+$0xD60]  }
0x167: {  	[tilespmem:s20+$0xD00] =	vst v26;
	v24 =	vadd.f32 v24, v31;
	v26 =	vld [tilespmem:s20+$0xD70]  }
0x168: {  	[tilespmem:s20+$0xD10] =	vst v25;
	v23 =	vadd.f32 v23, v30;
	v25 =	vld [tilespmem:s20+$0x1100]  }
0x169: {  	[tilespmem:s20+$0xD20] =	vst v24;
	v22 =	vadd.f32 v22, v29;
	v24 =	vld [tilespmem:s20+$0x1110]  }
0x16a: {  	[tilespmem:s20+$0xD30] =	vst v23;
	v21 =	vadd.f32 v21, v28;
	v23 =	vld [tilespmem:s20+$0x1120]  }
0x16b: {  	[tilespmem:s20+$0xD40] =	vst v22;
	v20 =	vadd.f32 v20, v27;
	v22 =	vld [tilespmem:s20+$0x1130]  }
0x16c: {  	[tilespmem:s20+$0xD50] =	vst v21;
	v19 =	vadd.f32 v19, v26;
	v21 =	vld [tilespmem:s20+$0x1140]  }
0x16d: {  	[tilespmem:s20+$0xD60] =	vst v20;
	v18 =	vadd.f32 v18, v25;
	v20 =	vld [tilespmem:s20+$0x1150]  }
0x16e: {  	[tilespmem:s20+$0xD70] =	vst v19;
	v17 =	vadd.f32 v17, v24;
	v19 =	vld [tilespmem:s20+$0x1160]  }
.Ltmp0:
0x16f: {  	[tilespmem:s20+$0x1100] =	vst v18;
	v18 =	vadd.f32 v16, v23;
	v16 =	vld [tilespmem:s20+$0x1170];
	(pc) =	sbr.rel @p0 .LBB2_3-.Ltmp0, $4  }
0x170: {  	[tilespmem:s20+$0x1110] =	vst v17;
	v17 =	vadd.f32 v15, v22;
	v15 =	vld [tilespmem:s20+$0x1500]  }
0x171: {  	[tilespmem:s20+$0x1120] =	vst v18;
	v21 =	vadd.f32 v14, v21;
	v14 =	vld [tilespmem:s20+$0x1510]  }
0x172: {  	[tilespmem:s20+$0x1130] =	vst v17;
	v18 =	vadd.f32 v13, v20;
	v13 =	vld [tilespmem:s20+$0x1520]  }
0x173: {  	s21 =	sadd.s32 $0x1, s21;
	[tilespmem:s20+$0x1140] =	vst v21;
	v17 =	vadd.f32 v12, v19;
	v12 =	vld [tilespmem:s20+$0x1530]  }
0x174: {  	[tilespmem:s20+$0x1150] =	vst v18;
	v60 =	vld [tilespmem:s20+$0x1540];
	v11 =	vadd.f32 v11, v16  }
0x175: {  	v61 =	vld [tilespmem:s20+$0x1550];
	[tilespmem:s20+$0x1160] =	vst v17;
	v10 =	vadd.f32 v10, v15  }
0x176: {  	v62 =	vld [tilespmem:s20+$0x1560];
	[tilespmem:s20+$0x1170] =	vst v11;
	v9 =	vadd.f32 v9, v14  }
0x177: {  	v63 =	vld [tilespmem:s20+$0x1570];
	[tilespmem:s20+$0x1500] =	vst v10;
	v8 =	vadd.f32 v8, v13  }
0x178: {  	[tilespmem:s20+$0x1510] =	vst v9;
	v7 =	vadd.f32 v7, v12  }
0x179: {  	[tilespmem:s20+$0x1520] =	vst v8;
	v6 =	vadd.f32 v6, v60  }
0x17a: {  	v5 =	vadd.f32 v5, v61;
	[tilespmem:s20+$0x1530] =	vst v7  }
0x17b: {  	v4 =	vadd.f32 v4, v62;
	[tilespmem:s20+$0x1540] =	vst v6  }
0x17c: {  	s18 =	smul.u32 $0x300, s18;
	s17 =	sadd.s32 $0x1, s17;
	v3 =	vadd.f32 v3, v63;
	[tilespmem:s20+$0x1550] =	vst v5  }
0x17d: {  	s19 =	rddreg [dreg:$0x1];
	p0 =	sne.s32 s17, $0x8;
	[tilespmem:s20+$0x1560] =	vst v4  }
.Ltmp1:
0x17e: {  	s23 =	simm.s32 $0x0;
	s18 =	sadd.s32 s19, s18;
	[tilespmem:s20+$0x1570] =	vst v3;
	(pc) =	sbr.rel @p0 .LBB2_2-.Ltmp1, $4  }
0x17f: {  	[hbm4b:s18+s23] =	stream.linear.scatter [tilespmem:s13], [sflag:$0x3], $0xC000, $0x38;
	[tilespmem:$0x18100] =	vst v63  }
0x180: {  	_ =	swait.ge [sflag:s11], $0xC000  }
0x181: {  	[sflag:s11] =	ssyncset.done $0x0  }
0x182: {  	[sflag:s11] =	ssyncadd.s32 $0xFFFF4000  }
0x183: {  	s18 =	rddreg [dreg:$0x4]  }
0x184: {  	s17 =	rddreg [dreg:$0x3];
	s18 =	sadd.s32 $0x1, s18  }
0x185: {  	p0 =	sne.s32 s18, s17  }
.Ltmp2:
0x186: {  	_ = 	snop;
	(pc) =	sbr.rel @p0 .LBB2_1-.Ltmp2, $1  }
0x187: {  	_ =	sdelay $0x3  }
0x188: {  	_ =	sfence.sel $0x180000  }
0x189: {  	[bflag:$0x0] =	sbarrier.arrive $0xFFFF  }
0x18a: {  	_ =	strace $0x9000004D  }
0x18b: {  	s0 =	stileid.u32;
	[bflag:$0x2] =	sbarrier.arrive $0xFFFF  }
0x18c: {  	p0 =	sne.s32 s0, $0x0;
	s0 =	rddreg [dreg:$0x2]  }
0x18d: {  	s0 =	sadd.s32 @!p0 $0x100000, s0  }
0x18e: {  	[sflag:s0] =	ssyncadd.tile.s32 @!p0 $0x1;
	_ =	shalt  }
.Lfunc_end2:
_tile_overlayer_lowered:
.L_overlay_start_2:
0x18f: {  	(tag) =	ssettag $0x2  }
0x190: {  	s0 =	rddreg [dreg:$0x0];
	s2 =	stileid.u32  }
0x191: {  	s1 =	rddreg [dreg:$0x1];
	p0 =	sne.s32 s2, $0x0  }
0x192: {  	s3 =	rddreg [dreg:$0x2];
	[bflag:$0x3] =	sbarrier.arrive $0xFFFF;
	s2 =	simm.s32 @!p0 $0x1C03  }
0x193: {  	[timem:s3], [sflag:s2] =	dma.local @!p0 [hbm:s0], s1  }
0x194: {  	s0 =	simm.s32 @!p0 $0x3  }
0x195: {  	_ =	swait.ge @!p0 [sflag:s0], s1  }
0x196: {  	s1 =	ssub.s32 @!p0 $0x0, s1;
	[sflag:s0] =	ssyncset.done @!p0 $0x0  }
0x197: {  	[sflag:s0] =	ssyncadd.s32 @!p0 s1  }
0x198: {  	[bflag:$0x3] =	sbarrier.arrive $0xFFFF  }
0x199: {  	_ =	shalt  }

// kernel: kernel.7.cloned.1.call-start
scs
__scs_entry_jumppad:
0x0: {  	(pc) =	sbr.rel $0x88, $3  }
0x1: {  	(tag) =	ssettag $0x0;
	lr =	simm.s32 $0x1  }
0x2: {  	[smem:$0x3F9C] =	sst lr;
	_ =	strace $0xD0000000  }
0x3: {  	_ = 	snop  }
0x4: {  	_ = 	snop  }
0x5: {  	_ = 	snop  }
0x6: {  	_ = 	snop  }
0x7: {  	_ = 	snop  }
__scs_overlays_trampoline_lowered:
0x8: {  	[smem:$0x3FAB] =	sst s0  }
0x9: {  	[smem:$0x3FAC] =	sst s1  }
0xa: {  	[smem:$0x3FAD] =	sst s2  }
0xb: {  	[smem:$0x3FAE] =	sst s3  }
0xc: {  	[smem:$0x3FAF] =	sst s4  }
0xd: {  	[smem:$0x3FB0] =	sst s5  }
0xe: {  	[smem:$0x3FB1] =	sst s6  }
0xf: {  	[smem:$0x3FB2] =	sst s7  }
0x10: {  	[smem:$0x3FB3] =	sst s8  }
0x11: {  	[smem:$0x3FB4] =	sst s9;
	s0 =	simm.s32 @!p0 $0x0  }
0x12: {  	s1 =	sld [smem:$0x3F9A];
	s0 =	simm.s32 @p0 $0x1  }
0x13: {  	[smem:$0x3FB5] =	sst s0;
	s0 =	simm.s32 @!p1 $0x0  }
0x14: {  	s2 =	sld [smem:$0x3F99];
	s0 =	simm.s32 @p1 $0x1  }
0x15: {  	[smem:$0x3FB6] =	sst s0;
	s0 =	simm.s32 @!p2 $0x0  }
0x16: {  	s3 =	sld [smem:$0x3FDB];
	s0 =	simm.s32 @p2 $0x1  }
0x17: {  	s4 =	simm.s32 $0x1BF5;
	[smem:$0x3FB8] =	sst s0  }
0x18: {  	s0 =	sld [smem:$0x3F9B];
	_ =	swait.ge [sflag:s4], $0x0  }
0x19: {  	s7 =	sld [smem:$0x3F9C]  }
0x1a: {  	s8 =	sadd.s32 $0xFFFFE003, lr  }
0x1b: {  	s9 =	sadd.s32 $0xFFFFFEF7, lr;
	s5 =	simm.s32 $0xFFFFFFFF;
	p2 =	slt.u32 s8, $0xFFFFF086  }
0x1c: {  	p1 =	slt.u32 s9, $0xF7A;
	s5 =	simm.s32 @!p2 $0x0  }
0x1d: {  	s5 =	simm.s32 @p1 $0x1;
	p0 =	seq.s32 s7, s2  }
0x1e: {  	s7 =	smul.u32 @!p0 $0xF7A, s2;
	p2 =	seq.s32 @!p0 s5, $0x0  }
0x1f: {  	s9 =	smul.u32 $0xF7A, s1;
	s8 =	simm.s32 @!p0 $0x1BF5;
	p2 =	por !p2, p0  }
0x20: {  	[sflag:s8] =	ssyncset.s32 @!p0 $0xFFFFF086;
	s6 =	sadd.s32 @!p0 s3, s7;
	s7 =	simm.s32 @!p0 $0x108  }
0x21: {  	s3 =	sadd.s32 s3, s9;
	s6 =	sadd.s32 @!p0 $0x88, s6;
	s7 =	simm.s32 @p2 $0x1082  }
0x22: {  	[simem:s7], [sflag:s8] =	dma.local @!p0 [hbm:s6], $0xF7A  }
0x23: {  	s9 =	sor.u32 $0xD0000000, s2;
	s6 =	simm.s32 $0x108;
	_ =	swait.ge @!p0 [sflag:s8], $0x0  }
0x24: {  	s3 =	sadd.s32 $0x88, s3;
	s6 =	simm.s32 @!p1 $0x1082;
	[sflag:s4] =	ssyncset.s32 $0xFFFFF086  }
0x25: {  	[simem:s6], [sflag:s4] =	dma.local [hbm:s3], $0xF7A  }
0x26: {  	[smem:$0x3F9C] =	sst s1;
	(tag) =	ssettag s2;
	_ =	strace s9  }
0x27: {  	s1 =	sld [smem:$0x3FAC]  }
0x28: {  	s2 =	sld [smem:$0x3FAD]  }
0x29: {  	s4 =	sld [smem:$0x3FAF]  }
0x2a: {  	p0 =	seq.s32 s5, $0x0;
	s5 =	sld [smem:$0x3FB0]  }
0x2b: {  	s6 =	sld [smem:$0x3FB1]  }
0x2c: {  	s7 =	sld [smem:$0x3FB2]  }
0x2d: {  	s3 =	simm.s32 $0x108;
	s8 =	sld [smem:$0x3FB3]  }
0x2e: {  	s3 =	simm.s32 @!p0 $0x1082;
	s9 =	sld [smem:$0x3FB4]  }
0x2f: {  	lr =	sadd.s32 s0, s3;
	s0 =	sld [smem:$0x3FAB]  }
0x30: {  	s3 =	sld [smem:$0x3FAE]  }
0x31: {  	[smem:$0x3FB7] =	sst s10  }
0x32: {  	s10 =	sld [smem:$0x3FB5];
	_ =	sdelay $0x3  }
0x33: {  	p0 =	seq.s32 s10, $0x1;
	s10 =	sld [smem:$0x3FB7];
	_ =	sdelay $0x3  }
0x34: {  	[smem:$0x3FB7] =	sst s10  }
0x35: {  	s10 =	sld [smem:$0x3FB6];
	_ =	sdelay $0x3  }
0x36: {  	p1 =	seq.s32 s10, $0x1;
	s10 =	sld [smem:$0x3FB7];
	_ =	sdelay $0x3  }
0x37: {  	[smem:$0x3FB7] =	sst s10  }
0x38: {  	s10 =	sld [smem:$0x3FB8]  }
0x39: {  	_ = 	snop;
	(pc) =	sbr.ind lr, $3  }
0x3a: {  	_ = 	snop  }
0x3b: {  	_ = 	snop  }
0x3c: {  	p2 =	seq.s32 s10, $0x1;
	s10 =	sld [smem:$0x3FB7]  }
0x3d: {  	_ =	shalt  }
0x3e: {  	_ =	shalt  }
0x3f: {  	_ =	shalt  }
0x40: {  	_ =	shalt  }
0x41: {  	_ =	shalt  }
0x42: {  	_ =	shalt  }
0x43: {  	_ =	shalt  }
0x44: {  	_ =	shalt  }
0x45: {  	_ =	shalt  }
0x46: {  	_ =	shalt  }
0x47: {  	_ =	shalt  }
0x48: {  	_ =	shalt  }
0x49: {  	_ =	shalt  }
0x4a: {  	_ =	shalt  }
0x4b: {  	_ =	shalt  }
0x4c: {  	_ =	shalt  }
0x4d: {  	_ =	shalt  }
0x4e: {  	_ =	shalt  }
0x4f: {  	_ =	shalt  }
0x50: {  	_ =	shalt  }
0x51: {  	_ =	shalt  }
0x52: {  	_ =	shalt  }
0x53: {  	_ =	shalt  }
0x54: {  	_ =	shalt  }
0x55: {  	_ =	shalt  }
0x56: {  	_ =	shalt  }
0x57: {  	_ =	shalt  }
0x58: {  	_ =	shalt  }
0x59: {  	_ =	shalt  }
0x5a: {  	_ =	shalt  }
0x5b: {  	_ =	shalt  }
0x5c: {  	_ =	shalt  }
0x5d: {  	_ =	shalt  }
0x5e: {  	_ =	shalt  }
0x5f: {  	_ =	shalt  }
0x60: {  	_ =	shalt  }
0x61: {  	_ =	shalt  }
0x62: {  	_ =	shalt  }
0x63: {  	_ =	shalt  }
0x64: {  	_ =	shalt  }
0x65: {  	_ =	shalt  }
0x66: {  	_ =	shalt  }
0x67: {  	_ =	shalt  }
0x68: {  	_ =	shalt  }
0x69: {  	_ =	shalt  }
0x6a: {  	_ =	shalt  }
0x6b: {  	_ =	shalt  }
0x6c: {  	_ =	shalt  }
0x6d: {  	_ =	shalt  }
0x6e: {  	_ =	shalt  }
0x6f: {  	_ =	shalt  }
0x70: {  	_ =	shalt  }
0x71: {  	_ =	shalt  }
0x72: {  	_ =	shalt  }
0x73: {  	_ =	shalt  }
0x74: {  	_ =	shalt  }
0x75: {  	_ =	shalt  }
0x76: {  	_ =	shalt  }
0x77: {  	_ =	shalt  }
0x78: {  	_ =	shalt  }
0x79: {  	_ =	shalt  }
0x7a: {  	_ =	shalt  }
0x7b: {  	_ =	shalt  }
0x7c: {  	_ =	shalt  }
0x7d: {  	_ =	shalt  }
0x7e: {  	_ =	shalt  }
0x7f: {  	_ =	shalt  }
0x80: {  	_ =	shalt  }
0x81: {  	_ =	shalt  }
0x82: {  	_ =	shalt  }
0x83: {  	_ =	shalt  }
0x84: {  	_ =	shalt  }
0x85: {  	_ =	shalt  }
0x86: {  	_ =	shalt  }
0x87: {  	_ =	shalt  }
.Lfunc_end0:
.L_simem_size_0:
called_computation.1_lowered:
.L_overlay_start_0:
0x88: {  	s2 =	sld [smem:$0x3FD9]  }
0x89: {  	s3 =	sld [smem:$0x3FFE];
	_ =	sdelay $0x1  }
0x8a: {  	s1 =	srdreg.scid  }
0x8b: {  	s0 =	sand.u32 $0x1, s1  }
0x8c: {  	s14 =	sshll.u32 s0, $0xA;
	s2 =	sadd.s32 s3, s2  }
0x8d: {  	s2 =	sadd.s32 s2, s14  }
0x8e: {  	[smem:$0x3FC3] =	sst s2  }
0x8f: {  	_ = 	snop  }
0x90: {  	s2 =	sld [smem:$0x3FD0];
	_ =	sdelay $0x2  }
0x91: {  	s4 =	simm.s32 $0xA;
	s5 =	simm.s32 $0x10;
	s15 =	sld [smem:$0x3FC9]  }
0x92: {  	[smem:s5], [sflag:s4] =	dma.local [hbm:s2], $0x1  }
0x93: {  	_ =	swait.eq [sflag:s4], $0x1  }
0x94: {  	[sflag:s4] =	ssyncset.done $0x0  }
0x95: {  	[sflag:s4] =	ssyncadd.s32 $0xFFFFFFFF  }
0x96: {  	s16 =	sld [smem:$0x11];
	(tm) =	ssettm $0x1  }
0x97: {  	s17 =	sld [smem:$0x3FFB];
	_ =	sdelay $0x3  }
0x98: {  	_ =	strace s17  }
0x99: {  	s4 =	sld [smem:$0x3FFC];
	_ =	sdelay $0x3  }
0x9a: {  	_ =	strace s4  }
0x9b: {  	s4 =	sld [smem:$0x3FFD];
	_ =	sdelay $0x3  }
0x9c: {  	_ =	strace s4  }
0x9d: {  	_ =	strace $0x8FFFFFFF  }
0x9e: {  	s18 =	sld [smem:$0x3FDB];
	_ =	sdelay $0x1  }
0x9f: {  	s19 =	simm.s32 $_scs_section_size  }
0xa0: {  	s6 =	simm.s32 $_size__tile_overlayer_lowered;
	s7 =	simm.s32 $_tile_overlayer_lowered  }
0xa1: {  	s22 =	simm.s32 $0x1BFF;
	s21 =	sshll.u32 s7, $0x1;
	s4 =	sadd.s32 s19, s18  }
0xa2: {  	s8 =	simm.s32 $0x0;
	s20 =	sshll.u32 s6, $0x1;
	s6 =	sadd.s32 s21, s4  }
0xa3: {  	[timem:s8], [sflag:s22] =	dma.local [hbm:s6], s20  }
0xa4: {  	_ =	swait.ge [sflag:s22], s20  }
0xa5: {  	s5 =	ssub.s32 $0x0, s20;
	[sflag:s22] =	ssyncset.done $0x0  }
0xa6: {  	[sflag:s22] =	ssyncadd.s32 s5;
	_ =	sdelay $0x1  }
0xa7: {  	s23 =	simm.s32 $0x1B8B  }
0xa8: {  	_ =	swait.ge [sflag:s23], $0x1  }
0xa9: {  	[sflag:s23] =	ssyncset.done $0x0  }
0xaa: {  	s25 =	simm.s32 $0x1B8E;
	s24 =	sld [smem:$0x3FFE];
	[sflag:s23] =	ssyncadd.s32 $0xFFFFFFFF  }
0xab: {  	s26 =	simm.s32 $execute0_lowered;
	[smem:$0x3FD2] =	sst s25  }
0xac: {  	s6 =	sshll.u32 s26, $0x1;
	_ =	strace $0x80000049;
	[dreg:$0x1] =	wrdreg $0xFFFFFFFF  }
0xad: {  	s28 =	simm.s32 $_size_execute0_lowered;
	s4 =	sadd.s32 s4, s6;
	[dreg:$0x0] =	wrdreg $0x0  }
0xae: {  	s6 =	sshll.u32 s28, $0x1;
	[dreg:$0x2] =	wrdreg s4  }
0xaf: {  	[dreg:$0x3] =	wrdreg s6  }
0xb0: {  	[dreg:$0x4] =	wrdreg $0xC0  }
0xb1: {  	_ =	task [dreg:s8], $0x5FFFF  }
0xb2: {  	[dreg:$0x1] =	wrdreg $0xFFFFFFFF  }
0xb3: {  	[dreg:$0x0] =	wrdreg $0x60  }
0xb4: {  	[dreg:$0x2] =	wrdreg s15  }
0xb5: {  	[dreg:$0x3] =	wrdreg s24  }
0xb6: {  	[dreg:$0x4] =	wrdreg s16  }
0xb7: {  	[dreg:$0x5] =	wrdreg $0x9  }
0xb8: {  	_ =	task.clear_ibuf [dreg:s8], $0x6FFFF;
	_ =	strace $0x90000049  }
0xb9: {  	s29 =	simm.s32 $0x9;
	_ =	strace $0x8000004B  }
0xba: {  	_ =	swait.ge [sflag:s29], $0x1  }
0xbb: {  	[sflag:s29] =	ssyncadd.s32 $0xFFFFFFFF  }
0xbc: {  	_ =	strace $0x9000004B  }
0xbd: {  	_ =	sfence  }
0xbe: {  	s30 =	sld [smem:$0x0];
	_ =	sdelay $0x2  }
0xbf: {  	s31 =	sshll.u32 s1, $0xD;
	s1 =	sshrl.u32 s1, $0x2  }
0xc0: {  	s3 =	sand.u32 $0x4000, s31;
	s1 =	sadd.s32 s1, s30  }
0xc1: {  	s0 =	sor.u32 s3, s0;
	s1 =	sshll.u32 s1, $0x11  }
0xc2: {  	s0 =	sor.u32 s1, s0  }
0xc3: {  	s0 =	sadd.s32 $0x8F2B, s0  }
0xc4: {  	[sflag:s0] =	ssyncadd.remote.s32 $0x1  }
0xc5: {  	_ =	sfence.sel $0xFFFF  }
0xc6: {  	[dreg:$0x0] =	wrdreg $0xFFFFFFFF;
	(pc) =	sbr.abs _section_cstart, $3  }
0xc7: {  	[dreg:$0x1] =	wrdreg $0xFFFFFFFF  }
0xc8: {  	_ =	task.clear_ibuf [dreg:s8], $0x2FFFF;
	_ =	strace $0x9FFFFFFF  }
0xc9: {  	(tm) =	ssettm $0x7FFFFFFF  }
tec
execute0_lowered:
.L_overlay_start_1:
0x0: {  	(tag) =	ssettag $0x1  }
0x1: {  	s0 =	rddreg [dreg:$0x0]  }
0x2: {  	s1 =	rddreg [dreg:$0x1]  }
0x3: {  	s19 =	rddreg [dreg:$0x2];
	s3 =	simm.s32 $0x0;
	s9 =	stileid.u32  }
0x4: {  	s2 =	srdreg.scid;
	s10 =	simm.s32 $0x2A00;
	s11 =	simm.s32 $0x3200  }
0x5: {  	s28 =	simm.s32 $0x5A00;
	s29 =	simm.s32 $0x6200;
	s30 =	simm.s32 $0x6A00  }
0x6: {  	s31 =	simm.s32 $0x7200;
	s13 =	simm.s32 $0x8200;
	s14 =	simm.s32 $0x8A00  }
0x7: {  	s15 =	simm.s32 $0x9200;
	s16 =	simm.s32 $0x9A00;
	s12 =	simm.s32 $0xA200  }
0x8: {  	[smem:$0x7FF] =	sst s3;
	s4 =	sshll.u32 s9, $0x7;
	s2 =	sand.u32 $0x1, s2  }
0x9: {  	s23 =	smul.u32 $0x18000, s9;
	s9 =	simm.s32 $0x5;
	_ =	strace $0x8000004A  }
0xa: {  	s6 =	sadd.s32 s4, s1;
	s5 =	ssub.s32 $0x2, s2;
	s8 =	sshll.u32 s2, $0x6  }
0xb: {  	s4 =	sadd.s32 $0x82200, s1;
	s2 =	smul.u32 $0xC000, s2;
	s8 =	sadd.s32 s8, s6  }
0xc: {  	s7 =	sshrl.u32 s5, $0x1;
	s6 =	sadd.s32 $0x82400, s1;
	s22 =	sadd.s32 $0x81200, s8  }
0xd: {  	s0 =	sadd.s32 s23, s0;
	s24 =	sadd.s32 $0x81A00, s8;
	[dreg:$0x4] =	wrdreg s22  }
0xe: {  	s23 =	simm.s32 $0x3A00;
	s25 =	sadd.s32 $0x80000, s8;
	[dreg:$0x5] =	wrdreg s24  }
0xf: {  	s7 =	ssub.s32 s5, s7;
	s0 =	sadd.s32 s2, s0;
	[dreg:$0x6] =	wrdreg s25  }
0x10: {  	s5 =	sadd.s32 $0x82300, s1;
	s26 =	sadd.s32 $0x80800, s8;
	[dreg:$0x9] =	wrdreg s0  }
0x11: {  	v2 =	vlaneseq.u32;
	s1 =	simm.s32 $0x200;
	s21 =	smax.u32 s7, $0x1;
	[dreg:$0x7] =	wrdreg s26  }
0x12: {  	vm0 =	vmmov $0xffff;
	v1 =	vshrl.u32 v2, $0x3;
	s0 =	simm.s32 $0x0;
	s24 =	simm.s32 $0x4200;
	s25 =	simm.s32 $0x4A00  }
0x13: {  	v0 =	vand.u32 $0x7, v2;
	v2 =	vor.u32 $0x8, v2;
	v1 =	vmul.u32 $0x8, v1;
	s26 =	simm.s32 $0x5200;
	s22 =	simm.s32 $0xBA00;
	[dreg:$0x8] =	wrdreg s21  }
.LBB2_1:
0x14: {  	[dreg:$0xa] =	wrdreg s0  }
0x15: {  	s17 =	rddreg [dreg:$0x9];
	s18 =	simm.s32 $0x0  }
.LBB2_2:
0x16: {  	s8 =	rddreg [dreg:$0x7]  }
0x17: {  	s20 =	smov.u32 s19;
	s19 =	sadd.s32 s18, s8  }
0x18: {  	[tilespmem:s3], [sflag:$0x5] =	stream.linear.gather [hbm4b:s19+s3], $0x40, $0x38;
	[tilespmem:$0xC200] =	vst v63  }
0x19: {  	_ =	swait.ge [sflag:s9], $0x40  }
0x1a: {  	s0 =	rddreg [dreg:$0x6];
	[sflag:s9] =	ssyncset.done $0x0  }
0x1b: {  	s21 =	simm.s32 $0x80;
	[sflag:s9] =	ssyncadd.s32 $0xFFFFFFC0;
	s19 =	sadd.s32 s18, s0  }
0x1c: {  	[tilespmem:s21], [sflag:$0x5] =	stream.linear.gather [hbm4b:s19+s3], $0x40, $0x38;
	[tilespmem:$0xC200] =	vst v63  }
0x1d: {  	_ =	swait.ge [sflag:s9], $0x40  }
0x1e: {  	s2 =	rddreg [dreg:$0x5];
	[sflag:s9] =	ssyncset.done $0x0  }
0x1f: {  	s0 =	simm.s32 $0x100;
	[sflag:s9] =	ssyncadd.s32 $0xFFFFFFC0;
	s19 =	sadd.s32 s18, s2  }
0x20: {  	[tilespmem:s0], [sflag:$0x5] =	stream.linear.gather [hbm4b:s19+s3], $0x40, $0x38;
	[tilespmem:$0xC200] =	vst v63  }
0x21: {  	_ =	swait.ge [sflag:s9], $0x40  }
0x22: {  	s7 =	rddreg [dreg:$0x4];
	[sflag:s9] =	ssyncset.done $0x0  }
0x23: {  	s8 =	simm.s32 $0x180;
	[sflag:s9] =	ssyncadd.s32 $0xFFFFFFC0;
	s19 =	sadd.s32 s18, s7  }
0x24: {  	[tilespmem:s8], [sflag:$0x5] =	stream.linear.gather [hbm4b:s19+s3], $0x40, $0x38;
	[tilespmem:$0xC200] =	vst v63  }
0x25: {  	_ =	swait.ge [sflag:s9], $0x40  }
0x26: {  	[sflag:s9] =	ssyncset.done $0x0  }
0x27: {  	[sflag:s9] =	ssyncadd.s32 $0xFFFFFFC0  }
0x28: {  	[tilespmem:s1], [sflag:$0x5] =	stream.linear.gather [hbm4b:s17+s3], $0xC000, $0x38;
	[tilespmem:$0xC200] =	vst v63  }
0x29: {  	_ =	swait.ge [sflag:s9], $0xC000  }
0x2a: {  	[sflag:s9] =	ssyncset.done $0x0  }
0x2b: {  	[sflag:s9] =	ssyncadd.s32 $0xFFFF4000  }
0x2c: {  	v3 =	vld [tilespmem:$0x0];
	_ =	sdelay $0x4  }
0x2d: {  	v4 =	vshrl.u32 v3, $0x3  }
0x2e: {  	v4 =	vmul.u32 $0x30, v4  }
0x2f: {  	v3 =	vand.u32 $0x7, v3  }
0x30: {  	v3 =	vor.u32 v3, v4  }
0x31: {  	v4 =	vperm.xlane v3, v0;
	_ =	sdelay $0x1  }
0x32: {  	v4 =	vadd.s32 v1, v4;
	_ =	sdelay $0x3  }
0x33: {  	v3 =	vperm.xlane v3, v2  }
0x34: {  	[hbm4b:s4+s3] =	stream.indirect_vreg.scatter [tilespmem:s1], [sflag:$0x1], $0x80, v4, vm0, $0xb8;
	[tilespmem:$0xC200] =	vst v63  }
0x35: {  	v3 =	vadd.s32 v1, v3;
	s1 =	simm.s32 $0xA00  }
0x36: {  	[hbm4b:s5+s3] =	stream.indirect_vreg.scatter [tilespmem:s1], [sflag:$0x1], $0x80, v4, vm0, $0xb8;
	[tilespmem:$0xC200] =	vst v63  }
0x37: {  	s7 =	simm.s32 $0x1200  }
0x38: {  	[hbm4b:s6+s3] =	stream.indirect_vreg.scatter [tilespmem:s7], [sflag:$0x1], $0x80, v4, vm0, $0xb8;
	[tilespmem:$0xC200] =	vst v63  }
0x39: {  	s8 =	simm.s32 $0x1A00  }
0x3a: {  	[hbm4b:s4+s3] =	stream.indirect_vreg.scatter [tilespmem:s8], [sflag:$0x1], $0x80, v3, vm0, $0xb8;
	[tilespmem:$0xC200] =	vst v63  }
0x3b: {  	s2 =	simm.s32 $0x2200  }
0x3c: {  	[hbm4b:s5+s3] =	stream.indirect_vreg.scatter [tilespmem:s2], [sflag:$0x1], $0x80, v3, vm0, $0xb8;
	[tilespmem:$0xC200] =	vst v63  }
0x3d: {  	_ = 	snop  }
0x3e: {  	[hbm4b:s6+s3] =	stream.indirect_vreg.scatter [tilespmem:s10], [sflag:$0x1], $0x80, v3, vm0, $0xb8;
	[tilespmem:$0xC200] =	vst v63  }
0x3f: {  	v3 =	vld [tilespmem:$0x10];
	_ =	sdelay $0x4  }
0x40: {  	v57 =	vshrl.u32 v3, $0x3  }
0x41: {  	v4 =	vmul.u32 $0x30, v57  }
0x42: {  	v3 =	vand.u32 $0x7, v3  }
0x43: {  	v3 =	vor.u32 v3, v4  }
0x44: {  	v4 =	vperm.xlane v3, v0;
	_ =	sdelay $0x1  }
0x45: {  	v4 =	vadd.s32 v1, v4;
	_ =	sdelay $0x3  }
0x46: {  	v3 =	vperm.xlane v3, v2  }
0x47: {  	[hbm4b:s4+s3] =	stream.indirect_vreg.scatter [tilespmem:s11], [sflag:$0x1], $0x80, v4, vm0, $0xb8;
	[tilespmem:$0xC200] =	vst v63  }
0x48: {  	v3 =	vadd.s32 v1, v3  }
0x49: {  	[hbm4b:s5+s3] =	stream.indirect_vreg.scatter [tilespmem:s23], [sflag:$0x1], $0x80, v4, vm0, $0xb8;
	[tilespmem:$0xC200] =	vst v63  }
0x4a: {  	_ = 	snop  }
0x4b: {  	[hbm4b:s6+s3] =	stream.indirect_vreg.scatter [tilespmem:s24], [sflag:$0x1], $0x80, v4, vm0, $0xb8;
	[tilespmem:$0xC200] =	vst v63  }
0x4c: {  	_ = 	snop  }
0x4d: {  	[hbm4b:s4+s3] =	stream.indirect_vreg.scatter [tilespmem:s25], [sflag:$0x1], $0x80, v3, vm0, $0xb8;
	[tilespmem:$0xC200] =	vst v63  }
0x4e: {  	_ = 	snop  }
0x4f: {  	[hbm4b:s5+s3] =	stream.indirect_vreg.scatter [tilespmem:s26], [sflag:$0x1], $0x80, v3, vm0, $0xb8;
	[tilespmem:$0xC200] =	vst v63  }
0x50: {  	_ = 	snop  }
0x51: {  	[hbm4b:s6+s3] =	stream.indirect_vreg.scatter [tilespmem:s28], [sflag:$0x1], $0x80, v3, vm0, $0xb8;
	[tilespmem:$0xC200] =	vst v63  }
0x52: {  	v3 =	vld [tilespmem:$0x20];
	_ =	sdelay $0x4  }
0x53: {  	v58 =	vshrl.u32 v3, $0x3  }
0x54: {  	v4 =	vmul.u32 $0x30, v58  }
0x55: {  	v3 =	vand.u32 $0x7, v3  }
0x56: {  	v3 =	vor.u32 v3, v4  }
0x57: {  	v4 =	vperm.xlane v3, v0;
	_ =	sdelay $0x1  }
0x58: {  	v4 =	vadd.s32 v1, v4;
	_ =	sdelay $0x3  }
0x59: {  	v3 =	vperm.xlane v3, v2  }
0x5a: {  	[hbm4b:s4+s3] =	stream.indirect_vreg.scatter [tilespmem:s29], [sflag:$0x1], $0x80, v4, vm0, $0xb8;
	[tilespmem:$0xC200] =	vst v63  }
0x5b: {  	v3 =	vadd.s32 v1, v3  }
0x5c: {  	[hbm4b:s5+s3] =	stream.indirect_vreg.scatter [tilespmem:s30], [sflag:$0x1], $0x80, v4, vm0, $0xb8;
	[tilespmem:$0xC200] =	vst v63  }
0x5d: {  	_ = 	snop  }
0x5e: {  	[hbm4b:s6+s3] =	stream.indirect_vreg.scatter [tilespmem:s31], [sflag:$0x1], $0x80, v4, vm0, $0xb8;
	[tilespmem:$0xC200] =	vst v63  }
0x5f: {  	s21 =	simm.s32 $0x7A00  }
0x60: {  	[hbm4b:s4+s3] =	stream.indirect_vreg.scatter [tilespmem:s21], [sflag:$0x1], $0x80, v3, vm0, $0xb8;
	[tilespmem:$0xC200] =	vst v63  }
0x61: {  	_ = 	snop  }
0x62: {  	[hbm4b:s5+s3] =	stream.indirect_vreg.scatter [tilespmem:s13], [sflag:$0x1], $0x80, v3, vm0, $0xb8;
	[tilespmem:$0xC200] =	vst v63  }
0x63: {  	_ = 	snop  }
0x64: {  	[hbm4b:s6+s3] =	stream.indirect_vreg.scatter [tilespmem:s14], [sflag:$0x1], $0x80, v3, vm0, $0xb8;
	[tilespmem:$0xC200] =	vst v63  }
0x65: {  	v3 =	vld [tilespmem:$0x30];
	_ =	sdelay $0x4  }
0x66: {  	v59 =	vshrl.u32 v3, $0x3  }
0x67: {  	v4 =	vmul.u32 $0x30, v59  }
0x68: {  	v3 =	vand.u32 $0x7, v3  }
0x69: {  	v3 =	vor.u32 v3, v4  }
0x6a: {  	v4 =	vperm.xlane v3, v0;
	_ =	sdelay $0x1  }
0x6b: {  	v4 =	vadd.s32 v1, v4;
	_ =	sdelay $0x3  }
0x6c: {  	v3 =	vperm.xlane v3, v2  }
0x6d: {  	[hbm4b:s4+s3] =	stream.indirect_vreg.scatter [tilespmem:s15], [sflag:$0x1], $0x80, v4, vm0, $0xb8;
	[tilespmem:$0xC200] =	vst v63  }
0x6e: {  	v3 =	vadd.s32 v1, v3  }
0x6f: {  	[hbm4b:s5+s3] =	stream.indirect_vreg.scatter [tilespmem:s16], [sflag:$0x1], $0x80, v4, vm0, $0xb8;
	[tilespmem:$0xC200] =	vst v63  }
0x70: {  	_ = 	snop  }
0x71: {  	[hbm4b:s6+s3] =	stream.indirect_vreg.scatter [tilespmem:s12], [sflag:$0x1], $0x80, v4, vm0, $0xb8;
	[tilespmem:$0xC200] =	vst v63  }
0x72: {  	s19 =	smov.u32 s20;
	s20 =	simm.s32 $0xAA00  }
0x73: {  	[hbm4b:s4+s3] =	stream.indirect_vreg.scatter [tilespmem:s20], [sflag:$0x1], $0x80, v3, vm0, $0xb8;
	[tilespmem:$0xC200] =	vst v63  }
0x74: {  	s21 =	simm.s32 $0xB200  }
0x75: {  	[hbm4b:s5+s3] =	stream.indirect_vreg.scatter [tilespmem:s21], [sflag:$0x1], $0x80, v3, vm0, $0xb8;
	[tilespmem:$0xC200] =	vst v63  }
0x76: {  	_ = 	snop  }
0x77: {  	[hbm4b:s6+s3] =	stream.indirect_vreg.scatter [tilespmem:s22], [sflag:$0x1], $0x80, v3, vm0, $0xb8;
	[tilespmem:$0xC200] =	vst v63  }
0x78: {  	v3 =	vld [tilespmem:$0x80];
	_ =	sdelay $0x4  }
0x79: {  	v60 =	vshrl.u32 v3, $0x3  }
0x7a: {  	v4 =	vmul.u32 $0x30, v60  }
0x7b: {  	v3 =	vand.u32 $0x7, v3  }
0x7c: {  	v3 =	vor.u32 v3, v4  }
0x7d: {  	v4 =	vperm.xlane v3, v0;
	_ =	sdelay $0x1  }
0x7e: {  	v4 =	vadd.s32 v1, v4;
	_ =	sdelay $0x3  }
0x7f: {  	s0 =	simm.s32 $0x200;
	v3 =	vperm.xlane v3, v2  }
0x80: {  	[hbm4b:s4+s3] =	stream.indirect_vreg.scatter [tilespmem:s0], [sflag:$0x2], $0x80, v4, vm0, $0xb8;
	[tilespmem:$0xC200] =	vst v63  }
0x81: {  	v3 =	vadd.s32 v1, v3  }
0x82: {  	[hbm4b:s5+s3] =	stream.indirect_vreg.scatter [tilespmem:s1], [sflag:$0x2], $0x80, v4, vm0, $0xb8;
	[tilespmem:$0xC200] =	vst v63  }
0x83: {  	_ = 	snop  }
0x84: {  	[hbm4b:s6+s3] =	stream.indirect_vreg.scatter [tilespmem:s7], [sflag:$0x2], $0x80, v4, vm0, $0xb8;
	[tilespmem:$0xC200] =	vst v63  }
0x85: {  	_ = 	snop  }
0x86: {  	[hbm4b:s4+s3] =	stream.indirect_vreg.scatter [tilespmem:s8], [sflag:$0x2], $0x80, v3, vm0, $0xb8;
	[tilespmem:$0xC200] =	vst v63  }
0x87: {  	_ = 	snop  }
0x88: {  	[hbm4b:s5+s3] =	stream.indirect_vreg.scatter [tilespmem:s2], [sflag:$0x2], $0x80, v3, vm0, $0xb8;
	[tilespmem:$0xC200] =	vst v63  }
0x89: {  	_ = 	snop  }
0x8a: {  	[hbm4b:s6+s3] =	stream.indirect_vreg.scatter [tilespmem:s10], [sflag:$0x2], $0x80, v3, vm0, $0xb8;
	[tilespmem:$0xC200] =	vst v63  }
0x8b: {  	v3 =	vld [tilespmem:$0x90];
	_ =	sdelay $0x4  }
0x8c: {  	v61 =	vshrl.u32 v3, $0x3  }
0x8d: {  	v4 =	vmul.u32 $0x30, v61  }
0x8e: {  	v3 =	vand.u32 $0x7, v3  }
0x8f: {  	v3 =	vor.u32 v3, v4  }
0x90: {  	v4 =	vperm.xlane v3, v0;
	_ =	sdelay $0x1  }
0x91: {  	v4 =	vadd.s32 v1, v4;
	_ =	sdelay $0x3  }
0x92: {  	v3 =	vperm.xlane v3, v2  }
0x93: {  	[hbm4b:s4+s3] =	stream.indirect_vreg.scatter [tilespmem:s11], [sflag:$0x2], $0x80, v4, vm0, $0xb8;
	[tilespmem:$0xC200] =	vst v63  }
0x94: {  	v3 =	vadd.s32 v1, v3  }
0x95: {  	[hbm4b:s5+s3] =	stream.indirect_vreg.scatter [tilespmem:s23], [sflag:$0x2], $0x80, v4, vm0, $0xb8;
	[tilespmem:$0xC200] =	vst v63  }
0x96: {  	_ = 	snop  }
0x97: {  	[hbm4b:s6+s3] =	stream.indirect_vreg.scatter [tilespmem:s24], [sflag:$0x2], $0x80, v4, vm0, $0xb8;
	[tilespmem:$0xC200] =	vst v63  }
0x98: {  	_ = 	snop  }
0x99: {  	[hbm4b:s4+s3] =	stream.indirect_vreg.scatter [tilespmem:s25], [sflag:$0x2], $0x80, v3, vm0, $0xb8;
	[tilespmem:$0xC200] =	vst v63  }
0x9a: {  	_ = 	snop  }
0x9b: {  	[hbm4b:s5+s3] =	stream.indirect_vreg.scatter [tilespmem:s26], [sflag:$0x2], $0x80, v3, vm0, $0xb8;
	[tilespmem:$0xC200] =	vst v63  }
0x9c: {  	_ = 	snop  }
0x9d: {  	[hbm4b:s6+s3] =	stream.indirect_vreg.scatter [tilespmem:s28], [sflag:$0x2], $0x80, v3, vm0, $0xb8;
	[tilespmem:$0xC200] =	vst v63  }
0x9e: {  	v3 =	vld [tilespmem:$0xA0];
	_ =	sdelay $0x4  }
0x9f: {  	v62 =	vshrl.u32 v3, $0x3  }
0xa0: {  	v4 =	vmul.u32 $0x30, v62  }
0xa1: {  	v3 =	vand.u32 $0x7, v3  }
0xa2: {  	v3 =	vor.u32 v3, v4  }
0xa3: {  	v4 =	vperm.xlane v3, v0;
	_ =	sdelay $0x1  }
0xa4: {  	v4 =	vadd.s32 v1, v4;
	_ =	sdelay $0x3  }
0xa5: {  	v3 =	vperm.xlane v3, v2  }
0xa6: {  	[hbm4b:s4+s3] =	stream.indirect_vreg.scatter [tilespmem:s29], [sflag:$0x2], $0x80, v4, vm0, $0xb8;
	[tilespmem:$0xC200] =	vst v63  }
0xa7: {  	v3 =	vadd.s32 v1, v3  }
0xa8: {  	[hbm4b:s5+s3] =	stream.indirect_vreg.scatter [tilespmem:s30], [sflag:$0x2], $0x80, v4, vm0, $0xb8;
	[tilespmem:$0xC200] =	vst v63  }
0xa9: {  	_ = 	snop  }
0xaa: {  	[hbm4b:s6+s3] =	stream.indirect_vreg.scatter [tilespmem:s31], [sflag:$0x2], $0x80, v4, vm0, $0xb8;
	[tilespmem:$0xC200] =	vst v63  }
0xab: {  	s8 =	simm.s32 $0x7A00  }
0xac: {  	[hbm4b:s4+s3] =	stream.indirect_vreg.scatter [tilespmem:s8], [sflag:$0x2], $0x80, v3, vm0, $0xb8;
	[tilespmem:$0xC200] =	vst v63  }
0xad: {  	_ = 	snop  }
0xae: {  	[hbm4b:s5+s3] =	stream.indirect_vreg.scatter [tilespmem:s13], [sflag:$0x2], $0x80, v3, vm0, $0xb8;
	[tilespmem:$0xC200] =	vst v63  }
0xaf: {  	_ = 	snop  }
0xb0: {  	[hbm4b:s6+s3] =	stream.indirect_vreg.scatter [tilespmem:s14], [sflag:$0x2], $0x80, v3, vm0, $0xb8;
	[tilespmem:$0xC200] =	vst v63  }
0xb1: {  	v3 =	vld [tilespmem:$0xB0];
	_ =	sdelay $0x4  }
0xb2: {  	v63 =	vshrl.u32 v3, $0x3  }
0xb3: {  	v4 =	vmul.u32 $0x30, v63  }
0xb4: {  	v3 =	vand.u32 $0x7, v3  }
0xb5: {  	v3 =	vor.u32 v3, v4  }
0xb6: {  	v4 =	vperm.xlane v3, v0;
	_ =	sdelay $0x1  }
0xb7: {  	v4 =	vadd.s32 v1, v4;
	_ =	sdelay $0x3  }
0xb8: {  	v3 =	vperm.xlane v3, v2  }
0xb9: {  	[hbm4b:s4+s3] =	stream.indirect_vreg.scatter [tilespmem:s15], [sflag:$0x2], $0x80, v4, vm0, $0xb8;
	[tilespmem:$0xC200] =	vst v63  }
0xba: {  	v3 =	vadd.s32 v1, v3  }
0xbb: {  	[hbm4b:s5+s3] =	stream.indirect_vreg.scatter [tilespmem:s16], [sflag:$0x2], $0x80, v4, vm0, $0xb8;
	[tilespmem:$0xC200] =	vst v63  }
0xbc: {  	_ = 	snop  }
0xbd: {  	[hbm4b:s6+s3] =	stream.indirect_vreg.scatter [tilespmem:s12], [sflag:$0x2], $0x80, v4, vm0, $0xb8;
	[tilespmem:$0xC200] =	vst v63  }
0xbe: {  	_ = 	snop  }
0xbf: {  	[hbm4b:s4+s3] =	stream.indirect_vreg.scatter [tilespmem:s20], [sflag:$0x2], $0x80, v3, vm0, $0xb8;
	[tilespmem:$0xC200] =	vst v63  }
0xc0: {  	_ = 	snop  }
0xc1: {  	[hbm4b:s5+s3] =	stream.indirect_vreg.scatter [tilespmem:s21], [sflag:$0x2], $0x80, v3, vm0, $0xb8;
	[tilespmem:$0xC200] =	vst v63  }
0xc2: {  	_ = 	snop  }
0xc3: {  	[hbm4b:s6+s3] =	stream.indirect_vreg.scatter [tilespmem:s22], [sflag:$0x2], $0x80, v3, vm0, $0xb8;
	[tilespmem:$0xC200] =	vst v63  }
0xc4: {  	s2 =	simm.s32 $0x1;
	s20 =	simm.s32 $0x40;
	s21 =	simm.s32 $0x100  }
0xc5: {  	[hbm4b:s19+s20] =	stream.indirect.scatter [tilespmem:s21], [sflag:$0x3], $0x1, s3, s20, $0xb8;
	[tilespmem:$0xC200] =	vst v63  }
0xc6: {  	s8 =	simm.s32 $0x40;
	s20 =	simm.s32 $0x180;
	s21 =	simm.s32 $0x80  }
0xc7: {  	[hbm4b:s19+s8] =	stream.indirect.scatter [tilespmem:s20], [sflag:$0x4], $0x1, s21, s8, $0xb8;
	[tilespmem:$0xC200] =	vst v63  }
0xc8: {  	_ =	swait.ge [sflag:s2], $0xC000  }
0xc9: {  	[sflag:s2] =	ssyncset.done $0x0  }
0xca: {  	s20 =	simm.s32 $0x2;
	[sflag:s2] =	ssyncadd.s32 $0xFFFF4000  }
0xcb: {  	_ =	swait.ge [sflag:s20], $0xC000  }
0xcc: {  	[sflag:s20] =	ssyncset.done $0x0  }
0xcd: {  	s8 =	simm.s32 $0x3;
	[sflag:s20] =	ssyncadd.s32 $0xFFFF4000  }
0xce: {  	p0 =	sne.s32 s18, $0x38;
	_ =	swait.ge [sflag:s8], $0x40  }
.Ltmp0:
0xcf: {  	[sflag:s8] =	ssyncset.done $0x0;
	(pc) =	sbr.rel @p0 .LBB2_2-.Ltmp0, $4  }
0xd0: {  	s21 =	simm.s32 $0x4;
	[sflag:s8] =	ssyncadd.s32 $0xFFFFFFC0  }
0xd1: {  	_ =	swait.ge [sflag:s21], $0x40  }
0xd2: {  	s18 =	sadd.s32 $0x8, s18;
	[sflag:s21] =	ssyncset.done $0x0  }
0xd3: {  	s17 =	sadd.s32 $0x1800, s17;
	s1 =	simm.s32 $0x200;
	[sflag:s21] =	ssyncadd.s32 $0xFFFFFFC0  }
0xd4: {  	s0 =	rddreg [dreg:$0xa]  }
0xd5: {  	s17 =	rddreg [dreg:$0x8];
	s0 =	sadd.s32 $0x1, s0  }
0xd6: {  	p0 =	sne.s32 s0, s17  }
.Ltmp1:
0xd7: {  	_ = 	snop;
	(pc) =	sbr.rel @p0 .LBB2_1-.Ltmp1, $1  }
0xd8: {  	_ =	sdelay $0x3  }
0xd9: {  	_ =	sfence.sel $0x180000  }
0xda: {  	[bflag:$0x0] =	sbarrier.arrive $0xFFFF  }
0xdb: {  	_ =	strace $0x9000004A  }
0xdc: {  	s0 =	stileid.u32;
	[bflag:$0x2] =	sbarrier.arrive $0xFFFF  }
0xdd: {  	p0 =	sne.s32 s0, $0x0;
	s0 =	rddreg [dreg:$0x3]  }
0xde: {  	s0 =	sadd.s32 @!p0 $0x100000, s0  }
0xdf: {  	[sflag:s0] =	ssyncadd.tile.s32 @!p0 $0x1;
	_ =	shalt  }
.Lfunc_end2:
_tile_overlayer_lowered:
.L_overlay_start_2:
0xe0: {  	(tag) =	ssettag $0x2  }
0xe1: {  	s0 =	rddreg [dreg:$0x0];
	s2 =	stileid.u32  }
0xe2: {  	s1 =	rddreg [dreg:$0x1];
	p0 =	sne.s32 s2, $0x0  }
0xe3: {  	s3 =	rddreg [dreg:$0x2];
	[bflag:$0x3] =	sbarrier.arrive $0xFFFF;
	s2 =	simm.s32 @!p0 $0x1C05  }
0xe4: {  	[timem:s3], [sflag:s2] =	dma.local @!p0 [hbm:s0], s1  }
0xe5: {  	s0 =	simm.s32 @!p0 $0x5  }
0xe6: {  	_ =	swait.ge @!p0 [sflag:s0], s1  }
0xe7: {  	s1 =	ssub.s32 @!p0 $0x0, s1;
	[sflag:s0] =	ssyncset.done @!p0 $0x0  }
0xe8: {  	[sflag:s0] =	ssyncadd.s32 @!p0 s1  }
0xe9: {  	[bflag:$0x3] =	sbarrier.arrive $0xFFFF  }
0xea: {  	_ =	shalt  }

// kernel: scatter_offload_async_start
scs
__scs_entry_jumppad:
0x0: {  	(pc) =	sbr.rel $0x88, $3  }
0x1: {  	(tag) =	ssettag $0x0;
	lr =	simm.s32 $0x1  }
0x2: {  	[smem:$0x3F9C] =	sst lr;
	_ =	strace $0xD0000000  }
0x3: {  	_ = 	snop  }
0x4: {  	_ = 	snop  }
0x5: {  	_ = 	snop  }
0x6: {  	_ = 	snop  }
0x7: {  	_ = 	snop  }
__scs_overlays_trampoline_lowered:
0x8: {  	[smem:$0x3FAB] =	sst s0  }
0x9: {  	[smem:$0x3FAC] =	sst s1  }
0xa: {  	[smem:$0x3FAD] =	sst s2  }
0xb: {  	[smem:$0x3FAE] =	sst s3  }
0xc: {  	[smem:$0x3FAF] =	sst s4  }
0xd: {  	[smem:$0x3FB0] =	sst s5  }
0xe: {  	[smem:$0x3FB1] =	sst s6  }
0xf: {  	[smem:$0x3FB2] =	sst s7  }
0x10: {  	[smem:$0x3FB3] =	sst s8  }
0x11: {  	[smem:$0x3FB4] =	sst s9;
	s0 =	simm.s32 @!p0 $0x0  }
0x12: {  	s1 =	sld [smem:$0x3F9A];
	s0 =	simm.s32 @p0 $0x1  }
0x13: {  	[smem:$0x3FB5] =	sst s0;
	s0 =	simm.s32 @!p1 $0x0  }
0x14: {  	s2 =	sld [smem:$0x3F99];
	s0 =	simm.s32 @p1 $0x1  }
0x15: {  	[smem:$0x3FB6] =	sst s0;
	s0 =	simm.s32 @!p2 $0x0  }
0x16: {  	s3 =	sld [smem:$0x3FDB];
	s0 =	simm.s32 @p2 $0x1  }
0x17: {  	s4 =	simm.s32 $0x1BF5;
	[smem:$0x3FB8] =	sst s0  }
0x18: {  	s0 =	sld [smem:$0x3F9B];
	_ =	swait.ge [sflag:s4], $0x0  }
0x19: {  	s7 =	sld [smem:$0x3F9C]  }
0x1a: {  	s8 =	sadd.s32 $0xFFFFE003, lr  }
0x1b: {  	s9 =	sadd.s32 $0xFFFFFEF7, lr;
	s5 =	simm.s32 $0xFFFFFFFF;
	p2 =	slt.u32 s8, $0xFFFFF086  }
0x1c: {  	p1 =	slt.u32 s9, $0xF7A;
	s5 =	simm.s32 @!p2 $0x0  }
0x1d: {  	s5 =	simm.s32 @p1 $0x1;
	p0 =	seq.s32 s7, s2  }
0x1e: {  	s7 =	smul.u32 @!p0 $0xF7A, s2;
	p2 =	seq.s32 @!p0 s5, $0x0  }
0x1f: {  	s9 =	smul.u32 $0xF7A, s1;
	s8 =	simm.s32 @!p0 $0x1BF5;
	p2 =	por !p2, p0  }
0x20: {  	[sflag:s8] =	ssyncset.s32 @!p0 $0xFFFFF086;
	s6 =	sadd.s32 @!p0 s3, s7;
	s7 =	simm.s32 @!p0 $0x108  }
0x21: {  	s3 =	sadd.s32 s3, s9;
	s6 =	sadd.s32 @!p0 $0x88, s6;
	s7 =	simm.s32 @p2 $0x1082  }
0x22: {  	[simem:s7], [sflag:s8] =	dma.local @!p0 [hbm:s6], $0xF7A  }
0x23: {  	s9 =	sor.u32 $0xD0000000, s2;
	s6 =	simm.s32 $0x108;
	_ =	swait.ge @!p0 [sflag:s8], $0x0  }
0x24: {  	s3 =	sadd.s32 $0x88, s3;
	s6 =	simm.s32 @!p1 $0x1082;
	[sflag:s4] =	ssyncset.s32 $0xFFFFF086  }
0x25: {  	[simem:s6], [sflag:s4] =	dma.local [hbm:s3], $0xF7A  }
0x26: {  	[smem:$0x3F9C] =	sst s1;
	(tag) =	ssettag s2;
	_ =	strace s9  }
0x27: {  	s1 =	sld [smem:$0x3FAC]  }
0x28: {  	s2 =	sld [smem:$0x3FAD]  }
0x29: {  	s4 =	sld [smem:$0x3FAF]  }
0x2a: {  	p0 =	seq.s32 s5, $0x0;
	s5 =	sld [smem:$0x3FB0]  }
0x2b: {  	s6 =	sld [smem:$0x3FB1]  }
0x2c: {  	s7 =	sld [smem:$0x3FB2]  }
0x2d: {  	s3 =	simm.s32 $0x108;
	s8 =	sld [smem:$0x3FB3]  }
0x2e: {  	s3 =	simm.s32 @!p0 $0x1082;
	s9 =	sld [smem:$0x3FB4]  }
0x2f: {  	lr =	sadd.s32 s0, s3;
	s0 =	sld [smem:$0x3FAB]  }
0x30: {  	s3 =	sld [smem:$0x3FAE]  }
0x31: {  	[smem:$0x3FB7] =	sst s10  }
0x32: {  	s10 =	sld [smem:$0x3FB5];
	_ =	sdelay $0x3  }
0x33: {  	p0 =	seq.s32 s10, $0x1;
	s10 =	sld [smem:$0x3FB7];
	_ =	sdelay $0x3  }
0x34: {  	[smem:$0x3FB7] =	sst s10  }
0x35: {  	s10 =	sld [smem:$0x3FB6];
	_ =	sdelay $0x3  }
0x36: {  	p1 =	seq.s32 s10, $0x1;
	s10 =	sld [smem:$0x3FB7];
	_ =	sdelay $0x3  }
0x37: {  	[smem:$0x3FB7] =	sst s10  }
0x38: {  	s10 =	sld [smem:$0x3FB8]  }
0x39: {  	_ = 	snop;
	(pc) =	sbr.ind lr, $3  }
0x3a: {  	_ = 	snop  }
0x3b: {  	_ = 	snop  }
0x3c: {  	p2 =	seq.s32 s10, $0x1;
	s10 =	sld [smem:$0x3FB7]  }
0x3d: {  	_ =	shalt  }
0x3e: {  	_ =	shalt  }
0x3f: {  	_ =	shalt  }
0x40: {  	_ =	shalt  }
0x41: {  	_ =	shalt  }
0x42: {  	_ =	shalt  }
0x43: {  	_ =	shalt  }
0x44: {  	_ =	shalt  }
0x45: {  	_ =	shalt  }
0x46: {  	_ =	shalt  }
0x47: {  	_ =	shalt  }
0x48: {  	_ =	shalt  }
0x49: {  	_ =	shalt  }
0x4a: {  	_ =	shalt  }
0x4b: {  	_ =	shalt  }
0x4c: {  	_ =	shalt  }
0x4d: {  	_ =	shalt  }
0x4e: {  	_ =	shalt  }
0x4f: {  	_ =	shalt  }
0x50: {  	_ =	shalt  }
0x51: {  	_ =	shalt  }
0x52: {  	_ =	shalt  }
0x53: {  	_ =	shalt  }
0x54: {  	_ =	shalt  }
0x55: {  	_ =	shalt  }
0x56: {  	_ =	shalt  }
0x57: {  	_ =	shalt  }
0x58: {  	_ =	shalt  }
0x59: {  	_ =	shalt  }
0x5a: {  	_ =	shalt  }
0x5b: {  	_ =	shalt  }
0x5c: {  	_ =	shalt  }
0x5d: {  	_ =	shalt  }
0x5e: {  	_ =	shalt  }
0x5f: {  	_ =	shalt  }
0x60: {  	_ =	shalt  }
0x61: {  	_ =	shalt  }
0x62: {  	_ =	shalt  }
0x63: {  	_ =	shalt  }
0x64: {  	_ =	shalt  }
0x65: {  	_ =	shalt  }
0x66: {  	_ =	shalt  }
0x67: {  	_ =	shalt  }
0x68: {  	_ =	shalt  }
0x69: {  	_ =	shalt  }
0x6a: {  	_ =	shalt  }
0x6b: {  	_ =	shalt  }
0x6c: {  	_ =	shalt  }
0x6d: {  	_ =	shalt  }
0x6e: {  	_ =	shalt  }
0x6f: {  	_ =	shalt  }
0x70: {  	_ =	shalt  }
0x71: {  	_ =	shalt  }
0x72: {  	_ =	shalt  }
0x73: {  	_ =	shalt  }
0x74: {  	_ =	shalt  }
0x75: {  	_ =	shalt  }
0x76: {  	_ =	shalt  }
0x77: {  	_ =	shalt  }
0x78: {  	_ =	shalt  }
0x79: {  	_ =	shalt  }
0x7a: {  	_ =	shalt  }
0x7b: {  	_ =	shalt  }
0x7c: {  	_ =	shalt  }
0x7d: {  	_ =	shalt  }
0x7e: {  	_ =	shalt  }
0x7f: {  	_ =	shalt  }
0x80: {  	_ =	shalt  }
0x81: {  	_ =	shalt  }
0x82: {  	_ =	shalt  }
0x83: {  	_ =	shalt  }
0x84: {  	_ =	shalt  }
0x85: {  	_ =	shalt  }
0x86: {  	_ =	shalt  }
0x87: {  	_ =	shalt  }
.Lfunc_end0:
.L_simem_size_0:
called_computation_lowered:
.L_overlay_start_0:
0x88: {  	s0 =	sld [smem:$0x3FD9]  }
0x89: {  	s1 =	sld [smem:$0x3FFE];
	_ =	sdelay $0x3  }
0x8a: {  	s0 =	sadd.s32 s1, s0  }
0x8b: {  	[smem:$0x3FC3] =	sst s0  }
0x8c: {  	_ = 	snop  }
0x8d: {  	s0 =	sld [smem:$0x3FD0];
	_ =	sdelay $0x2  }
0x8e: {  	s13 =	simm.s32 $0xA;
	s2 =	simm.s32 $0x10  }
0x8f: {  	[smem:s2], [sflag:s13] =	dma.local [hbm:s0], $0x1  }
0x90: {  	_ =	swait.eq [sflag:s13], $0x1  }
0x91: {  	[sflag:s13] =	ssyncset.done $0x0  }
0x92: {  	[sflag:s13] =	ssyncadd.s32 $0xFFFFFFFF  }
0x93: {  	s14 =	sld [smem:$0x11];
	(tm) =	ssettm $0x1  }
0x94: {  	s15 =	sld [smem:$0x3FFB];
	_ =	sdelay $0x3  }
0x95: {  	_ =	strace s15  }
0x96: {  	s1 =	sld [smem:$0x3FFC];
	_ =	sdelay $0x3  }
0x97: {  	_ =	strace s1  }
0x98: {  	s1 =	sld [smem:$0x3FFD];
	_ =	sdelay $0x3  }
0x99: {  	_ =	strace s1  }
0x9a: {  	_ =	strace $0x8FFFFFFF  }
0x9b: {  	s16 =	sld [smem:$0x3FDB];
	_ =	sdelay $0x1  }
0x9c: {  	s17 =	simm.s32 $_scs_section_size  }
0x9d: {  	s3 =	simm.s32 $_size__tile_overlayer_lowered;
	s4 =	simm.s32 $_tile_overlayer_lowered  }
0x9e: {  	s20 =	simm.s32 $0x1BFF;
	s19 =	sshll.u32 s4, $0x1;
	s1 =	sadd.s32 s17, s16  }
0x9f: {  	s5 =	simm.s32 $0x0;
	s18 =	sshll.u32 s3, $0x1;
	s3 =	sadd.s32 s19, s1  }
0xa0: {  	[timem:s5], [sflag:s20] =	dma.local [hbm:s3], s18  }
0xa1: {  	_ =	swait.ge [sflag:s20], s18  }
0xa2: {  	s2 =	ssub.s32 $0x0, s18;
	[sflag:s20] =	ssyncset.done $0x0  }
0xa3: {  	[sflag:s20] =	ssyncadd.s32 s2;
	_ =	sdelay $0x1  }
0xa4: {  	s21 =	simm.s32 $0x1B8B  }
0xa5: {  	_ =	swait.ge [sflag:s21], $0x1  }
0xa6: {  	[sflag:s21] =	ssyncset.done $0x0  }
0xa7: {  	s23 =	simm.s32 $0x1B8E;
	s22 =	sld [smem:$0x3FFE];
	[sflag:s21] =	ssyncadd.s32 $0xFFFFFFFF  }
0xa8: {  	s24 =	simm.s32 $execute0_lowered;
	[smem:$0x3FD2] =	sst s23  }
0xa9: {  	s3 =	sshll.u32 s24, $0x1;
	_ =	strace $0x80000046;
	[dreg:$0x1] =	wrdreg $0xFFFFFFFF  }
0xaa: {  	s25 =	simm.s32 $_size_execute0_lowered;
	s1 =	sadd.s32 s1, s3;
	[dreg:$0x0] =	wrdreg $0x0  }
0xab: {  	s3 =	sshll.u32 s25, $0x1;
	[dreg:$0x2] =	wrdreg s1  }
0xac: {  	[dreg:$0x3] =	wrdreg s3  }
0xad: {  	[dreg:$0x4] =	wrdreg $0xC0  }
0xae: {  	_ =	task [dreg:s5], $0x5FFFF  }
0xaf: {  	[dreg:$0x1] =	wrdreg $0xFFFFFFFF  }
0xb0: {  	[dreg:$0x0] =	wrdreg $0x60  }
0xb1: {  	[dreg:$0x2] =	wrdreg s22  }
0xb2: {  	[dreg:$0x3] =	wrdreg s14  }
0xb3: {  	[dreg:$0x4] =	wrdreg $0x9  }
0xb4: {  	_ =	task.clear_ibuf [dreg:s5], $0x5FFFF;
	_ =	strace $0x90000046  }
0xb5: {  	s26 =	simm.s32 $0x9;
	_ =	strace $0x80000048  }
0xb6: {  	_ =	swait.ge [sflag:s26], $0x1  }
0xb7: {  	[sflag:s26] =	ssyncadd.s32 $0xFFFFFFFF  }
0xb8: {  	_ =	strace $0x90000048  }
0xb9: {  	_ =	sfence  }
0xba: {  	s28 =	sld [smem:$0x0];
	_ =	sdelay $0x1  }
0xbb: {  	s29 =	srdreg.scid  }
0xbc: {  	s30 =	sshll.u32 s29, $0xD;
	s31 =	sshrl.u32 s29, $0x2  }
0xbd: {  	s2 =	sand.u32 $0x4000, s30;
	s1 =	sand.u32 $0x1, s29;
	s0 =	sadd.s32 s31, s28  }
0xbe: {  	s1 =	sor.u32 s2, s1;
	s0 =	sshll.u32 s0, $0x11  }
0xbf: {  	s0 =	sor.u32 s0, s1  }
0xc0: {  	s0 =	sadd.s32 $0x8F2B, s0  }
0xc1: {  	[sflag:s0] =	ssyncadd.remote.s32 $0x1  }
0xc2: {  	_ =	sfence.sel $0xFFFF  }
0xc3: {  	[dreg:$0x0] =	wrdreg $0xFFFFFFFF;
	(pc) =	sbr.abs _section_cstart, $3  }
0xc4: {  	[dreg:$0x1] =	wrdreg $0xFFFFFFFF  }
0xc5: {  	_ =	task.clear_ibuf [dreg:s5], $0x2FFFF;
	_ =	strace $0x9FFFFFFF  }
0xc6: {  	(tm) =	ssettm $0x7FFFFFFF  }
0xc7: {  	_ =	shalt  }
tec
execute0_lowered:
.L_overlay_start_1:
0x0: {  	(tag) =	ssettag $0x1  }
0x1: {  	s2 =	rddreg [dreg:$0x0]  }
0x2: {  	s3 =	rddreg [dreg:$0x1]  }
0x3: {  	s0 =	rddreg [dreg:$0x2];
	_ =	strace $0x80000047;
	s4 =	stileid.u32  }
0x4: {  	s5 =	simm.s32 $0x3E;
	s1 =	sadd.s32 $0x80000, s2;
	p0 =	sne.s32 s4, $0x0  }
0x5: {  	[sflag:s5] =	ssyncpa.u1 $0x0;
	s6 =	simm.s32 @!p0 $0x1C3E;
	s7 =	simm.s32 @!p0 $0x0  }
0x6: {  	[spmem:s7], [sflag:s6] =	dma.local @!p0 [hbm:s1], $0x10  }
0x7: {  	s6 =	simm.s32 @!p0 $0x3E  }
0x8: {  	_ =	swait.ge @!p0 [sflag:s6], $0x10  }
0x9: {  	[sflag:s6] =	ssyncset.done @!p0 $0x0  }
0xa: {  	[sflag:s6] =	ssyncadd.s32 @!p0 $0xFFFFFFF0  }
0xb: {  	s28 =	simm.s32 $0x1;
	s29 =	simm.s32 $0x2;
	[bflag:$0x0] =	sbarrier.arrive $0xFFFF  }
0xc: {  	s31 =	simm.s32 $0x808;
	s30 =	sadd.s32 $0x80200, s2;
	[sflag:s5] =	ssyncpa.u1 $0x1  }
0xd: {  	s4 =	sshll.u32 s4, $0x8;
	s2 =	simm.s32 $0x0;
	[sflag:s28] =	ssyncpa.u1 $0x0  }
0xe: {  	s3 =	sadd.s32 s3, s4;
	(ifvalue) =	ssetifvalue $0x80;
	[sflag:s29] =	ssyncpa.u1 $0x0  }
0xf: {  	[tilespmem:s31], [sflag:$0x2] =	stream.linear.gather [hbm4b:s3+s2], $0x800, $0x38;
	[tilespmem:$0x2008] =	vst v63  }
0x10: {  	s4 =	sadd.s32 s30, s4;
	s3 =	simm.s32 $0x1808  }
0x11: {  	[tilespmem:s3], [sflag:$0x2] =	stream.linear.gather [hbm4b:s4+s2], $0x800, $0x38;
	[tilespmem:$0x2008] =	vst v63  }
0x12: {  	_ =	swait.ge [sflag:s29], $0x1000  }
0x13: {  	[sflag:s29] =	ssyncset.done $0x0  }
0x14: {  	[sflag:s29] =	ssyncadd.s32 $0xFFFFF000  }
0x15: {  	v0 =	vld.msk [tilespmem:s31+$0x0 ss:$0x1], $0xffff;
	_ =	sdelay $0x4  }
0x16: {  	v0 =	vmin.u32 v0, $0x80;
	_ =	sdelay $0x3  }
0x17: {  	vm0 =	vmmov $0xffff;
	s5 =	simm.s32 $0x818;
	s4 =	simm.s32 $0x0  }
0x18: {  	[spmem:s2] =	stream.indirect_vreg.scatter.add.s32 [tilespmem:s3], [sflag:$0x1], $0x1, v0, vm0, $0x4038;
	[tilespmem:$0x2008] =	vst v63  }
.LBB2_1:
0x19: {  	v0 =	vld.msk [tilespmem:s5+$0x0 ss:$0x1], $0xffff;
	s4 =	sadd.s32 $0x10, s4  }
0x1a: {  	p1 =	slt.u32 s4, $0x7F0;
	_ =	sdelay $0x4  }
0x1b: {  	v0 =	vmin.u32 v0, $0x80  }
.Ltmp0:
0x1c: {  	(pc) =	sbr.rel @p1 .LBB2_1-.Ltmp0, $3  }
0x1d: {  	_ =	sdelay $0x1  }
0x1e: {  	s5 =	sadd.s32 $0x10, s5;
	s3 =	sadd.s32 $0x10, s3  }
0x1f: {  	[spmem:s2] =	stream.indirect_vreg.scatter.add.s32 [tilespmem:s3], [sflag:$0x1], $0x1, v0, vm0, $0x4038;
	[tilespmem:$0x2008] =	vst v63  }
0x20: {  	s2 =	simm.s32 $0x1  }
0x21: {  	_ =	swait.ge [sflag:s2], $0x800  }
0x22: {  	[sflag:s2] =	ssyncset.done $0x0  }
0x23: {  	[sflag:s2] =	ssyncadd.s32 $0xFFFFF800  }
0x24: {  	_ =	sfence.sel $0x180000  }
0x25: {  	s3 =	simm.s32 $0x2;
	[bflag:$0x0] =	sbarrier.arrive $0xFFFF  }
0x26: {  	[sflag:s3] =	ssyncpa.u1 $0x1  }
0x27: {  	[sflag:s2] =	ssyncpa.u1 $0x1  }
0x28: {  	_ =	sfence.stream.spmem  }
0x29: {  	s31 =	simm.s32 $0x3D;
	[bflag:$0x0] =	sbarrier.arrive $0xFFFF  }
0x2a: {  	s2 =	simm.s32 @p0 $0x3D;
	[sflag:s31] =	ssyncpa.u1 $0x0  }
0x2b: {  	[sflag:s2] =	ssyncpa.u1 @p0 $0x1  }
0x2c: {  	[bflag:$0x0] =	sbarrier.arrive @p0 $0xFFFF  }
0x2d: {  	_ =	strace @p0 $0x90000047  }
0x2e: {  	s3 =	simm.s32 @!p0 $0x1C3D;
	s2 =	simm.s32 @!p0 $0x0;
	[bflag:$0x2] =	sbarrier.arrive @p0 $0xFFFF  }
0x2f: {  	[hbm:s1], [sflag:s3] =	dma.local @!p0 [spmem:s2], $0x10  }
0x30: {  	s1 =	simm.s32 @!p0 $0x3D  }
0x31: {  	_ =	swait.ge @!p0 [sflag:s1], $0x10  }
0x32: {  	[sflag:s1] =	ssyncset.done @!p0 $0x0  }
0x33: {  	[sflag:s1] =	ssyncadd.s32 @!p0 $0xFFFFFFF0  }
0x34: {  	[sflag:s1] =	ssyncpa.u1 @!p0 $0x1  }
0x35: {  	[bflag:$0x0] =	sbarrier.arrive @!p0 $0xFFFF  }
0x36: {  	_ =	strace @!p0 $0x90000047  }
0x37: {  	s0 =	sadd.s32 @!p0 $0x100000, s0;
	[bflag:$0x2] =	sbarrier.arrive @!p0 $0xFFFF  }
0x38: {  	[sflag:s0] =	ssyncadd.tile.s32 @!p0 $0x1;
	_ =	shalt  }
.Lfunc_end2:
_tile_overlayer_lowered:
.L_overlay_start_2:
0x39: {  	(tag) =	ssettag $0x2  }
0x3a: {  	s0 =	rddreg [dreg:$0x0];
	s2 =	stileid.u32  }
0x3b: {  	s1 =	rddreg [dreg:$0x1];
	p0 =	sne.s32 s2, $0x0  }
0x3c: {  	s3 =	rddreg [dreg:$0x2];
	[bflag:$0x3] =	sbarrier.arrive $0xFFFF;
	s2 =	simm.s32 @!p0 $0x1C01  }
0x3d: {  	[timem:s3], [sflag:s2] =	dma.local @!p0 [hbm:s0], s1  }
0x3e: {  	s0 =	simm.s32 @!p0 $0x1  }
0x3f: {  	_ =	swait.ge @!p0 [sflag:s0], s1  }
0x40: {  	s1 =	ssub.s32 @!p0 $0x0, s1;
	[sflag:s0] =	ssyncset.done @!p0 $0x0  }
0x41: {  	[sflag:s0] =	ssyncadd.s32 @!p0 s1  }
0x42: {  	[bflag:$0x3] =	sbarrier.arrive $0xFFFF  }
0x43: {  	_ =	shalt  }

</sc_bundles>
